<compile_context>
chip_gen: v7x
topology: tpu7x:2x2x1
jax: 0.10.2.dev20260603
libtpu: 0.0.44.dev20260713+nightly
codegen_flags: <defaults>
</compile_context>

<pallas_src>
import functools

from functools import partial

import jax
import jax.numpy as jnp
from jax import lax
from jax.experimental import pallas as pl
from jax.experimental.pallas import tpu as pltpu
from jax.experimental.pallas import tpu_sc as plsc

N = 10000
E = 320000
D = 128
NC = 2
NS = 16
NW = NC * NS
EPW = E // NW
C = 125
K = EPW // C
NP = 10240
NPT = NP // NS

@functools.cache
def _sc_kernels():
    mesh = plsc.VectorSubcoreMesh(core_axis_name="c", subcore_axis_name="s",
                                  num_cores=NC, num_subcores=NS)

    @functools.partial(
        pl.kernel,
        out_type=jax.ShapeDtypeStruct((NC, 2, NP, 16), jnp.float32),
        mesh=mesh,
        compiler_params=pltpu.CompilerParams(use_tc_tiling_on_sc=False),
        scratch_types=[
            pltpu.VMEM((K, C), jnp.int32),
            pltpu.VMEM((K, C), jnp.int32),
            pltpu.VMEM((C, 16), jnp.float32),
            pltpu.VMEM_SHARED((NP, 16), jnp.float32),
        ],
    )
    def sc_degrees(src_hbm, dst_hbm, basis_hbm, zero_hbm, out_hbm,
                   idx_s, idx_d, b_v, acc):
        c = lax.axis_index("c")
        s = lax.axis_index("s")
        wid = c * NS + s
        pltpu.sync_copy(src_hbm.at[wid], idx_s)
        pltpu.sync_copy(dst_hbm.at[wid], idx_d)
        pltpu.sync_copy(basis_hbm, b_v)
        for half, idx in ((0, idx_s), (1, idx_d)):
            pltpu.sync_copy(zero_hbm, acc.at[pl.ds(s * NPT, NPT)])
            plsc.subcore_barrier()

            def body(j, _):
                pltpu.sync_copy(b_v, acc.at[idx.at[j]], add=True)
                return ()

            lax.fori_loop(0, K, body, ())
            plsc.subcore_barrier()
            pltpu.sync_copy(acc.at[pl.ds(s * NPT, NPT)],
                            out_hbm.at[c, half].at[pl.ds(s * NPT, NPT)])
            plsc.subcore_barrier()

    KH = K // 2
    @functools.partial(
        pl.kernel,
        out_type=jax.ShapeDtypeStruct((NC, NP, D), jnp.float32),
        mesh=mesh,
        scratch_types=[
            pltpu.VMEM((KH, C), jnp.int32),
            pltpu.VMEM((KH, C), jnp.int32),
            pltpu.VMEM((C, D), jnp.float32),
            pltpu.VMEM((C, D), jnp.float32),
            pltpu.VMEM_SHARED((NP, D), jnp.float32),
            pltpu.SemaphoreType.DMA,
            pltpu.SemaphoreType.DMA,
            pltpu.SemaphoreType.DMA,
        ],
    )
    def sc_aggregate(x_hbm, src_hbm, dst_hbm, zero_hbm, out_hbm,
                     idx_s, idx_d, rows0, rows1, acc, sem0, sem1, semz):
        c = lax.axis_index("c")
        s = lax.axis_index("s")
        wid = c * NS + s
        zcp = pltpu.async_copy(zero_hbm, acc.at[pl.ds(s * NPT, NPT)], semz)

        for half in range(2):
            pltpu.sync_copy(src_hbm.at[wid].at[pl.ds(half * KH, KH)], idx_s)
            pltpu.sync_copy(dst_hbm.at[wid].at[pl.ds(half * KH, KH)], idx_d)
            pltpu.async_copy(x_hbm.at[idx_s.at[0]], rows0, sem0)
            if half == 0:
                zcp.wait()
                plsc.subcore_barrier()

            def body(jj, _):
                j = jj * 2
                pltpu.async_copy(x_hbm.at[idx_s.at[j + 1]], rows1, sem1)
                pltpu.make_async_copy(x_hbm.at[idx_s.at[j]], rows0,
                                      sem0).wait()
                pltpu.sync_copy(rows0, acc.at[idx_d.at[j]], add=True)

                @pl.when(jj + 1 < KH // 2)
                def _():
                    pltpu.async_copy(x_hbm.at[idx_s.at[j + 2]], rows0, sem0)

                pltpu.make_async_copy(x_hbm.at[idx_s.at[j + 1]], rows1,
                                      sem1).wait()
                pltpu.sync_copy(rows1, acc.at[idx_d.at[j + 1]], add=True)
                return ()

            lax.fori_loop(0, KH // 2, body, ())

        plsc.subcore_barrier()
        pltpu.sync_copy(acc.at[pl.ds(s * NPT, NPT)],
                        out_hbm.at[c].at[pl.ds(s * NPT, NPT)])

    return sc_degrees, sc_aggregate


_RB = 2000



def _split_hi(x):
    xi = lax.bitcast_convert_type(x, jnp.uint32)
    return lax.bitcast_convert_type(xi & jnp.uint32(0xFFFF0000), jnp.float32)


def _dot3(a, b):
    ah = _split_hi(a)
    al = a - ah
    bh = _split_hi(b)
    bl = b - bh
    d = functools.partial(jnp.dot, preferred_element_type=jnp.float32)
    return d(ah, bh) + (d(ah, bl) + d(al, bh))


def _norms_body(dpart_ref, h_ref, nsrc_ref, ndst_ref, x1s_ref):
    d = dpart_ref[0] + dpart_ref[1]
    deg_out = jnp.clip(d[0, :, 0:1], 1.0, None)
    deg_in = jnp.clip(d[1, :, 0:1], 1.0, None)
    def refined_rsqrt(x):
        y = lax.rsqrt(x)
        y = y * (1.5 - 0.5 * x * y * y)
        return y * (1.5 - 0.5 * x * y * y)

    nsrc = refined_rsqrt(deg_out)
    ndst = refined_rsqrt(deg_in)
    ones = jnp.ones((1, D), jnp.float32)
    nsrc_ref[...] = nsrc * ones
    ndst_ref[...] = ndst * ones
    x1s_ref[...] = h_ref[...] * nsrc


def _tc_norms(dpart, h):
    return pl.pallas_call(
        _norms_body,
        out_shape=[
            jax.ShapeDtypeStruct((N, D), jnp.float32),
            jax.ShapeDtypeStruct((N, D), jnp.float32),
            jax.ShapeDtypeStruct((N, D), jnp.float32),
        ],
    )(dpart, h)


def _layer_body(p_ref, ndst_ref, w_ref, b_ref, nsrc_ref, out_ref):
    agg = (p_ref[0] + p_ref[1]) * ndst_ref[...]
    y = _dot3(agg, w_ref[...])
    y = jnp.maximum(y + b_ref[...], 0.0)
    out_ref[...] = y * nsrc_ref[...]


def _tc_layer(p, ndst, w, b, nsrc):
    grid = N // _RB
    return pl.pallas_call(
        _layer_body,
        grid=(grid,),
        in_specs=[
            pl.BlockSpec((NC, _RB, D), lambda i: (0, i, 0)),
            pl.BlockSpec((_RB, D), lambda i: (i, 0)),
            pl.BlockSpec((D, D), lambda i: (0, 0)),
            pl.BlockSpec((1, D), lambda i: (0, 0)),
            pl.BlockSpec((_RB, D), lambda i: (i, 0)),
        ],
        out_specs=pl.BlockSpec((_RB, D), lambda i: (i, 0)),
        out_shape=jax.ShapeDtypeStruct((N, D), jnp.float32),
    )(p, ndst, w, b.reshape(1, D), nsrc)


def _head_body(p_ref, ndst_ref, w3_ref, b3_ref, aw1_ref, ab1_ref, aw2_ref,
               ab2_ref, cw1_ref, cb1_ref, cw2_ref, cb2_ref,
               out_ref, att_ref):
    agg = (p_ref[0, :N] + p_ref[1, :N]) * ndst_ref[...]
    y = _dot3(agg, w3_ref[...])
    y = jnp.maximum(y + b3_ref[...], 0.0)
    hg = jnp.sum(y, axis=0, keepdims=True) * (1.0 / N)
    u = _dot3(y, aw1_ref[...]) + ab1_ref[...]
    t = 1.0 - 2.0 / (jnp.exp(2.0 * u) + 1.0)
    att_ref[...] = (jnp.sum(t * aw2_ref[...], axis=1, keepdims=True)
                    + ab2_ref[0, 0])
    z = jnp.maximum(_dot3(hg, cw1_ref[...]) + cb1_ref[...], 0.0)
    out_ref[...] = _dot3(z, cw2_ref[...]) + cb2_ref[...]


def _tc_head(p, ndst, w3, b3, aw1, ab1, aw2, ab2, cw1, cb1, cw2, cb2):
    return pl.pallas_call(
        _head_body,
        out_shape=[
            jax.ShapeDtypeStruct((1, 2), jnp.float32),
            jax.ShapeDtypeStruct((N, 1), jnp.float32),
        ],
    )(p, ndst, w3, b3.reshape(1, D), aw1, ab1.reshape(1, D),
      aw2.reshape(1, D), ab2.reshape(1, 1), cw1, cb1.reshape(1, D),
      cw2, cb2.reshape(1, 2))


def kernel(h, edge_index, W1, b1, W2, b2, W3, b3, attW1, attb1, attW2, attb2,
           clsW1, clsb1, clsW2, clsb2):
    src = edge_index[0].astype(jnp.int32).reshape(NW, K, C)
    dst = edge_index[1].astype(jnp.int32).reshape(NW, K, C)
    basis16 = jnp.zeros((C, 16), jnp.float32).at[:, 0].set(1.0)
    zero16 = jnp.zeros((NPT, 16), jnp.float32)
    zeroD = jnp.zeros((NPT, D), jnp.float32)

    sc_degrees, sc_aggregate = _sc_kernels()
    dpart = sc_degrees(src, dst, basis16, zero16)[:, :, :N]
    nsrc, ndst, x1s = _tc_norms(dpart, h)

    p1 = sc_aggregate(x1s, src, dst, zeroD)
    x2s = _tc_layer(p1, ndst, W1, b1, nsrc)
    p2 = sc_aggregate(x2s, src, dst, zeroD)
    x3s = _tc_layer(p2, ndst, W2, b2, nsrc)
    p3 = sc_aggregate(x3s, src, dst, zeroD)

    out, A = _tc_head(p3, ndst, W3, b3, attW1, attb1, attW2, attb2,
                      clsW1, clsb1, clsW2, clsb2)
    return (out, A)

# --- scband reference (transcript-rebuilt; emitter-appended) ---
"""Pipeline reference for scband-grasp-10264971837873 (READ-ONLY COPY).

The authoritative reference and input builder live on the scoring server;
editing this copy changes nothing except your own understanding.
"""

import jax, jax.numpy as jnp
import numpy as np

N_NODES = 10000
N_EDGES = 320000
IN_DIM = 128
H1 = 128
H2 = 128
N_CLASSES = 2


def setup_inputs(seed: int = 0) -> dict:
    key = jax.random.key(seed)
    ks = jax.random.split(key, 20)
    h = jax.random.normal(ks[0], (N_NODES, IN_DIM), dtype=jnp.float32)
    edge_index = jax.random.randint(ks[1], (2, N_EDGES), 0, N_NODES, dtype=jnp.int64)
    def w(k, shape):
        return jax.random.normal(k, shape, dtype=jnp.float32) * 0.05
    return {
        "h": h,
        "edge_index": edge_index,
        "W1": w(ks[2], (IN_DIM, H1)), "b1": jnp.zeros((H1,), jnp.float32),
        "W2": w(ks[3], (H1, H1)), "b2": jnp.zeros((H1,), jnp.float32),
        "W3": w(ks[4], (H1, H2)), "b3": jnp.zeros((H2,), jnp.float32),
        "attW1": w(ks[5], (H2, H2)), "attb1": jnp.zeros((H2,), jnp.float32),
        "attW2": w(ks[6], (H2, 1)), "attb2": jnp.zeros((1,), jnp.float32),
        "clsW1": w(ks[7], (H2, H2)), "clsb1": jnp.zeros((H2,), jnp.float32),
        "clsW2": w(ks[8], (H2, N_CLASSES)), "clsb2": jnp.zeros((N_CLASSES,), jnp.float32),
    }


def _gcn_layer(x, W, b, src, dst, norm_src, norm_dst, n):
    # DGL GraphConv, norm='both': D_out^{-1/2} A^T D_in^{-1/2} X W + b (math-equivalent ordering)
    x = x * norm_src[:, None]
    m = x[src]
    agg = jax.ops.segment_sum(m, dst, num_segments=n)
    agg = agg * norm_dst[:, None]
    return agg @ W + b


def reference(h, edge_index, W1, b1, W2, b2, W3, b3, attW1, attb1, attW2, attb2, clsW1, clsb1, clsW2, clsb2):
    n = h.shape[0]
    src = edge_index[0]
    dst = edge_index[1]
    deg_out = jnp.clip(jnp.bincount(src, length=n), 1, None).astype(jnp.float32)
    deg_in = jnp.clip(jnp.bincount(dst, length=n), 1, None).astype(jnp.float32)
    norm_src = deg_out ** -0.5
    norm_dst = deg_in ** -0.5
    x = jax.nn.relu(_gcn_layer(h, W1, b1, src, dst, norm_src, norm_dst, n))
    x = jax.nn.relu(_gcn_layer(x, W2, b2, src, dst, norm_src, norm_dst, n))
    x = jax.nn.relu(_gcn_layer(x, W3, b3, src, dst, norm_src, norm_dst, n))
    # single (unbatched) graph: batch_size = 1, mean over all nodes
    hg = jnp.mean(x, axis=0, keepdims=True)
    A = jnp.tanh(x @ attW1 + attb1) @ attW2 + attb2
    out = (jax.nn.relu(hg @ clsW1 + clsb1) @ clsW2 + clsb2).reshape((1, N_CLASSES))
    return (out, A)

if __name__ == "__main__":
    import jax
    _d = setup_inputs()
    print(jax.jit(kernel)(*tuple(_d.values())))

</pallas_src>

<mosaic_0001>
#map = affine_map<(d0, d1) -> (0, 0)>
#map1 = affine_map<(d0, d1) -> (0, 0, 0)>
module attributes {stable_mosaic.version = 14 : i64} {
  func.func @sc_aggregate(%arg0: i32, %arg1: i32, %arg2: memref<10000x128xf32, #tpu.memory_space<hbm>>, %arg3: memref<32x80x125xi32, #tpu.memory_space<hbm>>, %arg4: memref<32x80x125xi32, #tpu.memory_space<hbm>>, %arg5: memref<640x128xf32, #tpu.memory_space<hbm>>, %arg6: memref<2x10240x128xf32, #tpu.memory_space<hbm>>, %arg7: memref<40x125xi32, #tpu.memory_space<vmem>>, %arg8: memref<40x125xi32, #tpu.memory_space<vmem>>, %arg9: memref<125x128xf32, #tpu.memory_space<vmem>>, %arg10: memref<125x128xf32, #tpu.memory_space<vmem>>, %arg11: memref<10240x128xf32, #tpu.memory_space<vmem_shared>>, %arg12: memref<!tpu.dma_semaphore, #tpu.memory_space<semaphore_mem>>, %arg13: memref<!tpu.dma_semaphore, #tpu.memory_space<semaphore_mem>>, %arg14: memref<!tpu.dma_semaphore, #tpu.memory_space<semaphore_mem>>) attributes {dimension_semantics = [#tpu.dimension_semantics<core_parallel>, #tpu.dimension_semantics<subcore_parallel>], iteration_bounds = array<i64: 2, 16>, scalar_prefetch = 0 : i64, scratch_operands = 8 : i64, tpu.core_type = #tpu.core_type<sc_vector_subcore>, window_params = [{transform_indices = #map}, {transform_indices = #map1}, {transform_indices = #map1}, {transform_indices = #map}, {transform_indices = #map1}]} {
    %mul3A = arith.constant 16 : i32
    %mul3A_0 = arith.muli %arg0, %mul3A : i32
    %add3A = arith.addi %mul3A_0, %arg1 : i32
    %mul3A_1 = arith.constant 640 : i32
    %mul3A_2 = arith.muli %arg1, %mul3A_1 : i32
    %dma_start3A = arith.constant 0 : i32
    %dma_start3A_3 = tpu.memref_slice %arg11[%mul3A_2, %dma_start3A] : memref<10240x128xf32, #tpu.memory_space<vmem_shared>> -> memref<640x128xf32, #tpu.memory_space<vmem_shared>>
    tpu.enqueue_dma source(%arg5 : memref<640x128xf32, #tpu.memory_space<hbm>>) target(%dma_start3A_3 : memref<640x128xf32, #tpu.memory_space<vmem_shared>>) target_semaphore(%arg14 : memref<!tpu.dma_semaphore, #tpu.memory_space<semaphore_mem>>)
    "tpu.region"() ({
      %run_scoped3A = tpu.sem_alloc : memref<!tpu.dma_semaphore, #tpu.memory_space<semaphore_mem>>
      %dma_start3A_33 = arith.constant 0 : i32
      %dma_start3A_34 = arith.constant 0 : i32
      %dma_start3A_35 = tpu.memref_slice %arg3[%add3A, %dma_start3A_33, %dma_start3A_34] : memref<32x80x125xi32, #tpu.memory_space<hbm>> -> memref<1x80x125xi32, #tpu.memory_space<hbm>>
      %dma_start3A_36 = tpu.memref_squeeze %dma_start3A_35 : memref<1x80x125xi32, #tpu.memory_space<hbm>> -> memref<80x125xi32, #tpu.memory_space<hbm>>
      %dma_start3A_37 = arith.constant 0 : i32
      %dma_start3A_38 = arith.constant 0 : i32
      %dma_start3A_39 = tpu.memref_slice %dma_start3A_36[%dma_start3A_37, %dma_start3A_38] : memref<80x125xi32, #tpu.memory_space<hbm>> -> memref<40x125xi32, #tpu.memory_space<hbm>>
      %dma_start3A_40 = arith.constant 0 : i32
      %dma_start3A_41 = arith.constant 0 : i32
      %dma_start3A_42 = tpu.memref_slice %arg3[%add3A, %dma_start3A_40, %dma_start3A_41] : memref<32x80x125xi32, #tpu.memory_space<hbm>> -> memref<1x80x125xi32, #tpu.memory_space<hbm>>
      %dma_start3A_43 = tpu.memref_squeeze %dma_start3A_42 : memref<1x80x125xi32, #tpu.memory_space<hbm>> -> memref<80x125xi32, #tpu.memory_space<hbm>>
      %dma_start3A_44 = arith.constant 0 : i32
      %dma_start3A_45 = arith.constant 0 : i32
      %dma_start3A_46 = tpu.memref_slice %dma_start3A_43[%dma_start3A_44, %dma_start3A_45] : memref<80x125xi32, #tpu.memory_space<hbm>> -> memref<40x125xi32, #tpu.memory_space<hbm>>
      tpu.enqueue_dma source(%dma_start3A_46 : memref<40x125xi32, #tpu.memory_space<hbm>>) target(%arg7 : memref<40x125xi32, #tpu.memory_space<vmem>>) target_semaphore(%run_scoped3A : memref<!tpu.dma_semaphore, #tpu.memory_space<semaphore_mem>>)
      %dma_wait3A_47 = arith.constant 0 : i32
      %dma_wait3A_48 = arith.constant 0 : i32
      %dma_wait3A_49 = tpu.memref_slice %arg3[%add3A, %dma_wait3A_47, %dma_wait3A_48] : memref<32x80x125xi32, #tpu.memory_space<hbm>> -> memref<1x80x125xi32, #tpu.memory_space<hbm>>
      %dma_wait3A_50 = tpu.memref_squeeze %dma_wait3A_49 : memref<1x80x125xi32, #tpu.memory_space<hbm>> -> memref<80x125xi32, #tpu.memory_space<hbm>>
      %dma_wait3A_51 = arith.constant 0 : i32
      %dma_wait3A_52 = arith.constant 0 : i32
      %dma_wait3A_53 = tpu.memref_slice %dma_wait3A_50[%dma_wait3A_51, %dma_wait3A_52] : memref<80x125xi32, #tpu.memory_space<hbm>> -> memref<40x125xi32, #tpu.memory_space<hbm>>
      %dma_wait3A_54 = arith.constant 0 : i32
      %dma_wait3A_55 = arith.constant 0 : i32
      %dma_wait3A_56 = tpu.memref_slice %arg3[%add3A, %dma_wait3A_54, %dma_wait3A_55] : memref<32x80x125xi32, #tpu.memory_space<hbm>> -> memref<1x80x125xi32, #tpu.memory_space<hbm>>
      %dma_wait3A_57 = tpu.memref_squeeze %dma_wait3A_56 : memref<1x80x125xi32, #tpu.memory_space<hbm>> -> memref<80x125xi32, #tpu.memory_space<hbm>>
      %dma_wait3A_58 = arith.constant 0 : i32
      %dma_wait3A_59 = arith.constant 0 : i32
      %dma_wait3A_60 = tpu.memref_slice %dma_wait3A_57[%dma_wait3A_58, %dma_wait3A_59] : memref<80x125xi32, #tpu.memory_space<hbm>> -> memref<40x125xi32, #tpu.memory_space<hbm>>
      tpu.wait_dma2 semaphore(%run_scoped3A : memref<!tpu.dma_semaphore, #tpu.memory_space<semaphore_mem>>) src(%dma_wait3A_60 : memref<40x125xi32, #tpu.memory_space<hbm>>) dst(%arg7 : memref<40x125xi32, #tpu.memory_space<vmem>>)
      tpu.yield
    }) : () -> ()
    "tpu.region"() ({
      %run_scoped3A = tpu.sem_alloc : memref<!tpu.dma_semaphore, #tpu.memory_space<semaphore_mem>>
      %dma_start3A_33 = arith.constant 0 : i32
      %dma_start3A_34 = arith.constant 0 : i32
      %dma_start3A_35 = tpu.memref_slice %arg4[%add3A, %dma_start3A_33, %dma_start3A_34] : memref<32x80x125xi32, #tpu.memory_space<hbm>> -> memref<1x80x125xi32, #tpu.memory_space<hbm>>
      %dma_start3A_36 = tpu.memref_squeeze %dma_start3A_35 : memref<1x80x125xi32, #tpu.memory_space<hbm>> -> memref<80x125xi32, #tpu.memory_space<hbm>>
      %dma_start3A_37 = arith.constant 0 : i32
      %dma_start3A_38 = arith.constant 0 : i32
      %dma_start3A_39 = tpu.memref_slice %dma_start3A_36[%dma_start3A_37, %dma_start3A_38] : memref<80x125xi32, #tpu.memory_space<hbm>> -> memref<40x125xi32, #tpu.memory_space<hbm>>
      %dma_start3A_40 = arith.constant 0 : i32
      %dma_start3A_41 = arith.constant 0 : i32
      %dma_start3A_42 = tpu.memref_slice %arg4[%add3A, %dma_start3A_40, %dma_start3A_41] : memref<32x80x125xi32, #tpu.memory_space<hbm>> -> memref<1x80x125xi32, #tpu.memory_space<hbm>>
      %dma_start3A_43 = tpu.memref_squeeze %dma_start3A_42 : memref<1x80x125xi32, #tpu.memory_space<hbm>> -> memref<80x125xi32, #tpu.memory_space<hbm>>
      %dma_start3A_44 = arith.constant 0 : i32
      %dma_start3A_45 = arith.constant 0 : i32
      %dma_start3A_46 = tpu.memref_slice %dma_start3A_43[%dma_start3A_44, %dma_start3A_45] : memref<80x125xi32, #tpu.memory_space<hbm>> -> memref<40x125xi32, #tpu.memory_space<hbm>>
      tpu.enqueue_dma source(%dma_start3A_46 : memref<40x125xi32, #tpu.memory_space<hbm>>) target(%arg8 : memref<40x125xi32, #tpu.memory_space<vmem>>) target_semaphore(%run_scoped3A : memref<!tpu.dma_semaphore, #tpu.memory_space<semaphore_mem>>)
      %dma_wait3A_47 = arith.constant 0 : i32
      %dma_wait3A_48 = arith.constant 0 : i32
      %dma_wait3A_49 = tpu.memref_slice %arg4[%add3A, %dma_wait3A_47, %dma_wait3A_48] : memref<32x80x125xi32, #tpu.memory_space<hbm>> -> memref<1x80x125xi32, #tpu.memory_space<hbm>>
      %dma_wait3A_50 = tpu.memref_squeeze %dma_wait3A_49 : memref<1x80x125xi32, #tpu.memory_space<hbm>> -> memref<80x125xi32, #tpu.memory_space<hbm>>
      %dma_wait3A_51 = arith.constant 0 : i32
      %dma_wait3A_52 = arith.constant 0 : i32
      %dma_wait3A_53 = tpu.memref_slice %dma_wait3A_50[%dma_wait3A_51, %dma_wait3A_52] : memref<80x125xi32, #tpu.memory_space<hbm>> -> memref<40x125xi32, #tpu.memory_space<hbm>>
      %dma_wait3A_54 = arith.constant 0 : i32
      %dma_wait3A_55 = arith.constant 0 : i32
      %dma_wait3A_56 = tpu.memref_slice %arg4[%add3A, %dma_wait3A_54, %dma_wait3A_55] : memref<32x80x125xi32, #tpu.memory_space<hbm>> -> memref<1x80x125xi32, #tpu.memory_space<hbm>>
      %dma_wait3A_57 = tpu.memref_squeeze %dma_wait3A_56 : memref<1x80x125xi32, #tpu.memory_space<hbm>> -> memref<80x125xi32, #tpu.memory_space<hbm>>
      %dma_wait3A_58 = arith.constant 0 : i32
      %dma_wait3A_59 = arith.constant 0 : i32
      %dma_wait3A_60 = tpu.memref_slice %dma_wait3A_57[%dma_wait3A_58, %dma_wait3A_59] : memref<80x125xi32, #tpu.memory_space<hbm>> -> memref<40x125xi32, #tpu.memory_space<hbm>>
      tpu.wait_dma2 semaphore(%run_scoped3A : memref<!tpu.dma_semaphore, #tpu.memory_space<semaphore_mem>>) src(%dma_wait3A_60 : memref<40x125xi32, #tpu.memory_space<hbm>>) dst(%arg8 : memref<40x125xi32, #tpu.memory_space<vmem>>)
      tpu.yield
    }) : () -> ()
    %dma_start3A_4 = arith.constant 0 : i32
    %dma_start3A_5 = arith.constant 0 : i32
    %dma_start3A_6 = tpu.memref_slice %arg7[%dma_start3A_4, %dma_start3A_5] : memref<40x125xi32, #tpu.memory_space<vmem>> -> memref<1x125xi32, #tpu.memory_space<vmem>>
    %dma_start3A_7 = tpu.memref_squeeze %dma_start3A_6 : memref<1x125xi32, #tpu.memory_space<vmem>> -> memref<125xi32, #tpu.memory_space<vmem>>
    %dma_start3A_8 = arith.constant 0 : i32
    %dma_start3A_9 = arith.constant 0 : i32
    %dma_start3A_10 = tpu.memref_slice %arg2[%dma_start3A_8, %dma_start3A_9] : memref<10000x128xf32, #tpu.memory_space<hbm>> -> memref<10000x128xf32, #tpu.memory_space<hbm>>
    tpu.enqueue_indirect_dma source(%dma_start3A_10 : memref<10000x128xf32, #tpu.memory_space<hbm>>) target(%arg9 : memref<125x128xf32, #tpu.memory_space<vmem>>) offsets(%dma_start3A_7 : memref<125xi32, #tpu.memory_space<vmem>>) semaphore(%arg12 : memref<!tpu.dma_semaphore, #tpu.memory_space<semaphore_mem>>)
    %dma_wait3A = arith.constant 0 : i32
    %dma_wait3A_11 = tpu.memref_slice %arg11[%mul3A_2, %dma_wait3A] : memref<10240x128xf32, #tpu.memory_space<vmem_shared>> -> memref<640x128xf32, #tpu.memory_space<vmem_shared>>
    tpu.wait_dma2 semaphore(%arg14 : memref<!tpu.dma_semaphore, #tpu.memory_space<semaphore_mem>>) src(%arg5 : memref<640x128xf32, #tpu.memory_space<hbm>>) dst(%dma_wait3A_11 : memref<640x128xf32, #tpu.memory_space<vmem_shared>>)
    %barrier3A = arith.constant 0 : index
    tpu.barrier barrier_id(%barrier3A)
    %scan3A = arith.constant 0 : i32
    %scan3A_12 = arith.constant 20 : i32
    %scan3A_13 = arith.addi %scan3A, %scan3A_12 : i32
    %scan3A_14 = arith.constant 1 : i32
    scf.for %scan3A_33 = %scan3A to %scan3A_13 step %scan3A_14  : i32 {
      %mul3A_34 = arith.constant 2 : i32
      %mul3A_35 = arith.muli %scan3A_33, %mul3A_34 : i32
      %add3A_36 = arith.constant 1 : i32
      %add3A_37 = arith.addi %mul3A_35, %add3A_36 : i32
      %dma_start3A_38 = arith.constant 0 : i32
      %dma_start3A_39 = tpu.memref_slice %arg7[%add3A_37, %dma_start3A_38] : memref<40x125xi32, #tpu.memory_space<vmem>> -> memref<1x125xi32, #tpu.memory_space<vmem>>
      %dma_start3A_40 = tpu.memref_squeeze %dma_start3A_39 : memref<1x125xi32, #tpu.memory_space<vmem>> -> memref<125xi32, #tpu.memory_space<vmem>>
      %dma_start3A_41 = arith.constant 0 : i32
      %dma_start3A_42 = arith.constant 0 : i32
      %dma_start3A_43 = tpu.memref_slice %arg2[%dma_start3A_41, %dma_start3A_42] : memref<10000x128xf32, #tpu.memory_space<hbm>> -> memref<10000x128xf32, #tpu.memory_space<hbm>>
      tpu.enqueue_indirect_dma source(%dma_start3A_43 : memref<10000x128xf32, #tpu.memory_space<hbm>>) target(%arg10 : memref<125x128xf32, #tpu.memory_space<vmem>>) offsets(%dma_start3A_40 : memref<125xi32, #tpu.memory_space<vmem>>) semaphore(%arg13 : memref<!tpu.dma_semaphore, #tpu.memory_space<semaphore_mem>>)
      %dma_wait3A_44 = arith.constant 0 : i32
      %dma_wait3A_45 = tpu.memref_slice %arg7[%mul3A_35, %dma_wait3A_44] : memref<40x125xi32, #tpu.memory_space<vmem>> -> memref<1x125xi32, #tpu.memory_space<vmem>>
      %dma_wait3A_46 = tpu.memref_squeeze %dma_wait3A_45 : memref<1x125xi32, #tpu.memory_space<vmem>> -> memref<125xi32, #tpu.memory_space<vmem>>
      %dma_wait3A_47 = arith.constant 0 : i32
      %dma_wait3A_48 = arith.constant 0 : i32
      %dma_wait3A_49 = tpu.memref_slice %arg2[%dma_wait3A_47, %dma_wait3A_48] : memref<10000x128xf32, #tpu.memory_space<hbm>> -> memref<10000x128xf32, #tpu.memory_space<hbm>>
      tpu.wait_indirect_dma semaphore(%arg12 : memref<!tpu.dma_semaphore, #tpu.memory_space<semaphore_mem>>) src(%dma_wait3A_49 : memref<10000x128xf32, #tpu.memory_space<hbm>>) dst(%arg9 : memref<125x128xf32, #tpu.memory_space<vmem>>)
      "tpu.region"() ({
        %run_scoped3A = tpu.sem_alloc : memref<!tpu.dma_semaphore, #tpu.memory_space<semaphore_mem>>
        %dma_start3A_64 = arith.constant 0 : i32
        %dma_start3A_65 = tpu.memref_slice %arg8[%mul3A_35, %dma_start3A_64] : memref<40x125xi32, #tpu.memory_space<vmem>> -> memref<1x125xi32, #tpu.memory_space<vmem>>
        %dma_start3A_66 = tpu.memref_squeeze %dma_start3A_65 : memref<1x125xi32, #tpu.memory_space<vmem>> -> memref<125xi32, #tpu.memory_space<vmem>>
        %dma_start3A_67 = arith.constant 0 : i32
        %dma_start3A_68 = arith.constant 0 : i32
        %dma_start3A_69 = tpu.memref_slice %arg11[%dma_start3A_67, %dma_start3A_68] : memref<10240x128xf32, #tpu.memory_space<vmem_shared>> -> memref<10240x128xf32, #tpu.memory_space<vmem_shared>>
        tpu.enqueue_indirect_dma source(%arg9 : memref<125x128xf32, #tpu.memory_space<vmem>>) target(%dma_start3A_69 : memref<10240x128xf32, #tpu.memory_space<vmem_shared>>) offsets(%dma_start3A_66 : memref<125xi32, #tpu.memory_space<vmem>>) semaphore(%run_scoped3A : memref<!tpu.dma_semaphore, #tpu.memory_space<semaphore_mem>>) {add = true}
        %dma_wait3A_70 = arith.constant 0 : i32
        %dma_wait3A_71 = tpu.memref_slice %arg8[%mul3A_35, %dma_wait3A_70] : memref<40x125xi32, #tpu.memory_space<vmem>> -> memref<1x125xi32, #tpu.memory_space<vmem>>
        %dma_wait3A_72 = tpu.memref_squeeze %dma_wait3A_71 : memref<1x125xi32, #tpu.memory_space<vmem>> -> memref<125xi32, #tpu.memory_space<vmem>>
        %dma_wait3A_73 = arith.constant 0 : i32
        %dma_wait3A_74 = arith.constant 0 : i32
        %dma_wait3A_75 = tpu.memref_slice %arg11[%dma_wait3A_73, %dma_wait3A_74] : memref<10240x128xf32, #tpu.memory_space<vmem_shared>> -> memref<10240x128xf32, #tpu.memory_space<vmem_shared>>
        tpu.wait_indirect_dma semaphore(%run_scoped3A : memref<!tpu.dma_semaphore, #tpu.memory_space<semaphore_mem>>) src(%arg9 : memref<125x128xf32, #tpu.memory_space<vmem>>) dst(%dma_wait3A_75 : memref<10240x128xf32, #tpu.memory_space<vmem_shared>>)
        tpu.yield
      }) : () -> ()
      %add3A_50 = arith.constant 1 : i32
      %add3A_51 = arith.addi %scan3A_33, %add3A_50 : i32
      %lt3A = arith.constant 20 : i32
      %lt3A_52 = arith.cmpi slt, %add3A_51, %lt3A : i32
      %convert_element_type3A = arith.extui %lt3A_52 : i1 to i32
      %cond3A = arith.constant 0 : i32
      %cond3A_53 = arith.cmpi ne, %convert_element_type3A, %cond3A : i32
      scf.if %cond3A_53 {
        %add3A_64 = arith.constant 2 : i32
        %add3A_65 = arith.addi %mul3A_35, %add3A_64 : i32
        %dma_start3A_66 = arith.constant 0 : i32
        %dma_start3A_67 = tpu.memref_slice %arg7[%add3A_65, %dma_start3A_66] : memref<40x125xi32, #tpu.memory_space<vmem>> -> memref<1x125xi32, #tpu.memory_space<vmem>>
        %dma_start3A_68 = tpu.memref_squeeze %dma_start3A_67 : memref<1x125xi32, #tpu.memory_space<vmem>> -> memref<125xi32, #tpu.memory_space<vmem>>
        %dma_start3A_69 = arith.constant 0 : i32
        %dma_start3A_70 = arith.constant 0 : i32
        %dma_start3A_71 = tpu.memref_slice %arg2[%dma_start3A_69, %dma_start3A_70] : memref<10000x128xf32, #tpu.memory_space<hbm>> -> memref<10000x128xf32, #tpu.memory_space<hbm>>
        tpu.enqueue_indirect_dma source(%dma_start3A_71 : memref<10000x128xf32, #tpu.memory_space<hbm>>) target(%arg9 : memref<125x128xf32, #tpu.memory_space<vmem>>) offsets(%dma_start3A_68 : memref<125xi32, #tpu.memory_space<vmem>>) semaphore(%arg12 : memref<!tpu.dma_semaphore, #tpu.memory_space<semaphore_mem>>)
      } else {
      }
      %add3A_54 = arith.constant 1 : i32
      %add3A_55 = arith.addi %mul3A_35, %add3A_54 : i32
      %dma_wait3A_56 = arith.constant 0 : i32
      %dma_wait3A_57 = tpu.memref_slice %arg7[%add3A_55, %dma_wait3A_56] : memref<40x125xi32, #tpu.memory_space<vmem>> -> memref<1x125xi32, #tpu.memory_space<vmem>>
      %dma_wait3A_58 = tpu.memref_squeeze %dma_wait3A_57 : memref<1x125xi32, #tpu.memory_space<vmem>> -> memref<125xi32, #tpu.memory_space<vmem>>
      %dma_wait3A_59 = arith.constant 0 : i32
      %dma_wait3A_60 = arith.constant 0 : i32
      %dma_wait3A_61 = tpu.memref_slice %arg2[%dma_wait3A_59, %dma_wait3A_60] : memref<10000x128xf32, #tpu.memory_space<hbm>> -> memref<10000x128xf32, #tpu.memory_space<hbm>>
      tpu.wait_indirect_dma semaphore(%arg13 : memref<!tpu.dma_semaphore, #tpu.memory_space<semaphore_mem>>) src(%dma_wait3A_61 : memref<10000x128xf32, #tpu.memory_space<hbm>>) dst(%arg10 : memref<125x128xf32, #tpu.memory_space<vmem>>)
      %add3A_62 = arith.constant 1 : i32
      %add3A_63 = arith.addi %mul3A_35, %add3A_62 : i32
      "tpu.region"() ({
        %run_scoped3A = tpu.sem_alloc : memref<!tpu.dma_semaphore, #tpu.memory_space<semaphore_mem>>
        %dma_start3A_64 = arith.constant 0 : i32
        %dma_start3A_65 = tpu.memref_slice %arg8[%add3A_63, %dma_start3A_64] : memref<40x125xi32, #tpu.memory_space<vmem>> -> memref<1x125xi32, #tpu.memory_space<vmem>>
        %dma_start3A_66 = tpu.memref_squeeze %dma_start3A_65 : memref<1x125xi32, #tpu.memory_space<vmem>> -> memref<125xi32, #tpu.memory_space<vmem>>
        %dma_start3A_67 = arith.constant 0 : i32
        %dma_start3A_68 = arith.constant 0 : i32
        %dma_start3A_69 = tpu.memref_slice %arg11[%dma_start3A_67, %dma_start3A_68] : memref<10240x128xf32, #tpu.memory_space<vmem_shared>> -> memref<10240x128xf32, #tpu.memory_space<vmem_shared>>
        tpu.enqueue_indirect_dma source(%arg10 : memref<125x128xf32, #tpu.memory_space<vmem>>) target(%dma_start3A_69 : memref<10240x128xf32, #tpu.memory_space<vmem_shared>>) offsets(%dma_start3A_66 : memref<125xi32, #tpu.memory_space<vmem>>) semaphore(%run_scoped3A : memref<!tpu.dma_semaphore, #tpu.memory_space<semaphore_mem>>) {add = true}
        %dma_wait3A_70 = arith.constant 0 : i32
        %dma_wait3A_71 = tpu.memref_slice %arg8[%add3A_63, %dma_wait3A_70] : memref<40x125xi32, #tpu.memory_space<vmem>> -> memref<1x125xi32, #tpu.memory_space<vmem>>
        %dma_wait3A_72 = tpu.memref_squeeze %dma_wait3A_71 : memref<1x125xi32, #tpu.memory_space<vmem>> -> memref<125xi32, #tpu.memory_space<vmem>>
        %dma_wait3A_73 = arith.constant 0 : i32
        %dma_wait3A_74 = arith.constant 0 : i32
        %dma_wait3A_75 = tpu.memref_slice %arg11[%dma_wait3A_73, %dma_wait3A_74] : memref<10240x128xf32, #tpu.memory_space<vmem_shared>> -> memref<10240x128xf32, #tpu.memory_space<vmem_shared>>
        tpu.wait_indirect_dma semaphore(%run_scoped3A : memref<!tpu.dma_semaphore, #tpu.memory_space<semaphore_mem>>) src(%arg10 : memref<125x128xf32, #tpu.memory_space<vmem>>) dst(%dma_wait3A_75 : memref<10240x128xf32, #tpu.memory_space<vmem_shared>>)
        tpu.yield
      }) : () -> ()
    }
    %scan3A_15 = arith.constant 20 : i32
    "tpu.region"() ({
      %run_scoped3A = tpu.sem_alloc : memref<!tpu.dma_semaphore, #tpu.memory_space<semaphore_mem>>
      %dma_start3A_33 = arith.constant 0 : i32
      %dma_start3A_34 = arith.constant 0 : i32
      %dma_start3A_35 = tpu.memref_slice %arg3[%add3A, %dma_start3A_33, %dma_start3A_34] : memref<32x80x125xi32, #tpu.memory_space<hbm>> -> memref<1x80x125xi32, #tpu.memory_space<hbm>>
      %dma_start3A_36 = tpu.memref_squeeze %dma_start3A_35 : memref<1x80x125xi32, #tpu.memory_space<hbm>> -> memref<80x125xi32, #tpu.memory_space<hbm>>
      %dma_start3A_37 = arith.constant 40 : i32
      %dma_start3A_38 = arith.constant 0 : i32
      %dma_start3A_39 = tpu.memref_slice %dma_start3A_36[%dma_start3A_37, %dma_start3A_38] : memref<80x125xi32, #tpu.memory_space<hbm>> -> memref<40x125xi32, #tpu.memory_space<hbm>>
      %dma_start3A_40 = arith.constant 0 : i32
      %dma_start3A_41 = arith.constant 0 : i32
      %dma_start3A_42 = tpu.memref_slice %arg3[%add3A, %dma_start3A_40, %dma_start3A_41] : memref<32x80x125xi32, #tpu.memory_space<hbm>> -> memref<1x80x125xi32, #tpu.memory_space<hbm>>
      %dma_start3A_43 = tpu.memref_squeeze %dma_start3A_42 : memref<1x80x125xi32, #tpu.memory_space<hbm>> -> memref<80x125xi32, #tpu.memory_space<hbm>>
      %dma_start3A_44 = arith.constant 40 : i32
      %dma_start3A_45 = arith.constant 0 : i32
      %dma_start3A_46 = tpu.memref_slice %dma_start3A_43[%dma_start3A_44, %dma_start3A_45] : memref<80x125xi32, #tpu.memory_space<hbm>> -> memref<40x125xi32, #tpu.memory_space<hbm>>
      tpu.enqueue_dma source(%dma_start3A_46 : memref<40x125xi32, #tpu.memory_space<hbm>>) target(%arg7 : memref<40x125xi32, #tpu.memory_space<vmem>>) target_semaphore(%run_scoped3A : memref<!tpu.dma_semaphore, #tpu.memory_space<semaphore_mem>>)
      %dma_wait3A_47 = arith.constant 0 : i32
      %dma_wait3A_48 = arith.constant 0 : i32
      %dma_wait3A_49 = tpu.memref_slice %arg3[%add3A, %dma_wait3A_47, %dma_wait3A_48] : memref<32x80x125xi32, #tpu.memory_space<hbm>> -> memref<1x80x125xi32, #tpu.memory_space<hbm>>
      %dma_wait3A_50 = tpu.memref_squeeze %dma_wait3A_49 : memref<1x80x125xi32, #tpu.memory_space<hbm>> -> memref<80x125xi32, #tpu.memory_space<hbm>>
      %dma_wait3A_51 = arith.constant 40 : i32
      %dma_wait3A_52 = arith.constant 0 : i32
      %dma_wait3A_53 = tpu.memref_slice %dma_wait3A_50[%dma_wait3A_51, %dma_wait3A_52] : memref<80x125xi32, #tpu.memory_space<hbm>> -> memref<40x125xi32, #tpu.memory_space<hbm>>
      %dma_wait3A_54 = arith.constant 0 : i32
      %dma_wait3A_55 = arith.constant 0 : i32
      %dma_wait3A_56 = tpu.memref_slice %arg3[%add3A, %dma_wait3A_54, %dma_wait3A_55] : memref<32x80x125xi32, #tpu.memory_space<hbm>> -> memref<1x80x125xi32, #tpu.memory_space<hbm>>
      %dma_wait3A_57 = tpu.memref_squeeze %dma_wait3A_56 : memref<1x80x125xi32, #tpu.memory_space<hbm>> -> memref<80x125xi32, #tpu.memory_space<hbm>>
      %dma_wait3A_58 = arith.constant 40 : i32
      %dma_wait3A_59 = arith.constant 0 : i32
      %dma_wait3A_60 = tpu.memref_slice %dma_wait3A_57[%dma_wait3A_58, %dma_wait3A_59] : memref<80x125xi32, #tpu.memory_space<hbm>> -> memref<40x125xi32, #tpu.memory_space<hbm>>
      tpu.wait_dma2 semaphore(%run_scoped3A : memref<!tpu.dma_semaphore, #tpu.memory_space<semaphore_mem>>) src(%dma_wait3A_60 : memref<40x125xi32, #tpu.memory_space<hbm>>) dst(%arg7 : memref<40x125xi32, #tpu.memory_space<vmem>>)
      tpu.yield
    }) : () -> ()
    "tpu.region"() ({
      %run_scoped3A = tpu.sem_alloc : memref<!tpu.dma_semaphore, #tpu.memory_space<semaphore_mem>>
      %dma_start3A_33 = arith.constant 0 : i32
      %dma_start3A_34 = arith.constant 0 : i32
      %dma_start3A_35 = tpu.memref_slice %arg4[%add3A, %dma_start3A_33, %dma_start3A_34] : memref<32x80x125xi32, #tpu.memory_space<hbm>> -> memref<1x80x125xi32, #tpu.memory_space<hbm>>
      %dma_start3A_36 = tpu.memref_squeeze %dma_start3A_35 : memref<1x80x125xi32, #tpu.memory_space<hbm>> -> memref<80x125xi32, #tpu.memory_space<hbm>>
      %dma_start3A_37 = arith.constant 40 : i32
      %dma_start3A_38 = arith.constant 0 : i32
      %dma_start3A_39 = tpu.memref_slice %dma_start3A_36[%dma_start3A_37, %dma_start3A_38] : memref<80x125xi32, #tpu.memory_space<hbm>> -> memref<40x125xi32, #tpu.memory_space<hbm>>
      %dma_start3A_40 = arith.constant 0 : i32
      %dma_start3A_41 = arith.constant 0 : i32
      %dma_start3A_42 = tpu.memref_slice %arg4[%add3A, %dma_start3A_40, %dma_start3A_41] : memref<32x80x125xi32, #tpu.memory_space<hbm>> -> memref<1x80x125xi32, #tpu.memory_space<hbm>>
      %dma_start3A_43 = tpu.memref_squeeze %dma_start3A_42 : memref<1x80x125xi32, #tpu.memory_space<hbm>> -> memref<80x125xi32, #tpu.memory_space<hbm>>
      %dma_start3A_44 = arith.constant 40 : i32
      %dma_start3A_45 = arith.constant 0 : i32
      %dma_start3A_46 = tpu.memref_slice %dma_start3A_43[%dma_start3A_44, %dma_start3A_45] : memref<80x125xi32, #tpu.memory_space<hbm>> -> memref<40x125xi32, #tpu.memory_space<hbm>>
      tpu.enqueue_dma source(%dma_start3A_46 : memref<40x125xi32, #tpu.memory_space<hbm>>) target(%arg8 : memref<40x125xi32, #tpu.memory_space<vmem>>) target_semaphore(%run_scoped3A : memref<!tpu.dma_semaphore, #tpu.memory_space<semaphore_mem>>)
      %dma_wait3A_47 = arith.constant 0 : i32
      %dma_wait3A_48 = arith.constant 0 : i32
      %dma_wait3A_49 = tpu.memref_slice %arg4[%add3A, %dma_wait3A_47, %dma_wait3A_48] : memref<32x80x125xi32, #tpu.memory_space<hbm>> -> memref<1x80x125xi32, #tpu.memory_space<hbm>>
      %dma_wait3A_50 = tpu.memref_squeeze %dma_wait3A_49 : memref<1x80x125xi32, #tpu.memory_space<hbm>> -> memref<80x125xi32, #tpu.memory_space<hbm>>
      %dma_wait3A_51 = arith.constant 40 : i32
      %dma_wait3A_52 = arith.constant 0 : i32
      %dma_wait3A_53 = tpu.memref_slice %dma_wait3A_50[%dma_wait3A_51, %dma_wait3A_52] : memref<80x125xi32, #tpu.memory_space<hbm>> -> memref<40x125xi32, #tpu.memory_space<hbm>>
      %dma_wait3A_54 = arith.constant 0 : i32
      %dma_wait3A_55 = arith.constant 0 : i32
      %dma_wait3A_56 = tpu.memref_slice %arg4[%add3A, %dma_wait3A_54, %dma_wait3A_55] : memref<32x80x125xi32, #tpu.memory_space<hbm>> -> memref<1x80x125xi32, #tpu.memory_space<hbm>>
      %dma_wait3A_57 = tpu.memref_squeeze %dma_wait3A_56 : memref<1x80x125xi32, #tpu.memory_space<hbm>> -> memref<80x125xi32, #tpu.memory_space<hbm>>
      %dma_wait3A_58 = arith.constant 40 : i32
      %dma_wait3A_59 = arith.constant 0 : i32
      %dma_wait3A_60 = tpu.memref_slice %dma_wait3A_57[%dma_wait3A_58, %dma_wait3A_59] : memref<80x125xi32, #tpu.memory_space<hbm>> -> memref<40x125xi32, #tpu.memory_space<hbm>>
      tpu.wait_dma2 semaphore(%run_scoped3A : memref<!tpu.dma_semaphore, #tpu.memory_space<semaphore_mem>>) src(%dma_wait3A_60 : memref<40x125xi32, #tpu.memory_space<hbm>>) dst(%arg8 : memref<40x125xi32, #tpu.memory_space<vmem>>)
      tpu.yield
    }) : () -> ()
    %dma_start3A_16 = arith.constant 0 : i32
    %dma_start3A_17 = arith.constant 0 : i32
    %dma_start3A_18 = tpu.memref_slice %arg7[%dma_start3A_16, %dma_start3A_17] : memref<40x125xi32, #tpu.memory_space<vmem>> -> memref<1x125xi32, #tpu.memory_space<vmem>>
    %dma_start3A_19 = tpu.memref_squeeze %dma_start3A_18 : memref<1x125xi32, #tpu.memory_space<vmem>> -> memref<125xi32, #tpu.memory_space<vmem>>
    %dma_start3A_20 = arith.constant 0 : i32
    %dma_start3A_21 = arith.constant 0 : i32
    %dma_start3A_22 = tpu.memref_slice %arg2[%dma_start3A_20, %dma_start3A_21] : memref<10000x128xf32, #tpu.memory_space<hbm>> -> memref<10000x128xf32, #tpu.memory_space<hbm>>
    tpu.enqueue_indirect_dma source(%dma_start3A_22 : memref<10000x128xf32, #tpu.memory_space<hbm>>) target(%arg9 : memref<125x128xf32, #tpu.memory_space<vmem>>) offsets(%dma_start3A_19 : memref<125xi32, #tpu.memory_space<vmem>>) semaphore(%arg12 : memref<!tpu.dma_semaphore, #tpu.memory_space<semaphore_mem>>)
    %scan3A_23 = arith.constant 0 : i32
    %scan3A_24 = arith.constant 20 : i32
    %scan3A_25 = arith.addi %scan3A_23, %scan3A_24 : i32
    %scan3A_26 = arith.constant 1 : i32
    scf.for %scan3A_33 = %scan3A_23 to %scan3A_25 step %scan3A_26  : i32 {
      %mul3A_34 = arith.constant 2 : i32
      %mul3A_35 = arith.muli %scan3A_33, %mul3A_34 : i32
      %add3A_36 = arith.constant 1 : i32
      %add3A_37 = arith.addi %mul3A_35, %add3A_36 : i32
      %dma_start3A_38 = arith.constant 0 : i32
      %dma_start3A_39 = tpu.memref_slice %arg7[%add3A_37, %dma_start3A_38] : memref<40x125xi32, #tpu.memory_space<vmem>> -> memref<1x125xi32, #tpu.memory_space<vmem>>
      %dma_start3A_40 = tpu.memref_squeeze %dma_start3A_39 : memref<1x125xi32, #tpu.memory_space<vmem>> -> memref<125xi32, #tpu.memory_space<vmem>>
      %dma_start3A_41 = arith.constant 0 : i32
      %dma_start3A_42 = arith.constant 0 : i32
      %dma_start3A_43 = tpu.memref_slice %arg2[%dma_start3A_41, %dma_start3A_42] : memref<10000x128xf32, #tpu.memory_space<hbm>> -> memref<10000x128xf32, #tpu.memory_space<hbm>>
      tpu.enqueue_indirect_dma source(%dma_start3A_43 : memref<10000x128xf32, #tpu.memory_space<hbm>>) target(%arg10 : memref<125x128xf32, #tpu.memory_space<vmem>>) offsets(%dma_start3A_40 : memref<125xi32, #tpu.memory_space<vmem>>) semaphore(%arg13 : memref<!tpu.dma_semaphore, #tpu.memory_space<semaphore_mem>>)
      %dma_wait3A_44 = arith.constant 0 : i32
      %dma_wait3A_45 = tpu.memref_slice %arg7[%mul3A_35, %dma_wait3A_44] : memref<40x125xi32, #tpu.memory_space<vmem>> -> memref<1x125xi32, #tpu.memory_space<vmem>>
      %dma_wait3A_46 = tpu.memref_squeeze %dma_wait3A_45 : memref<1x125xi32, #tpu.memory_space<vmem>> -> memref<125xi32, #tpu.memory_space<vmem>>
      %dma_wait3A_47 = arith.constant 0 : i32
      %dma_wait3A_48 = arith.constant 0 : i32
      %dma_wait3A_49 = tpu.memref_slice %arg2[%dma_wait3A_47, %dma_wait3A_48] : memref<10000x128xf32, #tpu.memory_space<hbm>> -> memref<10000x128xf32, #tpu.memory_space<hbm>>
      tpu.wait_indirect_dma semaphore(%arg12 : memref<!tpu.dma_semaphore, #tpu.memory_space<semaphore_mem>>) src(%dma_wait3A_49 : memref<10000x128xf32, #tpu.memory_space<hbm>>) dst(%arg9 : memref<125x128xf32, #tpu.memory_space<vmem>>)
      "tpu.region"() ({
        %run_scoped3A = tpu.sem_alloc : memref<!tpu.dma_semaphore, #tpu.memory_space<semaphore_mem>>
        %dma_start3A_64 = arith.constant 0 : i32
        %dma_start3A_65 = tpu.memref_slice %arg8[%mul3A_35, %dma_start3A_64] : memref<40x125xi32, #tpu.memory_space<vmem>> -> memref<1x125xi32, #tpu.memory_space<vmem>>
        %dma_start3A_66 = tpu.memref_squeeze %dma_start3A_65 : memref<1x125xi32, #tpu.memory_space<vmem>> -> memref<125xi32, #tpu.memory_space<vmem>>
        %dma_start3A_67 = arith.constant 0 : i32
        %dma_start3A_68 = arith.constant 0 : i32
        %dma_start3A_69 = tpu.memref_slice %arg11[%dma_start3A_67, %dma_start3A_68] : memref<10240x128xf32, #tpu.memory_space<vmem_shared>> -> memref<10240x128xf32, #tpu.memory_space<vmem_shared>>
        tpu.enqueue_indirect_dma source(%arg9 : memref<125x128xf32, #tpu.memory_space<vmem>>) target(%dma_start3A_69 : memref<10240x128xf32, #tpu.memory_space<vmem_shared>>) offsets(%dma_start3A_66 : memref<125xi32, #tpu.memory_space<vmem>>) semaphore(%run_scoped3A : memref<!tpu.dma_semaphore, #tpu.memory_space<semaphore_mem>>) {add = true}
        %dma_wait3A_70 = arith.constant 0 : i32
        %dma_wait3A_71 = tpu.memref_slice %arg8[%mul3A_35, %dma_wait3A_70] : memref<40x125xi32, #tpu.memory_space<vmem>> -> memref<1x125xi32, #tpu.memory_space<vmem>>
        %dma_wait3A_72 = tpu.memref_squeeze %dma_wait3A_71 : memref<1x125xi32, #tpu.memory_space<vmem>> -> memref<125xi32, #tpu.memory_space<vmem>>
        %dma_wait3A_73 = arith.constant 0 : i32
        %dma_wait3A_74 = arith.constant 0 : i32
        %dma_wait3A_75 = tpu.memref_slice %arg11[%dma_wait3A_73, %dma_wait3A_74] : memref<10240x128xf32, #tpu.memory_space<vmem_shared>> -> memref<10240x128xf32, #tpu.memory_space<vmem_shared>>
        tpu.wait_indirect_dma semaphore(%run_scoped3A : memref<!tpu.dma_semaphore, #tpu.memory_space<semaphore_mem>>) src(%arg9 : memref<125x128xf32, #tpu.memory_space<vmem>>) dst(%dma_wait3A_75 : memref<10240x128xf32, #tpu.memory_space<vmem_shared>>)
        tpu.yield
      }) : () -> ()
      %add3A_50 = arith.constant 1 : i32
      %add3A_51 = arith.addi %scan3A_33, %add3A_50 : i32
      %lt3A = arith.constant 20 : i32
      %lt3A_52 = arith.cmpi slt, %add3A_51, %lt3A : i32
      %convert_element_type3A = arith.extui %lt3A_52 : i1 to i32
      %cond3A = arith.constant 0 : i32
      %cond3A_53 = arith.cmpi ne, %convert_element_type3A, %cond3A : i32
      scf.if %cond3A_53 {
        %add3A_64 = arith.constant 2 : i32
        %add3A_65 = arith.addi %mul3A_35, %add3A_64 : i32
        %dma_start3A_66 = arith.constant 0 : i32
        %dma_start3A_67 = tpu.memref_slice %arg7[%add3A_65, %dma_start3A_66] : memref<40x125xi32, #tpu.memory_space<vmem>> -> memref<1x125xi32, #tpu.memory_space<vmem>>
        %dma_start3A_68 = tpu.memref_squeeze %dma_start3A_67 : memref<1x125xi32, #tpu.memory_space<vmem>> -> memref<125xi32, #tpu.memory_space<vmem>>
        %dma_start3A_69 = arith.constant 0 : i32
        %dma_start3A_70 = arith.constant 0 : i32
        %dma_start3A_71 = tpu.memref_slice %arg2[%dma_start3A_69, %dma_start3A_70] : memref<10000x128xf32, #tpu.memory_space<hbm>> -> memref<10000x128xf32, #tpu.memory_space<hbm>>
        tpu.enqueue_indirect_dma source(%dma_start3A_71 : memref<10000x128xf32, #tpu.memory_space<hbm>>) target(%arg9 : memref<125x128xf32, #tpu.memory_space<vmem>>) offsets(%dma_start3A_68 : memref<125xi32, #tpu.memory_space<vmem>>) semaphore(%arg12 : memref<!tpu.dma_semaphore, #tpu.memory_space<semaphore_mem>>)
      } else {
      }
      %add3A_54 = arith.constant 1 : i32
      %add3A_55 = arith.addi %mul3A_35, %add3A_54 : i32
      %dma_wait3A_56 = arith.constant 0 : i32
      %dma_wait3A_57 = tpu.memref_slice %arg7[%add3A_55, %dma_wait3A_56] : memref<40x125xi32, #tpu.memory_space<vmem>> -> memref<1x125xi32, #tpu.memory_space<vmem>>
      %dma_wait3A_58 = tpu.memref_squeeze %dma_wait3A_57 : memref<1x125xi32, #tpu.memory_space<vmem>> -> memref<125xi32, #tpu.memory_space<vmem>>
      %dma_wait3A_59 = arith.constant 0 : i32
      %dma_wait3A_60 = arith.constant 0 : i32
      %dma_wait3A_61 = tpu.memref_slice %arg2[%dma_wait3A_59, %dma_wait3A_60] : memref<10000x128xf32, #tpu.memory_space<hbm>> -> memref<10000x128xf32, #tpu.memory_space<hbm>>
      tpu.wait_indirect_dma semaphore(%arg13 : memref<!tpu.dma_semaphore, #tpu.memory_space<semaphore_mem>>) src(%dma_wait3A_61 : memref<10000x128xf32, #tpu.memory_space<hbm>>) dst(%arg10 : memref<125x128xf32, #tpu.memory_space<vmem>>)
      %add3A_62 = arith.constant 1 : i32
      %add3A_63 = arith.addi %mul3A_35, %add3A_62 : i32
      "tpu.region"() ({
        %run_scoped3A = tpu.sem_alloc : memref<!tpu.dma_semaphore, #tpu.memory_space<semaphore_mem>>
        %dma_start3A_64 = arith.constant 0 : i32
        %dma_start3A_65 = tpu.memref_slice %arg8[%add3A_63, %dma_start3A_64] : memref<40x125xi32, #tpu.memory_space<vmem>> -> memref<1x125xi32, #tpu.memory_space<vmem>>
        %dma_start3A_66 = tpu.memref_squeeze %dma_start3A_65 : memref<1x125xi32, #tpu.memory_space<vmem>> -> memref<125xi32, #tpu.memory_space<vmem>>
        %dma_start3A_67 = arith.constant 0 : i32
        %dma_start3A_68 = arith.constant 0 : i32
        %dma_start3A_69 = tpu.memref_slice %arg11[%dma_start3A_67, %dma_start3A_68] : memref<10240x128xf32, #tpu.memory_space<vmem_shared>> -> memref<10240x128xf32, #tpu.memory_space<vmem_shared>>
        tpu.enqueue_indirect_dma source(%arg10 : memref<125x128xf32, #tpu.memory_space<vmem>>) target(%dma_start3A_69 : memref<10240x128xf32, #tpu.memory_space<vmem_shared>>) offsets(%dma_start3A_66 : memref<125xi32, #tpu.memory_space<vmem>>) semaphore(%run_scoped3A : memref<!tpu.dma_semaphore, #tpu.memory_space<semaphore_mem>>) {add = true}
        %dma_wait3A_70 = arith.constant 0 : i32
        %dma_wait3A_71 = tpu.memref_slice %arg8[%add3A_63, %dma_wait3A_70] : memref<40x125xi32, #tpu.memory_space<vmem>> -> memref<1x125xi32, #tpu.memory_space<vmem>>
        %dma_wait3A_72 = tpu.memref_squeeze %dma_wait3A_71 : memref<1x125xi32, #tpu.memory_space<vmem>> -> memref<125xi32, #tpu.memory_space<vmem>>
        %dma_wait3A_73 = arith.constant 0 : i32
        %dma_wait3A_74 = arith.constant 0 : i32
        %dma_wait3A_75 = tpu.memref_slice %arg11[%dma_wait3A_73, %dma_wait3A_74] : memref<10240x128xf32, #tpu.memory_space<vmem_shared>> -> memref<10240x128xf32, #tpu.memory_space<vmem_shared>>
        tpu.wait_indirect_dma semaphore(%run_scoped3A : memref<!tpu.dma_semaphore, #tpu.memory_space<semaphore_mem>>) src(%arg10 : memref<125x128xf32, #tpu.memory_space<vmem>>) dst(%dma_wait3A_75 : memref<10240x128xf32, #tpu.memory_space<vmem_shared>>)
        tpu.yield
      }) : () -> ()
    }
    %scan3A_27 = arith.constant 20 : i32
    %barrier3A_28 = arith.constant 0 : index
    tpu.barrier barrier_id(%barrier3A_28)
    %mul3A_29 = arith.constant 640 : i32
    %mul3A_30 = arith.muli %arg1, %mul3A_29 : i32
    %mul3A_31 = arith.constant 640 : i32
    %mul3A_32 = arith.muli %arg1, %mul3A_31 : i32
    "tpu.region"() ({
      %run_scoped3A = tpu.sem_alloc : memref<!tpu.dma_semaphore, #tpu.memory_space<semaphore_mem>>
      %dma_start3A_33 = arith.constant 0 : i32
      %dma_start3A_34 = arith.constant 0 : i32
      %dma_start3A_35 = tpu.memref_slice %arg6[%arg0, %dma_start3A_33, %dma_start3A_34] : memref<2x10240x128xf32, #tpu.memory_space<hbm>> -> memref<1x10240x128xf32, #tpu.memory_space<hbm>>
      %dma_start3A_36 = tpu.memref_squeeze %dma_start3A_35 : memref<1x10240x128xf32, #tpu.memory_space<hbm>> -> memref<10240x128xf32, #tpu.memory_space<hbm>>
      %dma_start3A_37 = arith.constant 0 : i32
      %dma_start3A_38 = tpu.memref_slice %dma_start3A_36[%mul3A_32, %dma_start3A_37] : memref<10240x128xf32, #tpu.memory_space<hbm>> -> memref<640x128xf32, #tpu.memory_space<hbm>>
      %dma_start3A_39 = arith.constant 0 : i32
      %dma_start3A_40 = tpu.memref_slice %arg11[%mul3A_30, %dma_start3A_39] : memref<10240x128xf32, #tpu.memory_space<vmem_shared>> -> memref<640x128xf32, #tpu.memory_space<vmem_shared>>
      tpu.enqueue_dma source(%dma_start3A_40 : memref<640x128xf32, #tpu.memory_space<vmem_shared>>) target(%dma_start3A_38 : memref<640x128xf32, #tpu.memory_space<hbm>>) target_semaphore(%run_scoped3A : memref<!tpu.dma_semaphore, #tpu.memory_space<semaphore_mem>>)
      %dma_wait3A_41 = arith.constant 0 : i32
      %dma_wait3A_42 = arith.constant 0 : i32
      %dma_wait3A_43 = tpu.memref_slice %arg6[%arg0, %dma_wait3A_41, %dma_wait3A_42] : memref<2x10240x128xf32, #tpu.memory_space<hbm>> -> memref<1x10240x128xf32, #tpu.memory_space<hbm>>
      %dma_wait3A_44 = tpu.memref_squeeze %dma_wait3A_43 : memref<1x10240x128xf32, #tpu.memory_space<hbm>> -> memref<10240x128xf32, #tpu.memory_space<hbm>>
      %dma_wait3A_45 = arith.constant 0 : i32
      %dma_wait3A_46 = tpu.memref_slice %dma_wait3A_44[%mul3A_32, %dma_wait3A_45] : memref<10240x128xf32, #tpu.memory_space<hbm>> -> memref<640x128xf32, #tpu.memory_space<hbm>>
      %dma_wait3A_47 = arith.constant 0 : i32
      %dma_wait3A_48 = tpu.memref_slice %arg11[%mul3A_30, %dma_wait3A_47] : memref<10240x128xf32, #tpu.memory_space<vmem_shared>> -> memref<640x128xf32, #tpu.memory_space<vmem_shared>>
      tpu.wait_dma2 semaphore(%run_scoped3A : memref<!tpu.dma_semaphore, #tpu.memory_space<semaphore_mem>>) src(%dma_wait3A_48 : memref<640x128xf32, #tpu.memory_space<vmem_shared>>) dst(%dma_wait3A_46 : memref<640x128xf32, #tpu.memory_space<hbm>>)
      tpu.yield
    }) : () -> ()
    return
  }
}

#map = affine_map<(d0, d1) -> (0, 0, 0)>
#map1 = affine_map<(d0, d1) -> (0, 0)>
#map2 = affine_map<(d0, d1) -> (0, 0, 0, 0)>
module attributes {stable_mosaic.version = 14 : i64} {
  func.func @sc_degrees(%arg0: i32, %arg1: i32, %arg2: memref<32x80x125xi32, #tpu.memory_space<hbm>>, %arg3: memref<32x80x125xi32, #tpu.memory_space<hbm>>, %arg4: memref<125x16xf32, #tpu.memory_space<hbm>>, %arg5: memref<640x16xf32, #tpu.memory_space<hbm>>, %arg6: memref<2x2x10240x16xf32, #tpu.memory_space<hbm>>, %arg7: memref<80x125xi32, #tpu.memory_space<vmem>>, %arg8: memref<80x125xi32, #tpu.memory_space<vmem>>, %arg9: memref<125x16xf32, #tpu.memory_space<vmem>>, %arg10: memref<10240x16xf32, #tpu.memory_space<vmem_shared>>) attributes {dimension_semantics = [#tpu.dimension_semantics<core_parallel>, #tpu.dimension_semantics<subcore_parallel>], iteration_bounds = array<i64: 2, 16>, scalar_prefetch = 0 : i64, scratch_operands = 4 : i64, tpu.core_type = #tpu.core_type<sc_vector_subcore>, window_params = [{transform_indices = #map}, {transform_indices = #map}, {transform_indices = #map1}, {transform_indices = #map1}, {transform_indices = #map2}]} {
    %mul3A = arith.constant 16 : i32
    %mul3A_0 = arith.muli %arg0, %mul3A : i32
    %add3A = arith.addi %mul3A_0, %arg1 : i32
    "tpu.region"() ({
      %run_scoped3A_28 = tpu.sem_alloc : memref<!tpu.dma_semaphore, #tpu.memory_space<semaphore_mem>>
      %dma_start3A = arith.constant 0 : i32
      %dma_start3A_29 = arith.constant 0 : i32
      %dma_start3A_30 = tpu.memref_slice %arg2[%add3A, %dma_start3A, %dma_start3A_29] : memref<32x80x125xi32, #tpu.memory_space<hbm>> -> memref<1x80x125xi32, #tpu.memory_space<hbm>>
      %dma_start3A_31 = tpu.memref_squeeze %dma_start3A_30 : memref<1x80x125xi32, #tpu.memory_space<hbm>> -> memref<80x125xi32, #tpu.memory_space<hbm>>
      %dma_start3A_32 = arith.constant 0 : i32
      %dma_start3A_33 = arith.constant 0 : i32
      %dma_start3A_34 = tpu.memref_slice %arg2[%add3A, %dma_start3A_32, %dma_start3A_33] : memref<32x80x125xi32, #tpu.memory_space<hbm>> -> memref<1x80x125xi32, #tpu.memory_space<hbm>>
      %dma_start3A_35 = tpu.memref_squeeze %dma_start3A_34 : memref<1x80x125xi32, #tpu.memory_space<hbm>> -> memref<80x125xi32, #tpu.memory_space<hbm>>
      tpu.enqueue_dma source(%dma_start3A_35 : memref<80x125xi32, #tpu.memory_space<hbm>>) target(%arg7 : memref<80x125xi32, #tpu.memory_space<vmem>>) target_semaphore(%run_scoped3A_28 : memref<!tpu.dma_semaphore, #tpu.memory_space<semaphore_mem>>)
      %dma_wait3A = arith.constant 0 : i32
      %dma_wait3A_36 = arith.constant 0 : i32
      %dma_wait3A_37 = tpu.memref_slice %arg2[%add3A, %dma_wait3A, %dma_wait3A_36] : memref<32x80x125xi32, #tpu.memory_space<hbm>> -> memref<1x80x125xi32, #tpu.memory_space<hbm>>
      %dma_wait3A_38 = tpu.memref_squeeze %dma_wait3A_37 : memref<1x80x125xi32, #tpu.memory_space<hbm>> -> memref<80x125xi32, #tpu.memory_space<hbm>>
      %dma_wait3A_39 = arith.constant 0 : i32
      %dma_wait3A_40 = arith.constant 0 : i32
      %dma_wait3A_41 = tpu.memref_slice %arg2[%add3A, %dma_wait3A_39, %dma_wait3A_40] : memref<32x80x125xi32, #tpu.memory_space<hbm>> -> memref<1x80x125xi32, #tpu.memory_space<hbm>>
      %dma_wait3A_42 = tpu.memref_squeeze %dma_wait3A_41 : memref<1x80x125xi32, #tpu.memory_space<hbm>> -> memref<80x125xi32, #tpu.memory_space<hbm>>
      tpu.wait_dma2 semaphore(%run_scoped3A_28 : memref<!tpu.dma_semaphore, #tpu.memory_space<semaphore_mem>>) src(%dma_wait3A_42 : memref<80x125xi32, #tpu.memory_space<hbm>>) dst(%arg7 : memref<80x125xi32, #tpu.memory_space<vmem>>)
      tpu.yield
    }) : () -> ()
    "tpu.region"() ({
      %run_scoped3A_28 = tpu.sem_alloc : memref<!tpu.dma_semaphore, #tpu.memory_space<semaphore_mem>>
      %dma_start3A = arith.constant 0 : i32
      %dma_start3A_29 = arith.constant 0 : i32
      %dma_start3A_30 = tpu.memref_slice %arg3[%add3A, %dma_start3A, %dma_start3A_29] : memref<32x80x125xi32, #tpu.memory_space<hbm>> -> memref<1x80x125xi32, #tpu.memory_space<hbm>>
      %dma_start3A_31 = tpu.memref_squeeze %dma_start3A_30 : memref<1x80x125xi32, #tpu.memory_space<hbm>> -> memref<80x125xi32, #tpu.memory_space<hbm>>
      %dma_start3A_32 = arith.constant 0 : i32
      %dma_start3A_33 = arith.constant 0 : i32
      %dma_start3A_34 = tpu.memref_slice %arg3[%add3A, %dma_start3A_32, %dma_start3A_33] : memref<32x80x125xi32, #tpu.memory_space<hbm>> -> memref<1x80x125xi32, #tpu.memory_space<hbm>>
      %dma_start3A_35 = tpu.memref_squeeze %dma_start3A_34 : memref<1x80x125xi32, #tpu.memory_space<hbm>> -> memref<80x125xi32, #tpu.memory_space<hbm>>
      tpu.enqueue_dma source(%dma_start3A_35 : memref<80x125xi32, #tpu.memory_space<hbm>>) target(%arg8 : memref<80x125xi32, #tpu.memory_space<vmem>>) target_semaphore(%run_scoped3A_28 : memref<!tpu.dma_semaphore, #tpu.memory_space<semaphore_mem>>)
      %dma_wait3A = arith.constant 0 : i32
      %dma_wait3A_36 = arith.constant 0 : i32
      %dma_wait3A_37 = tpu.memref_slice %arg3[%add3A, %dma_wait3A, %dma_wait3A_36] : memref<32x80x125xi32, #tpu.memory_space<hbm>> -> memref<1x80x125xi32, #tpu.memory_space<hbm>>
      %dma_wait3A_38 = tpu.memref_squeeze %dma_wait3A_37 : memref<1x80x125xi32, #tpu.memory_space<hbm>> -> memref<80x125xi32, #tpu.memory_space<hbm>>
      %dma_wait3A_39 = arith.constant 0 : i32
      %dma_wait3A_40 = arith.constant 0 : i32
      %dma_wait3A_41 = tpu.memref_slice %arg3[%add3A, %dma_wait3A_39, %dma_wait3A_40] : memref<32x80x125xi32, #tpu.memory_space<hbm>> -> memref<1x80x125xi32, #tpu.memory_space<hbm>>
      %dma_wait3A_42 = tpu.memref_squeeze %dma_wait3A_41 : memref<1x80x125xi32, #tpu.memory_space<hbm>> -> memref<80x125xi32, #tpu.memory_space<hbm>>
      tpu.wait_dma2 semaphore(%run_scoped3A_28 : memref<!tpu.dma_semaphore, #tpu.memory_space<semaphore_mem>>) src(%dma_wait3A_42 : memref<80x125xi32, #tpu.memory_space<hbm>>) dst(%arg8 : memref<80x125xi32, #tpu.memory_space<vmem>>)
      tpu.yield
    }) : () -> ()
    "tpu.region"() ({
      %run_scoped3A_28 = tpu.sem_alloc : memref<!tpu.dma_semaphore, #tpu.memory_space<semaphore_mem>>
      tpu.enqueue_dma source(%arg4 : memref<125x16xf32, #tpu.memory_space<hbm>>) target(%arg9 : memref<125x16xf32, #tpu.memory_space<vmem>>) target_semaphore(%run_scoped3A_28 : memref<!tpu.dma_semaphore, #tpu.memory_space<semaphore_mem>>)
      tpu.wait_dma2 semaphore(%run_scoped3A_28 : memref<!tpu.dma_semaphore, #tpu.memory_space<semaphore_mem>>) src(%arg4 : memref<125x16xf32, #tpu.memory_space<hbm>>) dst(%arg9 : memref<125x16xf32, #tpu.memory_space<vmem>>)
      tpu.yield
    }) : () -> ()
    %mul3A_1 = arith.constant 640 : i32
    %mul3A_2 = arith.muli %arg1, %mul3A_1 : i32
    "tpu.region"() ({
      %run_scoped3A_28 = tpu.sem_alloc : memref<!tpu.dma_semaphore, #tpu.memory_space<semaphore_mem>>
      %dma_start3A = arith.constant 0 : i32
      %dma_start3A_29 = tpu.memref_slice %arg10[%mul3A_2, %dma_start3A] : memref<10240x16xf32, #tpu.memory_space<vmem_shared>> -> memref<640x16xf32, #tpu.memory_space<vmem_shared>>
      tpu.enqueue_dma source(%arg5 : memref<640x16xf32, #tpu.memory_space<hbm>>) target(%dma_start3A_29 : memref<640x16xf32, #tpu.memory_space<vmem_shared>>) target_semaphore(%run_scoped3A_28 : memref<!tpu.dma_semaphore, #tpu.memory_space<semaphore_mem>>)
      %dma_wait3A = arith.constant 0 : i32
      %dma_wait3A_30 = tpu.memref_slice %arg10[%mul3A_2, %dma_wait3A] : memref<10240x16xf32, #tpu.memory_space<vmem_shared>> -> memref<640x16xf32, #tpu.memory_space<vmem_shared>>
      tpu.wait_dma2 semaphore(%run_scoped3A_28 : memref<!tpu.dma_semaphore, #tpu.memory_space<semaphore_mem>>) src(%arg5 : memref<640x16xf32, #tpu.memory_space<hbm>>) dst(%dma_wait3A_30 : memref<640x16xf32, #tpu.memory_space<vmem_shared>>)
      tpu.yield
    }) : () -> ()
    %barrier3A = arith.constant 0 : index
    tpu.barrier barrier_id(%barrier3A)
    %scan3A = arith.constant 0 : i32
    %scan3A_3 = arith.constant 80 : i32
    %scan3A_4 = arith.addi %scan3A, %scan3A_3 : i32
    %scan3A_5 = arith.constant 1 : i32
    scf.for %scan3A_28 = %scan3A to %scan3A_4 step %scan3A_5  : i32 {
      "tpu.region"() ({
        %run_scoped3A_29 = tpu.sem_alloc : memref<!tpu.dma_semaphore, #tpu.memory_space<semaphore_mem>>
        %dma_start3A = arith.constant 0 : i32
        %dma_start3A_30 = tpu.memref_slice %arg7[%scan3A_28, %dma_start3A] : memref<80x125xi32, #tpu.memory_space<vmem>> -> memref<1x125xi32, #tpu.memory_space<vmem>>
        %dma_start3A_31 = tpu.memref_squeeze %dma_start3A_30 : memref<1x125xi32, #tpu.memory_space<vmem>> -> memref<125xi32, #tpu.memory_space<vmem>>
        %dma_start3A_32 = arith.constant 0 : i32
        %dma_start3A_33 = arith.constant 0 : i32
        %dma_start3A_34 = tpu.memref_slice %arg10[%dma_start3A_32, %dma_start3A_33] : memref<10240x16xf32, #tpu.memory_space<vmem_shared>> -> memref<10240x16xf32, #tpu.memory_space<vmem_shared>>
        tpu.enqueue_indirect_dma source(%arg9 : memref<125x16xf32, #tpu.memory_space<vmem>>) target(%dma_start3A_34 : memref<10240x16xf32, #tpu.memory_space<vmem_shared>>) offsets(%dma_start3A_31 : memref<125xi32, #tpu.memory_space<vmem>>) semaphore(%run_scoped3A_29 : memref<!tpu.dma_semaphore, #tpu.memory_space<semaphore_mem>>) {add = true}
        %dma_wait3A = arith.constant 0 : i32
        %dma_wait3A_35 = tpu.memref_slice %arg7[%scan3A_28, %dma_wait3A] : memref<80x125xi32, #tpu.memory_space<vmem>> -> memref<1x125xi32, #tpu.memory_space<vmem>>
        %dma_wait3A_36 = tpu.memref_squeeze %dma_wait3A_35 : memref<1x125xi32, #tpu.memory_space<vmem>> -> memref<125xi32, #tpu.memory_space<vmem>>
        %dma_wait3A_37 = arith.constant 0 : i32
        %dma_wait3A_38 = arith.constant 0 : i32
        %dma_wait3A_39 = tpu.memref_slice %arg10[%dma_wait3A_37, %dma_wait3A_38] : memref<10240x16xf32, #tpu.memory_space<vmem_shared>> -> memref<10240x16xf32, #tpu.memory_space<vmem_shared>>
        tpu.wait_indirect_dma semaphore(%run_scoped3A_29 : memref<!tpu.dma_semaphore, #tpu.memory_space<semaphore_mem>>) src(%arg9 : memref<125x16xf32, #tpu.memory_space<vmem>>) dst(%dma_wait3A_39 : memref<10240x16xf32, #tpu.memory_space<vmem_shared>>)
        tpu.yield
      }) : () -> ()
    }
    %scan3A_6 = arith.constant 80 : i32
    %barrier3A_7 = arith.constant 0 : index
    tpu.barrier barrier_id(%barrier3A_7)
    %mul3A_8 = arith.constant 640 : i32
    %mul3A_9 = arith.muli %arg1, %mul3A_8 : i32
    %mul3A_10 = arith.constant 640 : i32
    %mul3A_11 = arith.muli %arg1, %mul3A_10 : i32
    %run_scoped3A = arith.constant 0 : i32
    "tpu.region"() ({
      %run_scoped3A_28 = tpu.sem_alloc : memref<!tpu.dma_semaphore, #tpu.memory_space<semaphore_mem>>
      %dma_start3A = arith.constant 0 : i32
      %dma_start3A_29 = arith.constant 0 : i32
      %dma_start3A_30 = tpu.memref_slice %arg6[%arg0, %run_scoped3A, %dma_start3A, %dma_start3A_29] : memref<2x2x10240x16xf32, #tpu.memory_space<hbm>> -> memref<1x1x10240x16xf32, #tpu.memory_space<hbm>>
      %dma_start3A_31 = tpu.memref_squeeze %dma_start3A_30 : memref<1x1x10240x16xf32, #tpu.memory_space<hbm>> -> memref<10240x16xf32, #tpu.memory_space<hbm>>
      %dma_start3A_32 = arith.constant 0 : i32
      %dma_start3A_33 = tpu.memref_slice %dma_start3A_31[%mul3A_11, %dma_start3A_32] : memref<10240x16xf32, #tpu.memory_space<hbm>> -> memref<640x16xf32, #tpu.memory_space<hbm>>
      %dma_start3A_34 = arith.constant 0 : i32
      %dma_start3A_35 = tpu.memref_slice %arg10[%mul3A_9, %dma_start3A_34] : memref<10240x16xf32, #tpu.memory_space<vmem_shared>> -> memref<640x16xf32, #tpu.memory_space<vmem_shared>>
      tpu.enqueue_dma source(%dma_start3A_35 : memref<640x16xf32, #tpu.memory_space<vmem_shared>>) target(%dma_start3A_33 : memref<640x16xf32, #tpu.memory_space<hbm>>) target_semaphore(%run_scoped3A_28 : memref<!tpu.dma_semaphore, #tpu.memory_space<semaphore_mem>>)
      %dma_wait3A = arith.constant 0 : i32
      %dma_wait3A_36 = arith.constant 0 : i32
      %dma_wait3A_37 = tpu.memref_slice %arg6[%arg0, %run_scoped3A, %dma_wait3A, %dma_wait3A_36] : memref<2x2x10240x16xf32, #tpu.memory_space<hbm>> -> memref<1x1x10240x16xf32, #tpu.memory_space<hbm>>
      %dma_wait3A_38 = tpu.memref_squeeze %dma_wait3A_37 : memref<1x1x10240x16xf32, #tpu.memory_space<hbm>> -> memref<10240x16xf32, #tpu.memory_space<hbm>>
      %dma_wait3A_39 = arith.constant 0 : i32
      %dma_wait3A_40 = tpu.memref_slice %dma_wait3A_38[%mul3A_11, %dma_wait3A_39] : memref<10240x16xf32, #tpu.memory_space<hbm>> -> memref<640x16xf32, #tpu.memory_space<hbm>>
      %dma_wait3A_41 = arith.constant 0 : i32
      %dma_wait3A_42 = tpu.memref_slice %arg10[%mul3A_9, %dma_wait3A_41] : memref<10240x16xf32, #tpu.memory_space<vmem_shared>> -> memref<640x16xf32, #tpu.memory_space<vmem_shared>>
      tpu.wait_dma2 semaphore(%run_scoped3A_28 : memref<!tpu.dma_semaphore, #tpu.memory_space<semaphore_mem>>) src(%dma_wait3A_42 : memref<640x16xf32, #tpu.memory_space<vmem_shared>>) dst(%dma_wait3A_40 : memref<640x16xf32, #tpu.memory_space<hbm>>)
      tpu.yield
    }) : () -> ()
    %barrier3A_12 = arith.constant 0 : index
    tpu.barrier barrier_id(%barrier3A_12)
    %mul3A_13 = arith.constant 640 : i32
    %mul3A_14 = arith.muli %arg1, %mul3A_13 : i32
    "tpu.region"() ({
      %run_scoped3A_28 = tpu.sem_alloc : memref<!tpu.dma_semaphore, #tpu.memory_space<semaphore_mem>>
      %dma_start3A = arith.constant 0 : i32
      %dma_start3A_29 = tpu.memref_slice %arg10[%mul3A_14, %dma_start3A] : memref<10240x16xf32, #tpu.memory_space<vmem_shared>> -> memref<640x16xf32, #tpu.memory_space<vmem_shared>>
      tpu.enqueue_dma source(%arg5 : memref<640x16xf32, #tpu.memory_space<hbm>>) target(%dma_start3A_29 : memref<640x16xf32, #tpu.memory_space<vmem_shared>>) target_semaphore(%run_scoped3A_28 : memref<!tpu.dma_semaphore, #tpu.memory_space<semaphore_mem>>)
      %dma_wait3A = arith.constant 0 : i32
      %dma_wait3A_30 = tpu.memref_slice %arg10[%mul3A_14, %dma_wait3A] : memref<10240x16xf32, #tpu.memory_space<vmem_shared>> -> memref<640x16xf32, #tpu.memory_space<vmem_shared>>
      tpu.wait_dma2 semaphore(%run_scoped3A_28 : memref<!tpu.dma_semaphore, #tpu.memory_space<semaphore_mem>>) src(%arg5 : memref<640x16xf32, #tpu.memory_space<hbm>>) dst(%dma_wait3A_30 : memref<640x16xf32, #tpu.memory_space<vmem_shared>>)
      tpu.yield
    }) : () -> ()
    %barrier3A_15 = arith.constant 0 : index
    tpu.barrier barrier_id(%barrier3A_15)
    %scan3A_16 = arith.constant 0 : i32
    %scan3A_17 = arith.constant 80 : i32
    %scan3A_18 = arith.addi %scan3A_16, %scan3A_17 : i32
    %scan3A_19 = arith.constant 1 : i32
    scf.for %scan3A_28 = %scan3A_16 to %scan3A_18 step %scan3A_19  : i32 {
      "tpu.region"() ({
        %run_scoped3A_29 = tpu.sem_alloc : memref<!tpu.dma_semaphore, #tpu.memory_space<semaphore_mem>>
        %dma_start3A = arith.constant 0 : i32
        %dma_start3A_30 = tpu.memref_slice %arg8[%scan3A_28, %dma_start3A] : memref<80x125xi32, #tpu.memory_space<vmem>> -> memref<1x125xi32, #tpu.memory_space<vmem>>
        %dma_start3A_31 = tpu.memref_squeeze %dma_start3A_30 : memref<1x125xi32, #tpu.memory_space<vmem>> -> memref<125xi32, #tpu.memory_space<vmem>>
        %dma_start3A_32 = arith.constant 0 : i32
        %dma_start3A_33 = arith.constant 0 : i32
        %dma_start3A_34 = tpu.memref_slice %arg10[%dma_start3A_32, %dma_start3A_33] : memref<10240x16xf32, #tpu.memory_space<vmem_shared>> -> memref<10240x16xf32, #tpu.memory_space<vmem_shared>>
        tpu.enqueue_indirect_dma source(%arg9 : memref<125x16xf32, #tpu.memory_space<vmem>>) target(%dma_start3A_34 : memref<10240x16xf32, #tpu.memory_space<vmem_shared>>) offsets(%dma_start3A_31 : memref<125xi32, #tpu.memory_space<vmem>>) semaphore(%run_scoped3A_29 : memref<!tpu.dma_semaphore, #tpu.memory_space<semaphore_mem>>) {add = true}
        %dma_wait3A = arith.constant 0 : i32
        %dma_wait3A_35 = tpu.memref_slice %arg8[%scan3A_28, %dma_wait3A] : memref<80x125xi32, #tpu.memory_space<vmem>> -> memref<1x125xi32, #tpu.memory_space<vmem>>
        %dma_wait3A_36 = tpu.memref_squeeze %dma_wait3A_35 : memref<1x125xi32, #tpu.memory_space<vmem>> -> memref<125xi32, #tpu.memory_space<vmem>>
        %dma_wait3A_37 = arith.constant 0 : i32
        %dma_wait3A_38 = arith.constant 0 : i32
        %dma_wait3A_39 = tpu.memref_slice %arg10[%dma_wait3A_37, %dma_wait3A_38] : memref<10240x16xf32, #tpu.memory_space<vmem_shared>> -> memref<10240x16xf32, #tpu.memory_space<vmem_shared>>
        tpu.wait_indirect_dma semaphore(%run_scoped3A_29 : memref<!tpu.dma_semaphore, #tpu.memory_space<semaphore_mem>>) src(%arg9 : memref<125x16xf32, #tpu.memory_space<vmem>>) dst(%dma_wait3A_39 : memref<10240x16xf32, #tpu.memory_space<vmem_shared>>)
        tpu.yield
      }) : () -> ()
    }
    %scan3A_20 = arith.constant 80 : i32
    %barrier3A_21 = arith.constant 0 : index
    tpu.barrier barrier_id(%barrier3A_21)
    %mul3A_22 = arith.constant 640 : i32
    %mul3A_23 = arith.muli %arg1, %mul3A_22 : i32
    %mul3A_24 = arith.constant 640 : i32
    %mul3A_25 = arith.muli %arg1, %mul3A_24 : i32
    %run_scoped3A_26 = arith.constant 1 : i32
    "tpu.region"() ({
      %run_scoped3A_28 = tpu.sem_alloc : memref<!tpu.dma_semaphore, #tpu.memory_space<semaphore_mem>>
      %dma_start3A = arith.constant 0 : i32
      %dma_start3A_29 = arith.constant 0 : i32
      %dma_start3A_30 = tpu.memref_slice %arg6[%arg0, %run_scoped3A_26, %dma_start3A, %dma_start3A_29] : memref<2x2x10240x16xf32, #tpu.memory_space<hbm>> -> memref<1x1x10240x16xf32, #tpu.memory_space<hbm>>
      %dma_start3A_31 = tpu.memref_squeeze %dma_start3A_30 : memref<1x1x10240x16xf32, #tpu.memory_space<hbm>> -> memref<10240x16xf32, #tpu.memory_space<hbm>>
      %dma_start3A_32 = arith.constant 0 : i32
      %dma_start3A_33 = tpu.memref_slice %dma_start3A_31[%mul3A_25, %dma_start3A_32] : memref<10240x16xf32, #tpu.memory_space<hbm>> -> memref<640x16xf32, #tpu.memory_space<hbm>>
      %dma_start3A_34 = arith.constant 0 : i32
      %dma_start3A_35 = tpu.memref_slice %arg10[%mul3A_23, %dma_start3A_34] : memref<10240x16xf32, #tpu.memory_space<vmem_shared>> -> memref<640x16xf32, #tpu.memory_space<vmem_shared>>
      tpu.enqueue_dma source(%dma_start3A_35 : memref<640x16xf32, #tpu.memory_space<vmem_shared>>) target(%dma_start3A_33 : memref<640x16xf32, #tpu.memory_space<hbm>>) target_semaphore(%run_scoped3A_28 : memref<!tpu.dma_semaphore, #tpu.memory_space<semaphore_mem>>)
      %dma_wait3A = arith.constant 0 : i32
      %dma_wait3A_36 = arith.constant 0 : i32
      %dma_wait3A_37 = tpu.memref_slice %arg6[%arg0, %run_scoped3A_26, %dma_wait3A, %dma_wait3A_36] : memref<2x2x10240x16xf32, #tpu.memory_space<hbm>> -> memref<1x1x10240x16xf32, #tpu.memory_space<hbm>>
      %dma_wait3A_38 = tpu.memref_squeeze %dma_wait3A_37 : memref<1x1x10240x16xf32, #tpu.memory_space<hbm>> -> memref<10240x16xf32, #tpu.memory_space<hbm>>
      %dma_wait3A_39 = arith.constant 0 : i32
      %dma_wait3A_40 = tpu.memref_slice %dma_wait3A_38[%mul3A_25, %dma_wait3A_39] : memref<10240x16xf32, #tpu.memory_space<hbm>> -> memref<640x16xf32, #tpu.memory_space<hbm>>
      %dma_wait3A_41 = arith.constant 0 : i32
      %dma_wait3A_42 = tpu.memref_slice %arg10[%mul3A_23, %dma_wait3A_41] : memref<10240x16xf32, #tpu.memory_space<vmem_shared>> -> memref<640x16xf32, #tpu.memory_space<vmem_shared>>
      tpu.wait_dma2 semaphore(%run_scoped3A_28 : memref<!tpu.dma_semaphore, #tpu.memory_space<semaphore_mem>>) src(%dma_wait3A_42 : memref<640x16xf32, #tpu.memory_space<vmem_shared>>) dst(%dma_wait3A_40 : memref<640x16xf32, #tpu.memory_space<hbm>>)
      tpu.yield
    }) : () -> ()
    %barrier3A_27 = arith.constant 0 : index
    tpu.barrier barrier_id(%barrier3A_27)
    return
  }
}

#map = affine_map<(d0, d1) -> (0, 0)>
#map1 = affine_map<(d0, d1) -> (0, 0, 0)>
module attributes {stable_mosaic.version = 14 : i64} {
  func.func @sc_aggregate(%arg0: i32, %arg1: i32, %arg2: memref<10000x128xf32, #tpu.memory_space<hbm>>, %arg3: memref<32x80x125xi32, #tpu.memory_space<hbm>>, %arg4: memref<32x80x125xi32, #tpu.memory_space<hbm>>, %arg5: memref<640x128xf32, #tpu.memory_space<hbm>>, %arg6: memref<2x10240x128xf32, #tpu.memory_space<hbm>>, %arg7: memref<40x125xi32, #tpu.memory_space<vmem>>, %arg8: memref<40x125xi32, #tpu.memory_space<vmem>>, %arg9: memref<125x128xf32, #tpu.memory_space<vmem>>, %arg10: memref<125x128xf32, #tpu.memory_space<vmem>>, %arg11: memref<10240x128xf32, #tpu.memory_space<vmem_shared>>, %arg12: memref<!tpu.dma_semaphore, #tpu.memory_space<semaphore_mem>>, %arg13: memref<!tpu.dma_semaphore, #tpu.memory_space<semaphore_mem>>, %arg14: memref<!tpu.dma_semaphore, #tpu.memory_space<semaphore_mem>>) attributes {dimension_semantics = [#tpu.dimension_semantics<core_parallel>, #tpu.dimension_semantics<subcore_parallel>], iteration_bounds = array<i64: 2, 16>, scalar_prefetch = 0 : i64, scratch_operands = 8 : i64, tpu.core_type = #tpu.core_type<sc_vector_subcore>, window_params = [{transform_indices = #map}, {transform_indices = #map1}, {transform_indices = #map1}, {transform_indices = #map}, {transform_indices = #map1}]} {
    %mul3A = arith.constant 16 : i32
    %mul3A_0 = arith.muli %arg0, %mul3A : i32
    %add3A = arith.addi %mul3A_0, %arg1 : i32
    %mul3A_1 = arith.constant 640 : i32
    %mul3A_2 = arith.muli %arg1, %mul3A_1 : i32
    %dma_start3A = arith.constant 0 : i32
    %dma_start3A_3 = tpu.memref_slice %arg11[%mul3A_2, %dma_start3A] : memref<10240x128xf32, #tpu.memory_space<vmem_shared>> -> memref<640x128xf32, #tpu.memory_space<vmem_shared>>
    tpu.enqueue_dma source(%arg5 : memref<640x128xf32, #tpu.memory_space<hbm>>) target(%dma_start3A_3 : memref<640x128xf32, #tpu.memory_space<vmem_shared>>) target_semaphore(%arg14 : memref<!tpu.dma_semaphore, #tpu.memory_space<semaphore_mem>>)
    "tpu.region"() ({
      %run_scoped3A = tpu.sem_alloc : memref<!tpu.dma_semaphore, #tpu.memory_space<semaphore_mem>>
      %dma_start3A_33 = arith.constant 0 : i32
      %dma_start3A_34 = arith.constant 0 : i32
      %dma_start3A_35 = tpu.memref_slice %arg3[%add3A, %dma_start3A_33, %dma_start3A_34] : memref<32x80x125xi32, #tpu.memory_space<hbm>> -> memref<1x80x125xi32, #tpu.memory_space<hbm>>
      %dma_start3A_36 = tpu.memref_squeeze %dma_start3A_35 : memref<1x80x125xi32, #tpu.memory_space<hbm>> -> memref<80x125xi32, #tpu.memory_space<hbm>>
      %dma_start3A_37 = arith.constant 0 : i32
      %dma_start3A_38 = arith.constant 0 : i32
      %dma_start3A_39 = tpu.memref_slice %dma_start3A_36[%dma_start3A_37, %dma_start3A_38] : memref<80x125xi32, #tpu.memory_space<hbm>> -> memref<40x125xi32, #tpu.memory_space<hbm>>
      %dma_start3A_40 = arith.constant 0 : i32
      %dma_start3A_41 = arith.constant 0 : i32
      %dma_start3A_42 = tpu.memref_slice %arg3[%add3A, %dma_start3A_40, %dma_start3A_41] : memref<32x80x125xi32, #tpu.memory_space<hbm>> -> memref<1x80x125xi32, #tpu.memory_space<hbm>>
      %dma_start3A_43 = tpu.memref_squeeze %dma_start3A_42 : memref<1x80x125xi32, #tpu.memory_space<hbm>> -> memref<80x125xi32, #tpu.memory_space<hbm>>
      %dma_start3A_44 = arith.constant 0 : i32
      %dma_start3A_45 = arith.constant 0 : i32
      %dma_start3A_46 = tpu.memref_slice %dma_start3A_43[%dma_start3A_44, %dma_start3A_45] : memref<80x125xi32, #tpu.memory_space<hbm>> -> memref<40x125xi32, #tpu.memory_space<hbm>>
      tpu.enqueue_dma source(%dma_start3A_46 : memref<40x125xi32, #tpu.memory_space<hbm>>) target(%arg7 : memref<40x125xi32, #tpu.memory_space<vmem>>) target_semaphore(%run_scoped3A : memref<!tpu.dma_semaphore, #tpu.memory_space<semaphore_mem>>)
      %dma_wait3A_47 = arith.constant 0 : i32
      %dma_wait3A_48 = arith.constant 0 : i32
      %dma_wait3A_49 = tpu.memref_slice %arg3[%add3A, %dma_wait3A_47, %dma_wait3A_48] : memref<32x80x125xi32, #tpu.memory_space<hbm>> -> memref<1x80x125xi32, #tpu.memory_space<hbm>>
      %dma_wait3A_50 = tpu.memref_squeeze %dma_wait3A_49 : memref<1x80x125xi32, #tpu.memory_space<hbm>> -> memref<80x125xi32, #tpu.memory_space<hbm>>
      %dma_wait3A_51 = arith.constant 0 : i32
      %dma_wait3A_52 = arith.constant 0 : i32
      %dma_wait3A_53 = tpu.memref_slice %dma_wait3A_50[%dma_wait3A_51, %dma_wait3A_52] : memref<80x125xi32, #tpu.memory_space<hbm>> -> memref<40x125xi32, #tpu.memory_space<hbm>>
      %dma_wait3A_54 = arith.constant 0 : i32
      %dma_wait3A_55 = arith.constant 0 : i32
      %dma_wait3A_56 = tpu.memref_slice %arg3[%add3A, %dma_wait3A_54, %dma_wait3A_55] : memref<32x80x125xi32, #tpu.memory_space<hbm>> -> memref<1x80x125xi32, #tpu.memory_space<hbm>>
      %dma_wait3A_57 = tpu.memref_squeeze %dma_wait3A_56 : memref<1x80x125xi32, #tpu.memory_space<hbm>> -> memref<80x125xi32, #tpu.memory_space<hbm>>
      %dma_wait3A_58 = arith.constant 0 : i32
      %dma_wait3A_59 = arith.constant 0 : i32
      %dma_wait3A_60 = tpu.memref_slice %dma_wait3A_57[%dma_wait3A_58, %dma_wait3A_59] : memref<80x125xi32, #tpu.memory_space<hbm>> -> memref<40x125xi32, #tpu.memory_space<hbm>>
      tpu.wait_dma2 semaphore(%run_scoped3A : memref<!tpu.dma_semaphore, #tpu.memory_space<semaphore_mem>>) src(%dma_wait3A_60 : memref<40x125xi32, #tpu.memory_space<hbm>>) dst(%arg7 : memref<40x125xi32, #tpu.memory_space<vmem>>)
      tpu.yield
    }) : () -> ()
    "tpu.region"() ({
      %run_scoped3A = tpu.sem_alloc : memref<!tpu.dma_semaphore, #tpu.memory_space<semaphore_mem>>
      %dma_start3A_33 = arith.constant 0 : i32
      %dma_start3A_34 = arith.constant 0 : i32
      %dma_start3A_35 = tpu.memref_slice %arg4[%add3A, %dma_start3A_33, %dma_start3A_34] : memref<32x80x125xi32, #tpu.memory_space<hbm>> -> memref<1x80x125xi32, #tpu.memory_space<hbm>>
      %dma_start3A_36 = tpu.memref_squeeze %dma_start3A_35 : memref<1x80x125xi32, #tpu.memory_space<hbm>> -> memref<80x125xi32, #tpu.memory_space<hbm>>
      %dma_start3A_37 = arith.constant 0 : i32
      %dma_start3A_38 = arith.constant 0 : i32
      %dma_start3A_39 = tpu.memref_slice %dma_start3A_36[%dma_start3A_37, %dma_start3A_38] : memref<80x125xi32, #tpu.memory_space<hbm>> -> memref<40x125xi32, #tpu.memory_space<hbm>>
      %dma_start3A_40 = arith.constant 0 : i32
      %dma_start3A_41 = arith.constant 0 : i32
      %dma_start3A_42 = tpu.memref_slice %arg4[%add3A, %dma_start3A_40, %dma_start3A_41] : memref<32x80x125xi32, #tpu.memory_space<hbm>> -> memref<1x80x125xi32, #tpu.memory_space<hbm>>
      %dma_start3A_43 = tpu.memref_squeeze %dma_start3A_42 : memref<1x80x125xi32, #tpu.memory_space<hbm>> -> memref<80x125xi32, #tpu.memory_space<hbm>>
      %dma_start3A_44 = arith.constant 0 : i32
      %dma_start3A_45 = arith.constant 0 : i32
      %dma_start3A_46 = tpu.memref_slice %dma_start3A_43[%dma_start3A_44, %dma_start3A_45] : memref<80x125xi32, #tpu.memory_space<hbm>> -> memref<40x125xi32, #tpu.memory_space<hbm>>
      tpu.enqueue_dma source(%dma_start3A_46 : memref<40x125xi32, #tpu.memory_space<hbm>>) target(%arg8 : memref<40x125xi32, #tpu.memory_space<vmem>>) target_semaphore(%run_scoped3A : memref<!tpu.dma_semaphore, #tpu.memory_space<semaphore_mem>>)
      %dma_wait3A_47 = arith.constant 0 : i32
      %dma_wait3A_48 = arith.constant 0 : i32
      %dma_wait3A_49 = tpu.memref_slice %arg4[%add3A, %dma_wait3A_47, %dma_wait3A_48] : memref<32x80x125xi32, #tpu.memory_space<hbm>> -> memref<1x80x125xi32, #tpu.memory_space<hbm>>
      %dma_wait3A_50 = tpu.memref_squeeze %dma_wait3A_49 : memref<1x80x125xi32, #tpu.memory_space<hbm>> -> memref<80x125xi32, #tpu.memory_space<hbm>>
      %dma_wait3A_51 = arith.constant 0 : i32
      %dma_wait3A_52 = arith.constant 0 : i32
      %dma_wait3A_53 = tpu.memref_slice %dma_wait3A_50[%dma_wait3A_51, %dma_wait3A_52] : memref<80x125xi32, #tpu.memory_space<hbm>> -> memref<40x125xi32, #tpu.memory_space<hbm>>
      %dma_wait3A_54 = arith.constant 0 : i32
      %dma_wait3A_55 = arith.constant 0 : i32
      %dma_wait3A_56 = tpu.memref_slice %arg4[%add3A, %dma_wait3A_54, %dma_wait3A_55] : memref<32x80x125xi32, #tpu.memory_space<hbm>> -> memref<1x80x125xi32, #tpu.memory_space<hbm>>
      %dma_wait3A_57 = tpu.memref_squeeze %dma_wait3A_56 : memref<1x80x125xi32, #tpu.memory_space<hbm>> -> memref<80x125xi32, #tpu.memory_space<hbm>>
      %dma_wait3A_58 = arith.constant 0 : i32
      %dma_wait3A_59 = arith.constant 0 : i32
      %dma_wait3A_60 = tpu.memref_slice %dma_wait3A_57[%dma_wait3A_58, %dma_wait3A_59] : memref<80x125xi32, #tpu.memory_space<hbm>> -> memref<40x125xi32, #tpu.memory_space<hbm>>
      tpu.wait_dma2 semaphore(%run_scoped3A : memref<!tpu.dma_semaphore, #tpu.memory_space<semaphore_mem>>) src(%dma_wait3A_60 : memref<40x125xi32, #tpu.memory_space<hbm>>) dst(%arg8 : memref<40x125xi32, #tpu.memory_space<vmem>>)
      tpu.yield
    }) : () -> ()
    %dma_start3A_4 = arith.constant 0 : i32
    %dma_start3A_5 = arith.constant 0 : i32
    %dma_start3A_6 = tpu.memref_slice %arg7[%dma_start3A_4, %dma_start3A_5] : memref<40x125xi32, #tpu.memory_space<vmem>> -> memref<1x125xi32, #tpu.memory_space<vmem>>
    %dma_start3A_7 = tpu.memref_squeeze %dma_start3A_6 : memref<1x125xi32, #tpu.memory_space<vmem>> -> memref<125xi32, #tpu.memory_space<vmem>>
    %dma_start3A_8 = arith.constant 0 : i32
    %dma_start3A_9 = arith.constant 0 : i32
    %dma_start3A_10 = tpu.memref_slice %arg2[%dma_start3A_8, %dma_start3A_9] : memref<10000x128xf32, #tpu.memory_space<hbm>> -> memref<10000x128xf32, #tpu.memory_space<hbm>>
    tpu.enqueue_indirect_dma source(%dma_start3A_10 : memref<10000x128xf32, #tpu.memory_space<hbm>>) target(%arg9 : memref<125x128xf32, #tpu.memory_space<vmem>>) offsets(%dma_start3A_7 : memref<125xi32, #tpu.memory_space<vmem>>) semaphore(%arg12 : memref<!tpu.dma_semaphore, #tpu.memory_space<semaphore_mem>>)
    %dma_wait3A = arith.constant 0 : i32
    %dma_wait3A_11 = tpu.memref_slice %arg11[%mul3A_2, %dma_wait3A] : memref<10240x128xf32, #tpu.memory_space<vmem_shared>> -> memref<640x128xf32, #tpu.memory_space<vmem_shared>>
    tpu.wait_dma2 semaphore(%arg14 : memref<!tpu.dma_semaphore, #tpu.memory_space<semaphore_mem>>) src(%arg5 : memref<640x128xf32, #tpu.memory_space<hbm>>) dst(%dma_wait3A_11 : memref<640x128xf32, #tpu.memory_space<vmem_shared>>)
    %barrier3A = arith.constant 0 : index
    tpu.barrier barrier_id(%barrier3A)
    %scan3A = arith.constant 0 : i32
    %scan3A_12 = arith.constant 20 : i32
    %scan3A_13 = arith.addi %scan3A, %scan3A_12 : i32
    %scan3A_14 = arith.constant 1 : i32
    scf.for %scan3A_33 = %scan3A to %scan3A_13 step %scan3A_14  : i32 {
      %mul3A_34 = arith.constant 2 : i32
      %mul3A_35 = arith.muli %scan3A_33, %mul3A_34 : i32
      %add3A_36 = arith.constant 1 : i32
      %add3A_37 = arith.addi %mul3A_35, %add3A_36 : i32
      %dma_start3A_38 = arith.constant 0 : i32
      %dma_start3A_39 = tpu.memref_slice %arg7[%add3A_37, %dma_start3A_38] : memref<40x125xi32, #tpu.memory_space<vmem>> -> memref<1x125xi32, #tpu.memory_space<vmem>>
      %dma_start3A_40 = tpu.memref_squeeze %dma_start3A_39 : memref<1x125xi32, #tpu.memory_space<vmem>> -> memref<125xi32, #tpu.memory_space<vmem>>
      %dma_start3A_41 = arith.constant 0 : i32
      %dma_start3A_42 = arith.constant 0 : i32
      %dma_start3A_43 = tpu.memref_slice %arg2[%dma_start3A_41, %dma_start3A_42] : memref<10000x128xf32, #tpu.memory_space<hbm>> -> memref<10000x128xf32, #tpu.memory_space<hbm>>
      tpu.enqueue_indirect_dma source(%dma_start3A_43 : memref<10000x128xf32, #tpu.memory_space<hbm>>) target(%arg10 : memref<125x128xf32, #tpu.memory_space<vmem>>) offsets(%dma_start3A_40 : memref<125xi32, #tpu.memory_space<vmem>>) semaphore(%arg13 : memref<!tpu.dma_semaphore, #tpu.memory_space<semaphore_mem>>)
      %dma_wait3A_44 = arith.constant 0 : i32
      %dma_wait3A_45 = tpu.memref_slice %arg7[%mul3A_35, %dma_wait3A_44] : memref<40x125xi32, #tpu.memory_space<vmem>> -> memref<1x125xi32, #tpu.memory_space<vmem>>
      %dma_wait3A_46 = tpu.memref_squeeze %dma_wait3A_45 : memref<1x125xi32, #tpu.memory_space<vmem>> -> memref<125xi32, #tpu.memory_space<vmem>>
      %dma_wait3A_47 = arith.constant 0 : i32
      %dma_wait3A_48 = arith.constant 0 : i32
      %dma_wait3A_49 = tpu.memref_slice %arg2[%dma_wait3A_47, %dma_wait3A_48] : memref<10000x128xf32, #tpu.memory_space<hbm>> -> memref<10000x128xf32, #tpu.memory_space<hbm>>
      tpu.wait_indirect_dma semaphore(%arg12 : memref<!tpu.dma_semaphore, #tpu.memory_space<semaphore_mem>>) src(%dma_wait3A_49 : memref<10000x128xf32, #tpu.memory_space<hbm>>) dst(%arg9 : memref<125x128xf32, #tpu.memory_space<vmem>>)
      "tpu.region"() ({
        %run_scoped3A = tpu.sem_alloc : memref<!tpu.dma_semaphore, #tpu.memory_space<semaphore_mem>>
        %dma_start3A_64 = arith.constant 0 : i32
        %dma_start3A_65 = tpu.memref_slice %arg8[%mul3A_35, %dma_start3A_64] : memref<40x125xi32, #tpu.memory_space<vmem>> -> memref<1x125xi32, #tpu.memory_space<vmem>>
        %dma_start3A_66 = tpu.memref_squeeze %dma_start3A_65 : memref<1x125xi32, #tpu.memory_space<vmem>> -> memref<125xi32, #tpu.memory_space<vmem>>
        %dma_start3A_67 = arith.constant 0 : i32
        %dma_start3A_68 = arith.constant 0 : i32
        %dma_start3A_69 = tpu.memref_slice %arg11[%dma_start3A_67, %dma_start3A_68] : memref<10240x128xf32, #tpu.memory_space<vmem_shared>> -> memref<10240x128xf32, #tpu.memory_space<vmem_shared>>
        tpu.enqueue_indirect_dma source(%arg9 : memref<125x128xf32, #tpu.memory_space<vmem>>) target(%dma_start3A_69 : memref<10240x128xf32, #tpu.memory_space<vmem_shared>>) offsets(%dma_start3A_66 : memref<125xi32, #tpu.memory_space<vmem>>) semaphore(%run_scoped3A : memref<!tpu.dma_semaphore, #tpu.memory_space<semaphore_mem>>) {add = true}
        %dma_wait3A_70 = arith.constant 0 : i32
        %dma_wait3A_71 = tpu.memref_slice %arg8[%mul3A_35, %dma_wait3A_70] : memref<40x125xi32, #tpu.memory_space<vmem>> -> memref<1x125xi32, #tpu.memory_space<vmem>>
        %dma_wait3A_72 = tpu.memref_squeeze %dma_wait3A_71 : memref<1x125xi32, #tpu.memory_space<vmem>> -> memref<125xi32, #tpu.memory_space<vmem>>
        %dma_wait3A_73 = arith.constant 0 : i32
        %dma_wait3A_74 = arith.constant 0 : i32
        %dma_wait3A_75 = tpu.memref_slice %arg11[%dma_wait3A_73, %dma_wait3A_74] : memref<10240x128xf32, #tpu.memory_space<vmem_shared>> -> memref<10240x128xf32, #tpu.memory_space<vmem_shared>>
        tpu.wait_indirect_dma semaphore(%run_scoped3A : memref<!tpu.dma_semaphore, #tpu.memory_space<semaphore_mem>>) src(%arg9 : memref<125x128xf32, #tpu.memory_space<vmem>>) dst(%dma_wait3A_75 : memref<10240x128xf32, #tpu.memory_space<vmem_shared>>)
        tpu.yield
      }) : () -> ()
      %add3A_50 = arith.constant 1 : i32
      %add3A_51 = arith.addi %scan3A_33, %add3A_50 : i32
      %lt3A = arith.constant 20 : i32
      %lt3A_52 = arith.cmpi slt, %add3A_51, %lt3A : i32
      %convert_element_type3A = arith.extui %lt3A_52 : i1 to i32
      %cond3A = arith.constant 0 : i32
      %cond3A_53 = arith.cmpi ne, %convert_element_type3A, %cond3A : i32
      scf.if %cond3A_53 {
        %add3A_64 = arith.constant 2 : i32
        %add3A_65 = arith.addi %mul3A_35, %add3A_64 : i32
        %dma_start3A_66 = arith.constant 0 : i32
        %dma_start3A_67 = tpu.memref_slice %arg7[%add3A_65, %dma_start3A_66] : memref<40x125xi32, #tpu.memory_space<vmem>> -> memref<1x125xi32, #tpu.memory_space<vmem>>
        %dma_start3A_68 = tpu.memref_squeeze %dma_start3A_67 : memref<1x125xi32, #tpu.memory_space<vmem>> -> memref<125xi32, #tpu.memory_space<vmem>>
        %dma_start3A_69 = arith.constant 0 : i32
        %dma_start3A_70 = arith.constant 0 : i32
        %dma_start3A_71 = tpu.memref_slice %arg2[%dma_start3A_69, %dma_start3A_70] : memref<10000x128xf32, #tpu.memory_space<hbm>> -> memref<10000x128xf32, #tpu.memory_space<hbm>>
        tpu.enqueue_indirect_dma source(%dma_start3A_71 : memref<10000x128xf32, #tpu.memory_space<hbm>>) target(%arg9 : memref<125x128xf32, #tpu.memory_space<vmem>>) offsets(%dma_start3A_68 : memref<125xi32, #tpu.memory_space<vmem>>) semaphore(%arg12 : memref<!tpu.dma_semaphore, #tpu.memory_space<semaphore_mem>>)
      } else {
      }
      %add3A_54 = arith.constant 1 : i32
      %add3A_55 = arith.addi %mul3A_35, %add3A_54 : i32
      %dma_wait3A_56 = arith.constant 0 : i32
      %dma_wait3A_57 = tpu.memref_slice %arg7[%add3A_55, %dma_wait3A_56] : memref<40x125xi32, #tpu.memory_space<vmem>> -> memref<1x125xi32, #tpu.memory_space<vmem>>
      %dma_wait3A_58 = tpu.memref_squeeze %dma_wait3A_57 : memref<1x125xi32, #tpu.memory_space<vmem>> -> memref<125xi32, #tpu.memory_space<vmem>>
      %dma_wait3A_59 = arith.constant 0 : i32
      %dma_wait3A_60 = arith.constant 0 : i32
      %dma_wait3A_61 = tpu.memref_slice %arg2[%dma_wait3A_59, %dma_wait3A_60] : memref<10000x128xf32, #tpu.memory_space<hbm>> -> memref<10000x128xf32, #tpu.memory_space<hbm>>
      tpu.wait_indirect_dma semaphore(%arg13 : memref<!tpu.dma_semaphore, #tpu.memory_space<semaphore_mem>>) src(%dma_wait3A_61 : memref<10000x128xf32, #tpu.memory_space<hbm>>) dst(%arg10 : memref<125x128xf32, #tpu.memory_space<vmem>>)
      %add3A_62 = arith.constant 1 : i32
      %add3A_63 = arith.addi %mul3A_35, %add3A_62 : i32
      "tpu.region"() ({
        %run_scoped3A = tpu.sem_alloc : memref<!tpu.dma_semaphore, #tpu.memory_space<semaphore_mem>>
        %dma_start3A_64 = arith.constant 0 : i32
        %dma_start3A_65 = tpu.memref_slice %arg8[%add3A_63, %dma_start3A_64] : memref<40x125xi32, #tpu.memory_space<vmem>> -> memref<1x125xi32, #tpu.memory_space<vmem>>
        %dma_start3A_66 = tpu.memref_squeeze %dma_start3A_65 : memref<1x125xi32, #tpu.memory_space<vmem>> -> memref<125xi32, #tpu.memory_space<vmem>>
        %dma_start3A_67 = arith.constant 0 : i32
        %dma_start3A_68 = arith.constant 0 : i32
        %dma_start3A_69 = tpu.memref_slice %arg11[%dma_start3A_67, %dma_start3A_68] : memref<10240x128xf32, #tpu.memory_space<vmem_shared>> -> memref<10240x128xf32, #tpu.memory_space<vmem_shared>>
        tpu.enqueue_indirect_dma source(%arg10 : memref<125x128xf32, #tpu.memory_space<vmem>>) target(%dma_start3A_69 : memref<10240x128xf32, #tpu.memory_space<vmem_shared>>) offsets(%dma_start3A_66 : memref<125xi32, #tpu.memory_space<vmem>>) semaphore(%run_scoped3A : memref<!tpu.dma_semaphore, #tpu.memory_space<semaphore_mem>>) {add = true}
        %dma_wait3A_70 = arith.constant 0 : i32
        %dma_wait3A_71 = tpu.memref_slice %arg8[%add3A_63, %dma_wait3A_70] : memref<40x125xi32, #tpu.memory_space<vmem>> -> memref<1x125xi32, #tpu.memory_space<vmem>>
        %dma_wait3A_72 = tpu.memref_squeeze %dma_wait3A_71 : memref<1x125xi32, #tpu.memory_space<vmem>> -> memref<125xi32, #tpu.memory_space<vmem>>
        %dma_wait3A_73 = arith.constant 0 : i32
        %dma_wait3A_74 = arith.constant 0 : i32
        %dma_wait3A_75 = tpu.memref_slice %arg11[%dma_wait3A_73, %dma_wait3A_74] : memref<10240x128xf32, #tpu.memory_space<vmem_shared>> -> memref<10240x128xf32, #tpu.memory_space<vmem_shared>>
        tpu.wait_indirect_dma semaphore(%run_scoped3A : memref<!tpu.dma_semaphore, #tpu.memory_space<semaphore_mem>>) src(%arg10 : memref<125x128xf32, #tpu.memory_space<vmem>>) dst(%dma_wait3A_75 : memref<10240x128xf32, #tpu.memory_space<vmem_shared>>)
        tpu.yield
      }) : () -> ()
    }
    %scan3A_15 = arith.constant 20 : i32
    "tpu.region"() ({
      %run_scoped3A = tpu.sem_alloc : memref<!tpu.dma_semaphore, #tpu.memory_space<semaphore_mem>>
      %dma_start3A_33 = arith.constant 0 : i32
      %dma_start3A_34 = arith.constant 0 : i32
      %dma_start3A_35 = tpu.memref_slice %arg3[%add3A, %dma_start3A_33, %dma_start3A_34] : memref<32x80x125xi32, #tpu.memory_space<hbm>> -> memref<1x80x125xi32, #tpu.memory_space<hbm>>
      %dma_start3A_36 = tpu.memref_squeeze %dma_start3A_35 : memref<1x80x125xi32, #tpu.memory_space<hbm>> -> memref<80x125xi32, #tpu.memory_space<hbm>>
      %dma_start3A_37 = arith.constant 40 : i32
      %dma_start3A_38 = arith.constant 0 : i32
      %dma_start3A_39 = tpu.memref_slice %dma_start3A_36[%dma_start3A_37, %dma_start3A_38] : memref<80x125xi32, #tpu.memory_space<hbm>> -> memref<40x125xi32, #tpu.memory_space<hbm>>
      %dma_start3A_40 = arith.constant 0 : i32
      %dma_start3A_41 = arith.constant 0 : i32
      %dma_start3A_42 = tpu.memref_slice %arg3[%add3A, %dma_start3A_40, %dma_start3A_41] : memref<32x80x125xi32, #tpu.memory_space<hbm>> -> memref<1x80x125xi32, #tpu.memory_space<hbm>>
      %dma_start3A_43 = tpu.memref_squeeze %dma_start3A_42 : memref<1x80x125xi32, #tpu.memory_space<hbm>> -> memref<80x125xi32, #tpu.memory_space<hbm>>
      %dma_start3A_44 = arith.constant 40 : i32
      %dma_start3A_45 = arith.constant 0 : i32
      %dma_start3A_46 = tpu.memref_slice %dma_start3A_43[%dma_start3A_44, %dma_start3A_45] : memref<80x125xi32, #tpu.memory_space<hbm>> -> memref<40x125xi32, #tpu.memory_space<hbm>>
      tpu.enqueue_dma source(%dma_start3A_46 : memref<40x125xi32, #tpu.memory_space<hbm>>) target(%arg7 : memref<40x125xi32, #tpu.memory_space<vmem>>) target_semaphore(%run_scoped3A : memref<!tpu.dma_semaphore, #tpu.memory_space<semaphore_mem>>)
      %dma_wait3A_47 = arith.constant 0 : i32
      %dma_wait3A_48 = arith.constant 0 : i32
      %dma_wait3A_49 = tpu.memref_slice %arg3[%add3A, %dma_wait3A_47, %dma_wait3A_48] : memref<32x80x125xi32, #tpu.memory_space<hbm>> -> memref<1x80x125xi32, #tpu.memory_space<hbm>>
      %dma_wait3A_50 = tpu.memref_squeeze %dma_wait3A_49 : memref<1x80x125xi32, #tpu.memory_space<hbm>> -> memref<80x125xi32, #tpu.memory_space<hbm>>
      %dma_wait3A_51 = arith.constant 40 : i32
      %dma_wait3A_52 = arith.constant 0 : i32
      %dma_wait3A_53 = tpu.memref_slice %dma_wait3A_50[%dma_wait3A_51, %dma_wait3A_52] : memref<80x125xi32, #tpu.memory_space<hbm>> -> memref<40x125xi32, #tpu.memory_space<hbm>>
      %dma_wait3A_54 = arith.constant 0 : i32
      %dma_wait3A_55 = arith.constant 0 : i32
      %dma_wait3A_56 = tpu.memref_slice %arg3[%add3A, %dma_wait3A_54, %dma_wait3A_55] : memref<32x80x125xi32, #tpu.memory_space<hbm>> -> memref<1x80x125xi32, #tpu.memory_space<hbm>>
      %dma_wait3A_57 = tpu.memref_squeeze %dma_wait3A_56 : memref<1x80x125xi32, #tpu.memory_space<hbm>> -> memref<80x125xi32, #tpu.memory_space<hbm>>
      %dma_wait3A_58 = arith.constant 40 : i32
      %dma_wait3A_59 = arith.constant 0 : i32
      %dma_wait3A_60 = tpu.memref_slice %dma_wait3A_57[%dma_wait3A_58, %dma_wait3A_59] : memref<80x125xi32, #tpu.memory_space<hbm>> -> memref<40x125xi32, #tpu.memory_space<hbm>>
      tpu.wait_dma2 semaphore(%run_scoped3A : memref<!tpu.dma_semaphore, #tpu.memory_space<semaphore_mem>>) src(%dma_wait3A_60 : memref<40x125xi32, #tpu.memory_space<hbm>>) dst(%arg7 : memref<40x125xi32, #tpu.memory_space<vmem>>)
      tpu.yield
    }) : () -> ()
    "tpu.region"() ({
      %run_scoped3A = tpu.sem_alloc : memref<!tpu.dma_semaphore, #tpu.memory_space<semaphore_mem>>
      %dma_start3A_33 = arith.constant 0 : i32
      %dma_start3A_34 = arith.constant 0 : i32
      %dma_start3A_35 = tpu.memref_slice %arg4[%add3A, %dma_start3A_33, %dma_start3A_34] : memref<32x80x125xi32, #tpu.memory_space<hbm>> -> memref<1x80x125xi32, #tpu.memory_space<hbm>>
      %dma_start3A_36 = tpu.memref_squeeze %dma_start3A_35 : memref<1x80x125xi32, #tpu.memory_space<hbm>> -> memref<80x125xi32, #tpu.memory_space<hbm>>
      %dma_start3A_37 = arith.constant 40 : i32
      %dma_start3A_38 = arith.constant 0 : i32
      %dma_start3A_39 = tpu.memref_slice %dma_start3A_36[%dma_start3A_37, %dma_start3A_38] : memref<80x125xi32, #tpu.memory_space<hbm>> -> memref<40x125xi32, #tpu.memory_space<hbm>>
      %dma_start3A_40 = arith.constant 0 : i32
      %dma_start3A_41 = arith.constant 0 : i32
      %dma_start3A_42 = tpu.memref_slice %arg4[%add3A, %dma_start3A_40, %dma_start3A_41] : memref<32x80x125xi32, #tpu.memory_space<hbm>> -> memref<1x80x125xi32, #tpu.memory_space<hbm>>
      %dma_start3A_43 = tpu.memref_squeeze %dma_start3A_42 : memref<1x80x125xi32, #tpu.memory_space<hbm>> -> memref<80x125xi32, #tpu.memory_space<hbm>>
      %dma_start3A_44 = arith.constant 40 : i32
      %dma_start3A_45 = arith.constant 0 : i32
      %dma_start3A_46 = tpu.memref_slice %dma_start3A_43[%dma_start3A_44, %dma_start3A_45] : memref<80x125xi32, #tpu.memory_space<hbm>> -> memref<40x125xi32, #tpu.memory_space<hbm>>
      tpu.enqueue_dma source(%dma_start3A_46 : memref<40x125xi32, #tpu.memory_space<hbm>>) target(%arg8 : memref<40x125xi32, #tpu.memory_space<vmem>>) target_semaphore(%run_scoped3A : memref<!tpu.dma_semaphore, #tpu.memory_space<semaphore_mem>>)
      %dma_wait3A_47 = arith.constant 0 : i32
      %dma_wait3A_48 = arith.constant 0 : i32
      %dma_wait3A_49 = tpu.memref_slice %arg4[%add3A, %dma_wait3A_47, %dma_wait3A_48] : memref<32x80x125xi32, #tpu.memory_space<hbm>> -> memref<1x80x125xi32, #tpu.memory_space<hbm>>
      %dma_wait3A_50 = tpu.memref_squeeze %dma_wait3A_49 : memref<1x80x125xi32, #tpu.memory_space<hbm>> -> memref<80x125xi32, #tpu.memory_space<hbm>>
      %dma_wait3A_51 = arith.constant 40 : i32
      %dma_wait3A_52 = arith.constant 0 : i32
      %dma_wait3A_53 = tpu.memref_slice %dma_wait3A_50[%dma_wait3A_51, %dma_wait3A_52] : memref<80x125xi32, #tpu.memory_space<hbm>> -> memref<40x125xi32, #tpu.memory_space<hbm>>
      %dma_wait3A_54 = arith.constant 0 : i32
      %dma_wait3A_55 = arith.constant 0 : i32
      %dma_wait3A_56 = tpu.memref_slice %arg4[%add3A, %dma_wait3A_54, %dma_wait3A_55] : memref<32x80x125xi32, #tpu.memory_space<hbm>> -> memref<1x80x125xi32, #tpu.memory_space<hbm>>
      %dma_wait3A_57 = tpu.memref_squeeze %dma_wait3A_56 : memref<1x80x125xi32, #tpu.memory_space<hbm>> -> memref<80x125xi32, #tpu.memory_space<hbm>>
      %dma_wait3A_58 = arith.constant 40 : i32
      %dma_wait3A_59 = arith.constant 0 : i32
      %dma_wait3A_60 = tpu.memref_slice %dma_wait3A_57[%dma_wait3A_58, %dma_wait3A_59] : memref<80x125xi32, #tpu.memory_space<hbm>> -> memref<40x125xi32, #tpu.memory_space<hbm>>
      tpu.wait_dma2 semaphore(%run_scoped3A : memref<!tpu.dma_semaphore, #tpu.memory_space<semaphore_mem>>) src(%dma_wait3A_60 : memref<40x125xi32, #tpu.memory_space<hbm>>) dst(%arg8 : memref<40x125xi32, #tpu.memory_space<vmem>>)
      tpu.yield
    }) : () -> ()
    %dma_start3A_16 = arith.constant 0 : i32
    %dma_start3A_17 = arith.constant 0 : i32
    %dma_start3A_18 = tpu.memref_slice %arg7[%dma_start3A_16, %dma_start3A_17] : memref<40x125xi32, #tpu.memory_space<vmem>> -> memref<1x125xi32, #tpu.memory_space<vmem>>
    %dma_start3A_19 = tpu.memref_squeeze %dma_start3A_18 : memref<1x125xi32, #tpu.memory_space<vmem>> -> memref<125xi32, #tpu.memory_space<vmem>>
    %dma_start3A_20 = arith.constant 0 : i32
    %dma_start3A_21 = arith.constant 0 : i32
    %dma_start3A_22 = tpu.memref_slice %arg2[%dma_start3A_20, %dma_start3A_21] : memref<10000x128xf32, #tpu.memory_space<hbm>> -> memref<10000x128xf32, #tpu.memory_space<hbm>>
    tpu.enqueue_indirect_dma source(%dma_start3A_22 : memref<10000x128xf32, #tpu.memory_space<hbm>>) target(%arg9 : memref<125x128xf32, #tpu.memory_space<vmem>>) offsets(%dma_start3A_19 : memref<125xi32, #tpu.memory_space<vmem>>) semaphore(%arg12 : memref<!tpu.dma_semaphore, #tpu.memory_space<semaphore_mem>>)
    %scan3A_23 = arith.constant 0 : i32
    %scan3A_24 = arith.constant 20 : i32
    %scan3A_25 = arith.addi %scan3A_23, %scan3A_24 : i32
    %scan3A_26 = arith.constant 1 : i32
    scf.for %scan3A_33 = %scan3A_23 to %scan3A_25 step %scan3A_26  : i32 {
      %mul3A_34 = arith.constant 2 : i32
      %mul3A_35 = arith.muli %scan3A_33, %mul3A_34 : i32
      %add3A_36 = arith.constant 1 : i32
      %add3A_37 = arith.addi %mul3A_35, %add3A_36 : i32
      %dma_start3A_38 = arith.constant 0 : i32
      %dma_start3A_39 = tpu.memref_slice %arg7[%add3A_37, %dma_start3A_38] : memref<40x125xi32, #tpu.memory_space<vmem>> -> memref<1x125xi32, #tpu.memory_space<vmem>>
      %dma_start3A_40 = tpu.memref_squeeze %dma_start3A_39 : memref<1x125xi32, #tpu.memory_space<vmem>> -> memref<125xi32, #tpu.memory_space<vmem>>
      %dma_start3A_41 = arith.constant 0 : i32
      %dma_start3A_42 = arith.constant 0 : i32
      %dma_start3A_43 = tpu.memref_slice %arg2[%dma_start3A_41, %dma_start3A_42] : memref<10000x128xf32, #tpu.memory_space<hbm>> -> memref<10000x128xf32, #tpu.memory_space<hbm>>
      tpu.enqueue_indirect_dma source(%dma_start3A_43 : memref<10000x128xf32, #tpu.memory_space<hbm>>) target(%arg10 : memref<125x128xf32, #tpu.memory_space<vmem>>) offsets(%dma_start3A_40 : memref<125xi32, #tpu.memory_space<vmem>>) semaphore(%arg13 : memref<!tpu.dma_semaphore, #tpu.memory_space<semaphore_mem>>)
      %dma_wait3A_44 = arith.constant 0 : i32
      %dma_wait3A_45 = tpu.memref_slice %arg7[%mul3A_35, %dma_wait3A_44] : memref<40x125xi32, #tpu.memory_space<vmem>> -> memref<1x125xi32, #tpu.memory_space<vmem>>
      %dma_wait3A_46 = tpu.memref_squeeze %dma_wait3A_45 : memref<1x125xi32, #tpu.memory_space<vmem>> -> memref<125xi32, #tpu.memory_space<vmem>>
      %dma_wait3A_47 = arith.constant 0 : i32
      %dma_wait3A_48 = arith.constant 0 : i32
      %dma_wait3A_49 = tpu.memref_slice %arg2[%dma_wait3A_47, %dma_wait3A_48] : memref<10000x128xf32, #tpu.memory_space<hbm>> -> memref<10000x128xf32, #tpu.memory_space<hbm>>
      tpu.wait_indirect_dma semaphore(%arg12 : memref<!tpu.dma_semaphore, #tpu.memory_space<semaphore_mem>>) src(%dma_wait3A_49 : memref<10000x128xf32, #tpu.memory_space<hbm>>) dst(%arg9 : memref<125x128xf32, #tpu.memory_space<vmem>>)
      "tpu.region"() ({
        %run_scoped3A = tpu.sem_alloc : memref<!tpu.dma_semaphore, #tpu.memory_space<semaphore_mem>>
        %dma_start3A_64 = arith.constant 0 : i32
        %dma_start3A_65 = tpu.memref_slice %arg8[%mul3A_35, %dma_start3A_64] : memref<40x125xi32, #tpu.memory_space<vmem>> -> memref<1x125xi32, #tpu.memory_space<vmem>>
        %dma_start3A_66 = tpu.memref_squeeze %dma_start3A_65 : memref<1x125xi32, #tpu.memory_space<vmem>> -> memref<125xi32, #tpu.memory_space<vmem>>
        %dma_start3A_67 = arith.constant 0 : i32
        %dma_start3A_68 = arith.constant 0 : i32
        %dma_start3A_69 = tpu.memref_slice %arg11[%dma_start3A_67, %dma_start3A_68] : memref<10240x128xf32, #tpu.memory_space<vmem_shared>> -> memref<10240x128xf32, #tpu.memory_space<vmem_shared>>
        tpu.enqueue_indirect_dma source(%arg9 : memref<125x128xf32, #tpu.memory_space<vmem>>) target(%dma_start3A_69 : memref<10240x128xf32, #tpu.memory_space<vmem_shared>>) offsets(%dma_start3A_66 : memref<125xi32, #tpu.memory_space<vmem>>) semaphore(%run_scoped3A : memref<!tpu.dma_semaphore, #tpu.memory_space<semaphore_mem>>) {add = true}
        %dma_wait3A_70 = arith.constant 0 : i32
        %dma_wait3A_71 = tpu.memref_slice %arg8[%mul3A_35, %dma_wait3A_70] : memref<40x125xi32, #tpu.memory_space<vmem>> -> memref<1x125xi32, #tpu.memory_space<vmem>>
        %dma_wait3A_72 = tpu.memref_squeeze %dma_wait3A_71 : memref<1x125xi32, #tpu.memory_space<vmem>> -> memref<125xi32, #tpu.memory_space<vmem>>
        %dma_wait3A_73 = arith.constant 0 : i32
        %dma_wait3A_74 = arith.constant 0 : i32
        %dma_wait3A_75 = tpu.memref_slice %arg11[%dma_wait3A_73, %dma_wait3A_74] : memref<10240x128xf32, #tpu.memory_space<vmem_shared>> -> memref<10240x128xf32, #tpu.memory_space<vmem_shared>>
        tpu.wait_indirect_dma semaphore(%run_scoped3A : memref<!tpu.dma_semaphore, #tpu.memory_space<semaphore_mem>>) src(%arg9 : memref<125x128xf32, #tpu.memory_space<vmem>>) dst(%dma_wait3A_75 : memref<10240x128xf32, #tpu.memory_space<vmem_shared>>)
        tpu.yield
      }) : () -> ()
      %add3A_50 = arith.constant 1 : i32
      %add3A_51 = arith.addi %scan3A_33, %add3A_50 : i32
      %lt3A = arith.constant 20 : i32
      %lt3A_52 = arith.cmpi slt, %add3A_51, %lt3A : i32
      %convert_element_type3A = arith.extui %lt3A_52 : i1 to i32
      %cond3A = arith.constant 0 : i32
      %cond3A_53 = arith.cmpi ne, %convert_element_type3A, %cond3A : i32
      scf.if %cond3A_53 {
        %add3A_64 = arith.constant 2 : i32
        %add3A_65 = arith.addi %mul3A_35, %add3A_64 : i32
        %dma_start3A_66 = arith.constant 0 : i32
        %dma_start3A_67 = tpu.memref_slice %arg7[%add3A_65, %dma_start3A_66] : memref<40x125xi32, #tpu.memory_space<vmem>> -> memref<1x125xi32, #tpu.memory_space<vmem>>
        %dma_start3A_68 = tpu.memref_squeeze %dma_start3A_67 : memref<1x125xi32, #tpu.memory_space<vmem>> -> memref<125xi32, #tpu.memory_space<vmem>>
        %dma_start3A_69 = arith.constant 0 : i32
        %dma_start3A_70 = arith.constant 0 : i32
        %dma_start3A_71 = tpu.memref_slice %arg2[%dma_start3A_69, %dma_start3A_70] : memref<10000x128xf32, #tpu.memory_space<hbm>> -> memref<10000x128xf32, #tpu.memory_space<hbm>>
        tpu.enqueue_indirect_dma source(%dma_start3A_71 : memref<10000x128xf32, #tpu.memory_space<hbm>>) target(%arg9 : memref<125x128xf32, #tpu.memory_space<vmem>>) offsets(%dma_start3A_68 : memref<125xi32, #tpu.memory_space<vmem>>) semaphore(%arg12 : memref<!tpu.dma_semaphore, #tpu.memory_space<semaphore_mem>>)
      } else {
      }
      %add3A_54 = arith.constant 1 : i32
      %add3A_55 = arith.addi %mul3A_35, %add3A_54 : i32
      %dma_wait3A_56 = arith.constant 0 : i32
      %dma_wait3A_57 = tpu.memref_slice %arg7[%add3A_55, %dma_wait3A_56] : memref<40x125xi32, #tpu.memory_space<vmem>> -> memref<1x125xi32, #tpu.memory_space<vmem>>
      %dma_wait3A_58 = tpu.memref_squeeze %dma_wait3A_57 : memref<1x125xi32, #tpu.memory_space<vmem>> -> memref<125xi32, #tpu.memory_space<vmem>>
      %dma_wait3A_59 = arith.constant 0 : i32
      %dma_wait3A_60 = arith.constant 0 : i32
      %dma_wait3A_61 = tpu.memref_slice %arg2[%dma_wait3A_59, %dma_wait3A_60] : memref<10000x128xf32, #tpu.memory_space<hbm>> -> memref<10000x128xf32, #tpu.memory_space<hbm>>
      tpu.wait_indirect_dma semaphore(%arg13 : memref<!tpu.dma_semaphore, #tpu.memory_space<semaphore_mem>>) src(%dma_wait3A_61 : memref<10000x128xf32, #tpu.memory_space<hbm>>) dst(%arg10 : memref<125x128xf32, #tpu.memory_space<vmem>>)
      %add3A_62 = arith.constant 1 : i32
      %add3A_63 = arith.addi %mul3A_35, %add3A_62 : i32
      "tpu.region"() ({
        %run_scoped3A = tpu.sem_alloc : memref<!tpu.dma_semaphore, #tpu.memory_space<semaphore_mem>>
        %dma_start3A_64 = arith.constant 0 : i32
        %dma_start3A_65 = tpu.memref_slice %arg8[%add3A_63, %dma_start3A_64] : memref<40x125xi32, #tpu.memory_space<vmem>> -> memref<1x125xi32, #tpu.memory_space<vmem>>
        %dma_start3A_66 = tpu.memref_squeeze %dma_start3A_65 : memref<1x125xi32, #tpu.memory_space<vmem>> -> memref<125xi32, #tpu.memory_space<vmem>>
        %dma_start3A_67 = arith.constant 0 : i32
        %dma_start3A_68 = arith.constant 0 : i32
        %dma_start3A_69 = tpu.memref_slice %arg11[%dma_start3A_67, %dma_start3A_68] : memref<10240x128xf32, #tpu.memory_space<vmem_shared>> -> memref<10240x128xf32, #tpu.memory_space<vmem_shared>>
        tpu.enqueue_indirect_dma source(%arg10 : memref<125x128xf32, #tpu.memory_space<vmem>>) target(%dma_start3A_69 : memref<10240x128xf32, #tpu.memory_space<vmem_shared>>) offsets(%dma_start3A_66 : memref<125xi32, #tpu.memory_space<vmem>>) semaphore(%run_scoped3A : memref<!tpu.dma_semaphore, #tpu.memory_space<semaphore_mem>>) {add = true}
        %dma_wait3A_70 = arith.constant 0 : i32
        %dma_wait3A_71 = tpu.memref_slice %arg8[%add3A_63, %dma_wait3A_70] : memref<40x125xi32, #tpu.memory_space<vmem>> -> memref<1x125xi32, #tpu.memory_space<vmem>>
        %dma_wait3A_72 = tpu.memref_squeeze %dma_wait3A_71 : memref<1x125xi32, #tpu.memory_space<vmem>> -> memref<125xi32, #tpu.memory_space<vmem>>
        %dma_wait3A_73 = arith.constant 0 : i32
        %dma_wait3A_74 = arith.constant 0 : i32
        %dma_wait3A_75 = tpu.memref_slice %arg11[%dma_wait3A_73, %dma_wait3A_74] : memref<10240x128xf32, #tpu.memory_space<vmem_shared>> -> memref<10240x128xf32, #tpu.memory_space<vmem_shared>>
        tpu.wait_indirect_dma semaphore(%run_scoped3A : memref<!tpu.dma_semaphore, #tpu.memory_space<semaphore_mem>>) src(%arg10 : memref<125x128xf32, #tpu.memory_space<vmem>>) dst(%dma_wait3A_75 : memref<10240x128xf32, #tpu.memory_space<vmem_shared>>)
        tpu.yield
      }) : () -> ()
    }
    %scan3A_27 = arith.constant 20 : i32
    %barrier3A_28 = arith.constant 0 : index
    tpu.barrier barrier_id(%barrier3A_28)
    %mul3A_29 = arith.constant 640 : i32
    %mul3A_30 = arith.muli %arg1, %mul3A_29 : i32
    %mul3A_31 = arith.constant 640 : i32
    %mul3A_32 = arith.muli %arg1, %mul3A_31 : i32
    "tpu.region"() ({
      %run_scoped3A = tpu.sem_alloc : memref<!tpu.dma_semaphore, #tpu.memory_space<semaphore_mem>>
      %dma_start3A_33 = arith.constant 0 : i32
      %dma_start3A_34 = arith.constant 0 : i32
      %dma_start3A_35 = tpu.memref_slice %arg6[%arg0, %dma_start3A_33, %dma_start3A_34] : memref<2x10240x128xf32, #tpu.memory_space<hbm>> -> memref<1x10240x128xf32, #tpu.memory_space<hbm>>
      %dma_start3A_36 = tpu.memref_squeeze %dma_start3A_35 : memref<1x10240x128xf32, #tpu.memory_space<hbm>> -> memref<10240x128xf32, #tpu.memory_space<hbm>>
      %dma_start3A_37 = arith.constant 0 : i32
      %dma_start3A_38 = tpu.memref_slice %dma_start3A_36[%mul3A_32, %dma_start3A_37] : memref<10240x128xf32, #tpu.memory_space<hbm>> -> memref<640x128xf32, #tpu.memory_space<hbm>>
      %dma_start3A_39 = arith.constant 0 : i32
      %dma_start3A_40 = tpu.memref_slice %arg11[%mul3A_30, %dma_start3A_39] : memref<10240x128xf32, #tpu.memory_space<vmem_shared>> -> memref<640x128xf32, #tpu.memory_space<vmem_shared>>
      tpu.enqueue_dma source(%dma_start3A_40 : memref<640x128xf32, #tpu.memory_space<vmem_shared>>) target(%dma_start3A_38 : memref<640x128xf32, #tpu.memory_space<hbm>>) target_semaphore(%run_scoped3A : memref<!tpu.dma_semaphore, #tpu.memory_space<semaphore_mem>>)
      %dma_wait3A_41 = arith.constant 0 : i32
      %dma_wait3A_42 = arith.constant 0 : i32
      %dma_wait3A_43 = tpu.memref_slice %arg6[%arg0, %dma_wait3A_41, %dma_wait3A_42] : memref<2x10240x128xf32, #tpu.memory_space<hbm>> -> memref<1x10240x128xf32, #tpu.memory_space<hbm>>
      %dma_wait3A_44 = tpu.memref_squeeze %dma_wait3A_43 : memref<1x10240x128xf32, #tpu.memory_space<hbm>> -> memref<10240x128xf32, #tpu.memory_space<hbm>>
      %dma_wait3A_45 = arith.constant 0 : i32
      %dma_wait3A_46 = tpu.memref_slice %dma_wait3A_44[%mul3A_32, %dma_wait3A_45] : memref<10240x128xf32, #tpu.memory_space<hbm>> -> memref<640x128xf32, #tpu.memory_space<hbm>>
      %dma_wait3A_47 = arith.constant 0 : i32
      %dma_wait3A_48 = tpu.memref_slice %arg11[%mul3A_30, %dma_wait3A_47] : memref<10240x128xf32, #tpu.memory_space<vmem_shared>> -> memref<640x128xf32, #tpu.memory_space<vmem_shared>>
      tpu.wait_dma2 semaphore(%run_scoped3A : memref<!tpu.dma_semaphore, #tpu.memory_space<semaphore_mem>>) src(%dma_wait3A_48 : memref<640x128xf32, #tpu.memory_space<vmem_shared>>) dst(%dma_wait3A_46 : memref<640x128xf32, #tpu.memory_space<hbm>>)
      tpu.yield
    }) : () -> ()
    return
  }
}

#map = affine_map<(d0, d1) -> (0, 0)>
#map1 = affine_map<(d0, d1) -> (0, 0, 0)>
module attributes {stable_mosaic.version = 14 : i64} {
  func.func @sc_aggregate(%arg0: i32, %arg1: i32, %arg2: memref<10000x128xf32, #tpu.memory_space<hbm>>, %arg3: memref<32x80x125xi32, #tpu.memory_space<hbm>>, %arg4: memref<32x80x125xi32, #tpu.memory_space<hbm>>, %arg5: memref<640x128xf32, #tpu.memory_space<hbm>>, %arg6: memref<2x10240x128xf32, #tpu.memory_space<hbm>>, %arg7: memref<40x125xi32, #tpu.memory_space<vmem>>, %arg8: memref<40x125xi32, #tpu.memory_space<vmem>>, %arg9: memref<125x128xf32, #tpu.memory_space<vmem>>, %arg10: memref<125x128xf32, #tpu.memory_space<vmem>>, %arg11: memref<10240x128xf32, #tpu.memory_space<vmem_shared>>, %arg12: memref<!tpu.dma_semaphore, #tpu.memory_space<semaphore_mem>>, %arg13: memref<!tpu.dma_semaphore, #tpu.memory_space<semaphore_mem>>, %arg14: memref<!tpu.dma_semaphore, #tpu.memory_space<semaphore_mem>>) attributes {dimension_semantics = [#tpu.dimension_semantics<core_parallel>, #tpu.dimension_semantics<subcore_parallel>], iteration_bounds = array<i64: 2, 16>, scalar_prefetch = 0 : i64, scratch_operands = 8 : i64, tpu.core_type = #tpu.core_type<sc_vector_subcore>, window_params = [{transform_indices = #map}, {transform_indices = #map1}, {transform_indices = #map1}, {transform_indices = #map}, {transform_indices = #map1}]} {
    %mul3A = arith.constant 16 : i32
    %mul3A_0 = arith.muli %arg0, %mul3A : i32
    %add3A = arith.addi %mul3A_0, %arg1 : i32
    %mul3A_1 = arith.constant 640 : i32
    %mul3A_2 = arith.muli %arg1, %mul3A_1 : i32
    %dma_start3A = arith.constant 0 : i32
    %dma_start3A_3 = tpu.memref_slice %arg11[%mul3A_2, %dma_start3A] : memref<10240x128xf32, #tpu.memory_space<vmem_shared>> -> memref<640x128xf32, #tpu.memory_space<vmem_shared>>
    tpu.enqueue_dma source(%arg5 : memref<640x128xf32, #tpu.memory_space<hbm>>) target(%dma_start3A_3 : memref<640x128xf32, #tpu.memory_space<vmem_shared>>) target_semaphore(%arg14 : memref<!tpu.dma_semaphore, #tpu.memory_space<semaphore_mem>>)
    "tpu.region"() ({
      %run_scoped3A = tpu.sem_alloc : memref<!tpu.dma_semaphore, #tpu.memory_space<semaphore_mem>>
      %dma_start3A_33 = arith.constant 0 : i32
      %dma_start3A_34 = arith.constant 0 : i32
      %dma_start3A_35 = tpu.memref_slice %arg3[%add3A, %dma_start3A_33, %dma_start3A_34] : memref<32x80x125xi32, #tpu.memory_space<hbm>> -> memref<1x80x125xi32, #tpu.memory_space<hbm>>
      %dma_start3A_36 = tpu.memref_squeeze %dma_start3A_35 : memref<1x80x125xi32, #tpu.memory_space<hbm>> -> memref<80x125xi32, #tpu.memory_space<hbm>>
      %dma_start3A_37 = arith.constant 0 : i32
      %dma_start3A_38 = arith.constant 0 : i32
      %dma_start3A_39 = tpu.memref_slice %dma_start3A_36[%dma_start3A_37, %dma_start3A_38] : memref<80x125xi32, #tpu.memory_space<hbm>> -> memref<40x125xi32, #tpu.memory_space<hbm>>
      %dma_start3A_40 = arith.constant 0 : i32
      %dma_start3A_41 = arith.constant 0 : i32
      %dma_start3A_42 = tpu.memref_slice %arg3[%add3A, %dma_start3A_40, %dma_start3A_41] : memref<32x80x125xi32, #tpu.memory_space<hbm>> -> memref<1x80x125xi32, #tpu.memory_space<hbm>>
      %dma_start3A_43 = tpu.memref_squeeze %dma_start3A_42 : memref<1x80x125xi32, #tpu.memory_space<hbm>> -> memref<80x125xi32, #tpu.memory_space<hbm>>
      %dma_start3A_44 = arith.constant 0 : i32
      %dma_start3A_45 = arith.constant 0 : i32
      %dma_start3A_46 = tpu.memref_slice %dma_start3A_43[%dma_start3A_44, %dma_start3A_45] : memref<80x125xi32, #tpu.memory_space<hbm>> -> memref<40x125xi32, #tpu.memory_space<hbm>>
      tpu.enqueue_dma source(%dma_start3A_46 : memref<40x125xi32, #tpu.memory_space<hbm>>) target(%arg7 : memref<40x125xi32, #tpu.memory_space<vmem>>) target_semaphore(%run_scoped3A : memref<!tpu.dma_semaphore, #tpu.memory_space<semaphore_mem>>)
      %dma_wait3A_47 = arith.constant 0 : i32
      %dma_wait3A_48 = arith.constant 0 : i32
      %dma_wait3A_49 = tpu.memref_slice %arg3[%add3A, %dma_wait3A_47, %dma_wait3A_48] : memref<32x80x125xi32, #tpu.memory_space<hbm>> -> memref<1x80x125xi32, #tpu.memory_space<hbm>>
      %dma_wait3A_50 = tpu.memref_squeeze %dma_wait3A_49 : memref<1x80x125xi32, #tpu.memory_space<hbm>> -> memref<80x125xi32, #tpu.memory_space<hbm>>
      %dma_wait3A_51 = arith.constant 0 : i32
      %dma_wait3A_52 = arith.constant 0 : i32
      %dma_wait3A_53 = tpu.memref_slice %dma_wait3A_50[%dma_wait3A_51, %dma_wait3A_52] : memref<80x125xi32, #tpu.memory_space<hbm>> -> memref<40x125xi32, #tpu.memory_space<hbm>>
      %dma_wait3A_54 = arith.constant 0 : i32
      %dma_wait3A_55 = arith.constant 0 : i32
      %dma_wait3A_56 = tpu.memref_slice %arg3[%add3A, %dma_wait3A_54, %dma_wait3A_55] : memref<32x80x125xi32, #tpu.memory_space<hbm>> -> memref<1x80x125xi32, #tpu.memory_space<hbm>>
      %dma_wait3A_57 = tpu.memref_squeeze %dma_wait3A_56 : memref<1x80x125xi32, #tpu.memory_space<hbm>> -> memref<80x125xi32, #tpu.memory_space<hbm>>
      %dma_wait3A_58 = arith.constant 0 : i32
      %dma_wait3A_59 = arith.constant 0 : i32
      %dma_wait3A_60 = tpu.memref_slice %dma_wait3A_57[%dma_wait3A_58, %dma_wait3A_59] : memref<80x125xi32, #tpu.memory_space<hbm>> -> memref<40x125xi32, #tpu.memory_space<hbm>>
      tpu.wait_dma2 semaphore(%run_scoped3A : memref<!tpu.dma_semaphore, #tpu.memory_space<semaphore_mem>>) src(%dma_wait3A_60 : memref<40x125xi32, #tpu.memory_space<hbm>>) dst(%arg7 : memref<40x125xi32, #tpu.memory_space<vmem>>)
      tpu.yield
    }) : () -> ()
    "tpu.region"() ({
      %run_scoped3A = tpu.sem_alloc : memref<!tpu.dma_semaphore, #tpu.memory_space<semaphore_mem>>
      %dma_start3A_33 = arith.constant 0 : i32
      %dma_start3A_34 = arith.constant 0 : i32
      %dma_start3A_35 = tpu.memref_slice %arg4[%add3A, %dma_start3A_33, %dma_start3A_34] : memref<32x80x125xi32, #tpu.memory_space<hbm>> -> memref<1x80x125xi32, #tpu.memory_space<hbm>>
      %dma_start3A_36 = tpu.memref_squeeze %dma_start3A_35 : memref<1x80x125xi32, #tpu.memory_space<hbm>> -> memref<80x125xi32, #tpu.memory_space<hbm>>
      %dma_start3A_37 = arith.constant 0 : i32
      %dma_start3A_38 = arith.constant 0 : i32
      %dma_start3A_39 = tpu.memref_slice %dma_start3A_36[%dma_start3A_37, %dma_start3A_38] : memref<80x125xi32, #tpu.memory_space<hbm>> -> memref<40x125xi32, #tpu.memory_space<hbm>>
      %dma_start3A_40 = arith.constant 0 : i32
      %dma_start3A_41 = arith.constant 0 : i32
      %dma_start3A_42 = tpu.memref_slice %arg4[%add3A, %dma_start3A_40, %dma_start3A_41] : memref<32x80x125xi32, #tpu.memory_space<hbm>> -> memref<1x80x125xi32, #tpu.memory_space<hbm>>
      %dma_start3A_43 = tpu.memref_squeeze %dma_start3A_42 : memref<1x80x125xi32, #tpu.memory_space<hbm>> -> memref<80x125xi32, #tpu.memory_space<hbm>>
      %dma_start3A_44 = arith.constant 0 : i32
      %dma_start3A_45 = arith.constant 0 : i32
      %dma_start3A_46 = tpu.memref_slice %dma_start3A_43[%dma_start3A_44, %dma_start3A_45] : memref<80x125xi32, #tpu.memory_space<hbm>> -> memref<40x125xi32, #tpu.memory_space<hbm>>
      tpu.enqueue_dma source(%dma_start3A_46 : memref<40x125xi32, #tpu.memory_space<hbm>>) target(%arg8 : memref<40x125xi32, #tpu.memory_space<vmem>>) target_semaphore(%run_scoped3A : memref<!tpu.dma_semaphore, #tpu.memory_space<semaphore_mem>>)
      %dma_wait3A_47 = arith.constant 0 : i32
      %dma_wait3A_48 = arith.constant 0 : i32
      %dma_wait3A_49 = tpu.memref_slice %arg4[%add3A, %dma_wait3A_47, %dma_wait3A_48] : memref<32x80x125xi32, #tpu.memory_space<hbm>> -> memref<1x80x125xi32, #tpu.memory_space<hbm>>
      %dma_wait3A_50 = tpu.memref_squeeze %dma_wait3A_49 : memref<1x80x125xi32, #tpu.memory_space<hbm>> -> memref<80x125xi32, #tpu.memory_space<hbm>>
      %dma_wait3A_51 = arith.constant 0 : i32
      %dma_wait3A_52 = arith.constant 0 : i32
      %dma_wait3A_53 = tpu.memref_slice %dma_wait3A_50[%dma_wait3A_51, %dma_wait3A_52] : memref<80x125xi32, #tpu.memory_space<hbm>> -> memref<40x125xi32, #tpu.memory_space<hbm>>
      %dma_wait3A_54 = arith.constant 0 : i32
      %dma_wait3A_55 = arith.constant 0 : i32
      %dma_wait3A_56 = tpu.memref_slice %arg4[%add3A, %dma_wait3A_54, %dma_wait3A_55] : memref<32x80x125xi32, #tpu.memory_space<hbm>> -> memref<1x80x125xi32, #tpu.memory_space<hbm>>
      %dma_wait3A_57 = tpu.memref_squeeze %dma_wait3A_56 : memref<1x80x125xi32, #tpu.memory_space<hbm>> -> memref<80x125xi32, #tpu.memory_space<hbm>>
      %dma_wait3A_58 = arith.constant 0 : i32
      %dma_wait3A_59 = arith.constant 0 : i32
      %dma_wait3A_60 = tpu.memref_slice %dma_wait3A_57[%dma_wait3A_58, %dma_wait3A_59] : memref<80x125xi32, #tpu.memory_space<hbm>> -> memref<40x125xi32, #tpu.memory_space<hbm>>
      tpu.wait_dma2 semaphore(%run_scoped3A : memref<!tpu.dma_semaphore, #tpu.memory_space<semaphore_mem>>) src(%dma_wait3A_60 : memref<40x125xi32, #tpu.memory_space<hbm>>) dst(%arg8 : memref<40x125xi32, #tpu.memory_space<vmem>>)
      tpu.yield
    }) : () -> ()
    %dma_start3A_4 = arith.constant 0 : i32
    %dma_start3A_5 = arith.constant 0 : i32
    %dma_start3A_6 = tpu.memref_slice %arg7[%dma_start3A_4, %dma_start3A_5] : memref<40x125xi32, #tpu.memory_space<vmem>> -> memref<1x125xi32, #tpu.memory_space<vmem>>
    %dma_start3A_7 = tpu.memref_squeeze %dma_start3A_6 : memref<1x125xi32, #tpu.memory_space<vmem>> -> memref<125xi32, #tpu.memory_space<vmem>>
    %dma_start3A_8 = arith.constant 0 : i32
    %dma_start3A_9 = arith.constant 0 : i32
    %dma_start3A_10 = tpu.memref_slice %arg2[%dma_start3A_8, %dma_start3A_9] : memref<10000x128xf32, #tpu.memory_space<hbm>> -> memref<10000x128xf32, #tpu.memory_space<hbm>>
    tpu.enqueue_indirect_dma source(%dma_start3A_10 : memref<10000x128xf32, #tpu.memory_space<hbm>>) target(%arg9 : memref<125x128xf32, #tpu.memory_space<vmem>>) offsets(%dma_start3A_7 : memref<125xi32, #tpu.memory_space<vmem>>) semaphore(%arg12 : memref<!tpu.dma_semaphore, #tpu.memory_space<semaphore_mem>>)
    %dma_wait3A = arith.constant 0 : i32
    %dma_wait3A_11 = tpu.memref_slice %arg11[%mul3A_2, %dma_wait3A] : memref<10240x128xf32, #tpu.memory_space<vmem_shared>> -> memref<640x128xf32, #tpu.memory_space<vmem_shared>>
    tpu.wait_dma2 semaphore(%arg14 : memref<!tpu.dma_semaphore, #tpu.memory_space<semaphore_mem>>) src(%arg5 : memref<640x128xf32, #tpu.memory_space<hbm>>) dst(%dma_wait3A_11 : memref<640x128xf32, #tpu.memory_space<vmem_shared>>)
    %barrier3A = arith.constant 0 : index
    tpu.barrier barrier_id(%barrier3A)
    %scan3A = arith.constant 0 : i32
    %scan3A_12 = arith.constant 20 : i32
    %scan3A_13 = arith.addi %scan3A, %scan3A_12 : i32
    %scan3A_14 = arith.constant 1 : i32
    scf.for %scan3A_33 = %scan3A to %scan3A_13 step %scan3A_14  : i32 {
      %mul3A_34 = arith.constant 2 : i32
      %mul3A_35 = arith.muli %scan3A_33, %mul3A_34 : i32
      %add3A_36 = arith.constant 1 : i32
      %add3A_37 = arith.addi %mul3A_35, %add3A_36 : i32
      %dma_start3A_38 = arith.constant 0 : i32
      %dma_start3A_39 = tpu.memref_slice %arg7[%add3A_37, %dma_start3A_38] : memref<40x125xi32, #tpu.memory_space<vmem>> -> memref<1x125xi32, #tpu.memory_space<vmem>>
      %dma_start3A_40 = tpu.memref_squeeze %dma_start3A_39 : memref<1x125xi32, #tpu.memory_space<vmem>> -> memref<125xi32, #tpu.memory_space<vmem>>
      %dma_start3A_41 = arith.constant 0 : i32
      %dma_start3A_42 = arith.constant 0 : i32
      %dma_start3A_43 = tpu.memref_slice %arg2[%dma_start3A_41, %dma_start3A_42] : memref<10000x128xf32, #tpu.memory_space<hbm>> -> memref<10000x128xf32, #tpu.memory_space<hbm>>
      tpu.enqueue_indirect_dma source(%dma_start3A_43 : memref<10000x128xf32, #tpu.memory_space<hbm>>) target(%arg10 : memref<125x128xf32, #tpu.memory_space<vmem>>) offsets(%dma_start3A_40 : memref<125xi32, #tpu.memory_space<vmem>>) semaphore(%arg13 : memref<!tpu.dma_semaphore, #tpu.memory_space<semaphore_mem>>)
      %dma_wait3A_44 = arith.constant 0 : i32
      %dma_wait3A_45 = tpu.memref_slice %arg7[%mul3A_35, %dma_wait3A_44] : memref<40x125xi32, #tpu.memory_space<vmem>> -> memref<1x125xi32, #tpu.memory_space<vmem>>
      %dma_wait3A_46 = tpu.memref_squeeze %dma_wait3A_45 : memref<1x125xi32, #tpu.memory_space<vmem>> -> memref<125xi32, #tpu.memory_space<vmem>>
      %dma_wait3A_47 = arith.constant 0 : i32
      %dma_wait3A_48 = arith.constant 0 : i32
      %dma_wait3A_49 = tpu.memref_slice %arg2[%dma_wait3A_47, %dma_wait3A_48] : memref<10000x128xf32, #tpu.memory_space<hbm>> -> memref<10000x128xf32, #tpu.memory_space<hbm>>
      tpu.wait_indirect_dma semaphore(%arg12 : memref<!tpu.dma_semaphore, #tpu.memory_space<semaphore_mem>>) src(%dma_wait3A_49 : memref<10000x128xf32, #tpu.memory_space<hbm>>) dst(%arg9 : memref<125x128xf32, #tpu.memory_space<vmem>>)
      "tpu.region"() ({
        %run_scoped3A = tpu.sem_alloc : memref<!tpu.dma_semaphore, #tpu.memory_space<semaphore_mem>>
        %dma_start3A_64 = arith.constant 0 : i32
        %dma_start3A_65 = tpu.memref_slice %arg8[%mul3A_35, %dma_start3A_64] : memref<40x125xi32, #tpu.memory_space<vmem>> -> memref<1x125xi32, #tpu.memory_space<vmem>>
        %dma_start3A_66 = tpu.memref_squeeze %dma_start3A_65 : memref<1x125xi32, #tpu.memory_space<vmem>> -> memref<125xi32, #tpu.memory_space<vmem>>
        %dma_start3A_67 = arith.constant 0 : i32
        %dma_start3A_68 = arith.constant 0 : i32
        %dma_start3A_69 = tpu.memref_slice %arg11[%dma_start3A_67, %dma_start3A_68] : memref<10240x128xf32, #tpu.memory_space<vmem_shared>> -> memref<10240x128xf32, #tpu.memory_space<vmem_shared>>
        tpu.enqueue_indirect_dma source(%arg9 : memref<125x128xf32, #tpu.memory_space<vmem>>) target(%dma_start3A_69 : memref<10240x128xf32, #tpu.memory_space<vmem_shared>>) offsets(%dma_start3A_66 : memref<125xi32, #tpu.memory_space<vmem>>) semaphore(%run_scoped3A : memref<!tpu.dma_semaphore, #tpu.memory_space<semaphore_mem>>) {add = true}
        %dma_wait3A_70 = arith.constant 0 : i32
        %dma_wait3A_71 = tpu.memref_slice %arg8[%mul3A_35, %dma_wait3A_70] : memref<40x125xi32, #tpu.memory_space<vmem>> -> memref<1x125xi32, #tpu.memory_space<vmem>>
        %dma_wait3A_72 = tpu.memref_squeeze %dma_wait3A_71 : memref<1x125xi32, #tpu.memory_space<vmem>> -> memref<125xi32, #tpu.memory_space<vmem>>
        %dma_wait3A_73 = arith.constant 0 : i32
        %dma_wait3A_74 = arith.constant 0 : i32
        %dma_wait3A_75 = tpu.memref_slice %arg11[%dma_wait3A_73, %dma_wait3A_74] : memref<10240x128xf32, #tpu.memory_space<vmem_shared>> -> memref<10240x128xf32, #tpu.memory_space<vmem_shared>>
        tpu.wait_indirect_dma semaphore(%run_scoped3A : memref<!tpu.dma_semaphore, #tpu.memory_space<semaphore_mem>>) src(%arg9 : memref<125x128xf32, #tpu.memory_space<vmem>>) dst(%dma_wait3A_75 : memref<10240x128xf32, #tpu.memory_space<vmem_shared>>)
        tpu.yield
      }) : () -> ()
      %add3A_50 = arith.constant 1 : i32
      %add3A_51 = arith.addi %scan3A_33, %add3A_50 : i32
      %lt3A = arith.constant 20 : i32
      %lt3A_52 = arith.cmpi slt, %add3A_51, %lt3A : i32
      %convert_element_type3A = arith.extui %lt3A_52 : i1 to i32
      %cond3A = arith.constant 0 : i32
      %cond3A_53 = arith.cmpi ne, %convert_element_type3A, %cond3A : i32
      scf.if %cond3A_53 {
        %add3A_64 = arith.constant 2 : i32
        %add3A_65 = arith.addi %mul3A_35, %add3A_64 : i32
        %dma_start3A_66 = arith.constant 0 : i32
        %dma_start3A_67 = tpu.memref_slice %arg7[%add3A_65, %dma_start3A_66] : memref<40x125xi32, #tpu.memory_space<vmem>> -> memref<1x125xi32, #tpu.memory_space<vmem>>
        %dma_start3A_68 = tpu.memref_squeeze %dma_start3A_67 : memref<1x125xi32, #tpu.memory_space<vmem>> -> memref<125xi32, #tpu.memory_space<vmem>>
        %dma_start3A_69 = arith.constant 0 : i32
        %dma_start3A_70 = arith.constant 0 : i32
        %dma_start3A_71 = tpu.memref_slice %arg2[%dma_start3A_69, %dma_start3A_70] : memref<10000x128xf32, #tpu.memory_space<hbm>> -> memref<10000x128xf32, #tpu.memory_space<hbm>>
        tpu.enqueue_indirect_dma source(%dma_start3A_71 : memref<10000x128xf32, #tpu.memory_space<hbm>>) target(%arg9 : memref<125x128xf32, #tpu.memory_space<vmem>>) offsets(%dma_start3A_68 : memref<125xi32, #tpu.memory_space<vmem>>) semaphore(%arg12 : memref<!tpu.dma_semaphore, #tpu.memory_space<semaphore_mem>>)
      } else {
      }
      %add3A_54 = arith.constant 1 : i32
      %add3A_55 = arith.addi %mul3A_35, %add3A_54 : i32
      %dma_wait3A_56 = arith.constant 0 : i32
      %dma_wait3A_57 = tpu.memref_slice %arg7[%add3A_55, %dma_wait3A_56] : memref<40x125xi32, #tpu.memory_space<vmem>> -> memref<1x125xi32, #tpu.memory_space<vmem>>
      %dma_wait3A_58 = tpu.memref_squeeze %dma_wait3A_57 : memref<1x125xi32, #tpu.memory_space<vmem>> -> memref<125xi32, #tpu.memory_space<vmem>>
      %dma_wait3A_59 = arith.constant 0 : i32
      %dma_wait3A_60 = arith.constant 0 : i32
      %dma_wait3A_61 = tpu.memref_slice %arg2[%dma_wait3A_59, %dma_wait3A_60] : memref<10000x128xf32, #tpu.memory_space<hbm>> -> memref<10000x128xf32, #tpu.memory_space<hbm>>
      tpu.wait_indirect_dma semaphore(%arg13 : memref<!tpu.dma_semaphore, #tpu.memory_space<semaphore_mem>>) src(%dma_wait3A_61 : memref<10000x128xf32, #tpu.memory_space<hbm>>) dst(%arg10 : memref<125x128xf32, #tpu.memory_space<vmem>>)
      %add3A_62 = arith.constant 1 : i32
      %add3A_63 = arith.addi %mul3A_35, %add3A_62 : i32
      "tpu.region"() ({
        %run_scoped3A = tpu.sem_alloc : memref<!tpu.dma_semaphore, #tpu.memory_space<semaphore_mem>>
        %dma_start3A_64 = arith.constant 0 : i32
        %dma_start3A_65 = tpu.memref_slice %arg8[%add3A_63, %dma_start3A_64] : memref<40x125xi32, #tpu.memory_space<vmem>> -> memref<1x125xi32, #tpu.memory_space<vmem>>
        %dma_start3A_66 = tpu.memref_squeeze %dma_start3A_65 : memref<1x125xi32, #tpu.memory_space<vmem>> -> memref<125xi32, #tpu.memory_space<vmem>>
        %dma_start3A_67 = arith.constant 0 : i32
        %dma_start3A_68 = arith.constant 0 : i32
        %dma_start3A_69 = tpu.memref_slice %arg11[%dma_start3A_67, %dma_start3A_68] : memref<10240x128xf32, #tpu.memory_space<vmem_shared>> -> memref<10240x128xf32, #tpu.memory_space<vmem_shared>>
        tpu.enqueue_indirect_dma source(%arg10 : memref<125x128xf32, #tpu.memory_space<vmem>>) target(%dma_start3A_69 : memref<10240x128xf32, #tpu.memory_space<vmem_shared>>) offsets(%dma_start3A_66 : memref<125xi32, #tpu.memory_space<vmem>>) semaphore(%run_scoped3A : memref<!tpu.dma_semaphore, #tpu.memory_space<semaphore_mem>>) {add = true}
        %dma_wait3A_70 = arith.constant 0 : i32
        %dma_wait3A_71 = tpu.memref_slice %arg8[%add3A_63, %dma_wait3A_70] : memref<40x125xi32, #tpu.memory_space<vmem>> -> memref<1x125xi32, #tpu.memory_space<vmem>>
        %dma_wait3A_72 = tpu.memref_squeeze %dma_wait3A_71 : memref<1x125xi32, #tpu.memory_space<vmem>> -> memref<125xi32, #tpu.memory_space<vmem>>
        %dma_wait3A_73 = arith.constant 0 : i32
        %dma_wait3A_74 = arith.constant 0 : i32
        %dma_wait3A_75 = tpu.memref_slice %arg11[%dma_wait3A_73, %dma_wait3A_74] : memref<10240x128xf32, #tpu.memory_space<vmem_shared>> -> memref<10240x128xf32, #tpu.memory_space<vmem_shared>>
        tpu.wait_indirect_dma semaphore(%run_scoped3A : memref<!tpu.dma_semaphore, #tpu.memory_space<semaphore_mem>>) src(%arg10 : memref<125x128xf32, #tpu.memory_space<vmem>>) dst(%dma_wait3A_75 : memref<10240x128xf32, #tpu.memory_space<vmem_shared>>)
        tpu.yield
      }) : () -> ()
    }
    %scan3A_15 = arith.constant 20 : i32
    "tpu.region"() ({
      %run_scoped3A = tpu.sem_alloc : memref<!tpu.dma_semaphore, #tpu.memory_space<semaphore_mem>>
      %dma_start3A_33 = arith.constant 0 : i32
      %dma_start3A_34 = arith.constant 0 : i32
      %dma_start3A_35 = tpu.memref_slice %arg3[%add3A, %dma_start3A_33, %dma_start3A_34] : memref<32x80x125xi32, #tpu.memory_space<hbm>> -> memref<1x80x125xi32, #tpu.memory_space<hbm>>
      %dma_start3A_36 = tpu.memref_squeeze %dma_start3A_35 : memref<1x80x125xi32, #tpu.memory_space<hbm>> -> memref<80x125xi32, #tpu.memory_space<hbm>>
      %dma_start3A_37 = arith.constant 40 : i32
      %dma_start3A_38 = arith.constant 0 : i32
      %dma_start3A_39 = tpu.memref_slice %dma_start3A_36[%dma_start3A_37, %dma_start3A_38] : memref<80x125xi32, #tpu.memory_space<hbm>> -> memref<40x125xi32, #tpu.memory_space<hbm>>
      %dma_start3A_40 = arith.constant 0 : i32
      %dma_start3A_41 = arith.constant 0 : i32
      %dma_start3A_42 = tpu.memref_slice %arg3[%add3A, %dma_start3A_40, %dma_start3A_41] : memref<32x80x125xi32, #tpu.memory_space<hbm>> -> memref<1x80x125xi32, #tpu.memory_space<hbm>>
      %dma_start3A_43 = tpu.memref_squeeze %dma_start3A_42 : memref<1x80x125xi32, #tpu.memory_space<hbm>> -> memref<80x125xi32, #tpu.memory_space<hbm>>
      %dma_start3A_44 = arith.constant 40 : i32
      %dma_start3A_45 = arith.constant 0 : i32
      %dma_start3A_46 = tpu.memref_slice %dma_start3A_43[%dma_start3A_44, %dma_start3A_45] : memref<80x125xi32, #tpu.memory_space<hbm>> -> memref<40x125xi32, #tpu.memory_space<hbm>>
      tpu.enqueue_dma source(%dma_start3A_46 : memref<40x125xi32, #tpu.memory_space<hbm>>) target(%arg7 : memref<40x125xi32, #tpu.memory_space<vmem>>) target_semaphore(%run_scoped3A : memref<!tpu.dma_semaphore, #tpu.memory_space<semaphore_mem>>)
      %dma_wait3A_47 = arith.constant 0 : i32
      %dma_wait3A_48 = arith.constant 0 : i32
      %dma_wait3A_49 = tpu.memref_slice %arg3[%add3A, %dma_wait3A_47, %dma_wait3A_48] : memref<32x80x125xi32, #tpu.memory_space<hbm>> -> memref<1x80x125xi32, #tpu.memory_space<hbm>>
      %dma_wait3A_50 = tpu.memref_squeeze %dma_wait3A_49 : memref<1x80x125xi32, #tpu.memory_space<hbm>> -> memref<80x125xi32, #tpu.memory_space<hbm>>
      %dma_wait3A_51 = arith.constant 40 : i32
      %dma_wait3A_52 = arith.constant 0 : i32
      %dma_wait3A_53 = tpu.memref_slice %dma_wait3A_50[%dma_wait3A_51, %dma_wait3A_52] : memref<80x125xi32, #tpu.memory_space<hbm>> -> memref<40x125xi32, #tpu.memory_space<hbm>>
      %dma_wait3A_54 = arith.constant 0 : i32
      %dma_wait3A_55 = arith.constant 0 : i32
      %dma_wait3A_56 = tpu.memref_slice %arg3[%add3A, %dma_wait3A_54, %dma_wait3A_55] : memref<32x80x125xi32, #tpu.memory_space<hbm>> -> memref<1x80x125xi32, #tpu.memory_space<hbm>>
      %dma_wait3A_57 = tpu.memref_squeeze %dma_wait3A_56 : memref<1x80x125xi32, #tpu.memory_space<hbm>> -> memref<80x125xi32, #tpu.memory_space<hbm>>
      %dma_wait3A_58 = arith.constant 40 : i32
      %dma_wait3A_59 = arith.constant 0 : i32
      %dma_wait3A_60 = tpu.memref_slice %dma_wait3A_57[%dma_wait3A_58, %dma_wait3A_59] : memref<80x125xi32, #tpu.memory_space<hbm>> -> memref<40x125xi32, #tpu.memory_space<hbm>>
      tpu.wait_dma2 semaphore(%run_scoped3A : memref<!tpu.dma_semaphore, #tpu.memory_space<semaphore_mem>>) src(%dma_wait3A_60 : memref<40x125xi32, #tpu.memory_space<hbm>>) dst(%arg7 : memref<40x125xi32, #tpu.memory_space<vmem>>)
      tpu.yield
    }) : () -> ()
    "tpu.region"() ({
      %run_scoped3A = tpu.sem_alloc : memref<!tpu.dma_semaphore, #tpu.memory_space<semaphore_mem>>
      %dma_start3A_33 = arith.constant 0 : i32
      %dma_start3A_34 = arith.constant 0 : i32
      %dma_start3A_35 = tpu.memref_slice %arg4[%add3A, %dma_start3A_33, %dma_start3A_34] : memref<32x80x125xi32, #tpu.memory_space<hbm>> -> memref<1x80x125xi32, #tpu.memory_space<hbm>>
      %dma_start3A_36 = tpu.memref_squeeze %dma_start3A_35 : memref<1x80x125xi32, #tpu.memory_space<hbm>> -> memref<80x125xi32, #tpu.memory_space<hbm>>
      %dma_start3A_37 = arith.constant 40 : i32
      %dma_start3A_38 = arith.constant 0 : i32
      %dma_start3A_39 = tpu.memref_slice %dma_start3A_36[%dma_start3A_37, %dma_start3A_38] : memref<80x125xi32, #tpu.memory_space<hbm>> -> memref<40x125xi32, #tpu.memory_space<hbm>>
      %dma_start3A_40 = arith.constant 0 : i32
      %dma_start3A_41 = arith.constant 0 : i32
      %dma_start3A_42 = tpu.memref_slice %arg4[%add3A, %dma_start3A_40, %dma_start3A_41] : memref<32x80x125xi32, #tpu.memory_space<hbm>> -> memref<1x80x125xi32, #tpu.memory_space<hbm>>
      %dma_start3A_43 = tpu.memref_squeeze %dma_start3A_42 : memref<1x80x125xi32, #tpu.memory_space<hbm>> -> memref<80x125xi32, #tpu.memory_space<hbm>>
      %dma_start3A_44 = arith.constant 40 : i32
      %dma_start3A_45 = arith.constant 0 : i32
      %dma_start3A_46 = tpu.memref_slice %dma_start3A_43[%dma_start3A_44, %dma_start3A_45] : memref<80x125xi32, #tpu.memory_space<hbm>> -> memref<40x125xi32, #tpu.memory_space<hbm>>
      tpu.enqueue_dma source(%dma_start3A_46 : memref<40x125xi32, #tpu.memory_space<hbm>>) target(%arg8 : memref<40x125xi32, #tpu.memory_space<vmem>>) target_semaphore(%run_scoped3A : memref<!tpu.dma_semaphore, #tpu.memory_space<semaphore_mem>>)
      %dma_wait3A_47 = arith.constant 0 : i32
      %dma_wait3A_48 = arith.constant 0 : i32
      %dma_wait3A_49 = tpu.memref_slice %arg4[%add3A, %dma_wait3A_47, %dma_wait3A_48] : memref<32x80x125xi32, #tpu.memory_space<hbm>> -> memref<1x80x125xi32, #tpu.memory_space<hbm>>
      %dma_wait3A_50 = tpu.memref_squeeze %dma_wait3A_49 : memref<1x80x125xi32, #tpu.memory_space<hbm>> -> memref<80x125xi32, #tpu.memory_space<hbm>>
      %dma_wait3A_51 = arith.constant 40 : i32
      %dma_wait3A_52 = arith.constant 0 : i32
      %dma_wait3A_53 = tpu.memref_slice %dma_wait3A_50[%dma_wait3A_51, %dma_wait3A_52] : memref<80x125xi32, #tpu.memory_space<hbm>> -> memref<40x125xi32, #tpu.memory_space<hbm>>
      %dma_wait3A_54 = arith.constant 0 : i32
      %dma_wait3A_55 = arith.constant 0 : i32
      %dma_wait3A_56 = tpu.memref_slice %arg4[%add3A, %dma_wait3A_54, %dma_wait3A_55] : memref<32x80x125xi32, #tpu.memory_space<hbm>> -> memref<1x80x125xi32, #tpu.memory_space<hbm>>
      %dma_wait3A_57 = tpu.memref_squeeze %dma_wait3A_56 : memref<1x80x125xi32, #tpu.memory_space<hbm>> -> memref<80x125xi32, #tpu.memory_space<hbm>>
      %dma_wait3A_58 = arith.constant 40 : i32
      %dma_wait3A_59 = arith.constant 0 : i32
      %dma_wait3A_60 = tpu.memref_slice %dma_wait3A_57[%dma_wait3A_58, %dma_wait3A_59] : memref<80x125xi32, #tpu.memory_space<hbm>> -> memref<40x125xi32, #tpu.memory_space<hbm>>
      tpu.wait_dma2 semaphore(%run_scoped3A : memref<!tpu.dma_semaphore, #tpu.memory_space<semaphore_mem>>) src(%dma_wait3A_60 : memref<40x125xi32, #tpu.memory_space<hbm>>) dst(%arg8 : memref<40x125xi32, #tpu.memory_space<vmem>>)
      tpu.yield
    }) : () -> ()
    %dma_start3A_16 = arith.constant 0 : i32
    %dma_start3A_17 = arith.constant 0 : i32
    %dma_start3A_18 = tpu.memref_slice %arg7[%dma_start3A_16, %dma_start3A_17] : memref<40x125xi32, #tpu.memory_space<vmem>> -> memref<1x125xi32, #tpu.memory_space<vmem>>
    %dma_start3A_19 = tpu.memref_squeeze %dma_start3A_18 : memref<1x125xi32, #tpu.memory_space<vmem>> -> memref<125xi32, #tpu.memory_space<vmem>>
    %dma_start3A_20 = arith.constant 0 : i32
    %dma_start3A_21 = arith.constant 0 : i32
    %dma_start3A_22 = tpu.memref_slice %arg2[%dma_start3A_20, %dma_start3A_21] : memref<10000x128xf32, #tpu.memory_space<hbm>> -> memref<10000x128xf32, #tpu.memory_space<hbm>>
    tpu.enqueue_indirect_dma source(%dma_start3A_22 : memref<10000x128xf32, #tpu.memory_space<hbm>>) target(%arg9 : memref<125x128xf32, #tpu.memory_space<vmem>>) offsets(%dma_start3A_19 : memref<125xi32, #tpu.memory_space<vmem>>) semaphore(%arg12 : memref<!tpu.dma_semaphore, #tpu.memory_space<semaphore_mem>>)
    %scan3A_23 = arith.constant 0 : i32
    %scan3A_24 = arith.constant 20 : i32
    %scan3A_25 = arith.addi %scan3A_23, %scan3A_24 : i32
    %scan3A_26 = arith.constant 1 : i32
    scf.for %scan3A_33 = %scan3A_23 to %scan3A_25 step %scan3A_26  : i32 {
      %mul3A_34 = arith.constant 2 : i32
      %mul3A_35 = arith.muli %scan3A_33, %mul3A_34 : i32
      %add3A_36 = arith.constant 1 : i32
      %add3A_37 = arith.addi %mul3A_35, %add3A_36 : i32
      %dma_start3A_38 = arith.constant 0 : i32
      %dma_start3A_39 = tpu.memref_slice %arg7[%add3A_37, %dma_start3A_38] : memref<40x125xi32, #tpu.memory_space<vmem>> -> memref<1x125xi32, #tpu.memory_space<vmem>>
      %dma_start3A_40 = tpu.memref_squeeze %dma_start3A_39 : memref<1x125xi32, #tpu.memory_space<vmem>> -> memref<125xi32, #tpu.memory_space<vmem>>
      %dma_start3A_41 = arith.constant 0 : i32
      %dma_start3A_42 = arith.constant 0 : i32
      %dma_start3A_43 = tpu.memref_slice %arg2[%dma_start3A_41, %dma_start3A_42] : memref<10000x128xf32, #tpu.memory_space<hbm>> -> memref<10000x128xf32, #tpu.memory_space<hbm>>
      tpu.enqueue_indirect_dma source(%dma_start3A_43 : memref<10000x128xf32, #tpu.memory_space<hbm>>) target(%arg10 : memref<125x128xf32, #tpu.memory_space<vmem>>) offsets(%dma_start3A_40 : memref<125xi32, #tpu.memory_space<vmem>>) semaphore(%arg13 : memref<!tpu.dma_semaphore, #tpu.memory_space<semaphore_mem>>)
      %dma_wait3A_44 = arith.constant 0 : i32
      %dma_wait3A_45 = tpu.memref_slice %arg7[%mul3A_35, %dma_wait3A_44] : memref<40x125xi32, #tpu.memory_space<vmem>> -> memref<1x125xi32, #tpu.memory_space<vmem>>
      %dma_wait3A_46 = tpu.memref_squeeze %dma_wait3A_45 : memref<1x125xi32, #tpu.memory_space<vmem>> -> memref<125xi32, #tpu.memory_space<vmem>>
      %dma_wait3A_47 = arith.constant 0 : i32
      %dma_wait3A_48 = arith.constant 0 : i32
      %dma_wait3A_49 = tpu.memref_slice %arg2[%dma_wait3A_47, %dma_wait3A_48] : memref<10000x128xf32, #tpu.memory_space<hbm>> -> memref<10000x128xf32, #tpu.memory_space<hbm>>
      tpu.wait_indirect_dma semaphore(%arg12 : memref<!tpu.dma_semaphore, #tpu.memory_space<semaphore_mem>>) src(%dma_wait3A_49 : memref<10000x128xf32, #tpu.memory_space<hbm>>) dst(%arg9 : memref<125x128xf32, #tpu.memory_space<vmem>>)
      "tpu.region"() ({
        %run_scoped3A = tpu.sem_alloc : memref<!tpu.dma_semaphore, #tpu.memory_space<semaphore_mem>>
        %dma_start3A_64 = arith.constant 0 : i32
        %dma_start3A_65 = tpu.memref_slice %arg8[%mul3A_35, %dma_start3A_64] : memref<40x125xi32, #tpu.memory_space<vmem>> -> memref<1x125xi32, #tpu.memory_space<vmem>>
        %dma_start3A_66 = tpu.memref_squeeze %dma_start3A_65 : memref<1x125xi32, #tpu.memory_space<vmem>> -> memref<125xi32, #tpu.memory_space<vmem>>
        %dma_start3A_67 = arith.constant 0 : i32
        %dma_start3A_68 = arith.constant 0 : i32
        %dma_start3A_69 = tpu.memref_slice %arg11[%dma_start3A_67, %dma_start3A_68] : memref<10240x128xf32, #tpu.memory_space<vmem_shared>> -> memref<10240x128xf32, #tpu.memory_space<vmem_shared>>
        tpu.enqueue_indirect_dma source(%arg9 : memref<125x128xf32, #tpu.memory_space<vmem>>) target(%dma_start3A_69 : memref<10240x128xf32, #tpu.memory_space<vmem_shared>>) offsets(%dma_start3A_66 : memref<125xi32, #tpu.memory_space<vmem>>) semaphore(%run_scoped3A : memref<!tpu.dma_semaphore, #tpu.memory_space<semaphore_mem>>) {add = true}
        %dma_wait3A_70 = arith.constant 0 : i32
        %dma_wait3A_71 = tpu.memref_slice %arg8[%mul3A_35, %dma_wait3A_70] : memref<40x125xi32, #tpu.memory_space<vmem>> -> memref<1x125xi32, #tpu.memory_space<vmem>>
        %dma_wait3A_72 = tpu.memref_squeeze %dma_wait3A_71 : memref<1x125xi32, #tpu.memory_space<vmem>> -> memref<125xi32, #tpu.memory_space<vmem>>
        %dma_wait3A_73 = arith.constant 0 : i32
        %dma_wait3A_74 = arith.constant 0 : i32
        %dma_wait3A_75 = tpu.memref_slice %arg11[%dma_wait3A_73, %dma_wait3A_74] : memref<10240x128xf32, #tpu.memory_space<vmem_shared>> -> memref<10240x128xf32, #tpu.memory_space<vmem_shared>>
        tpu.wait_indirect_dma semaphore(%run_scoped3A : memref<!tpu.dma_semaphore, #tpu.memory_space<semaphore_mem>>) src(%arg9 : memref<125x128xf32, #tpu.memory_space<vmem>>) dst(%dma_wait3A_75 : memref<10240x128xf32, #tpu.memory_space<vmem_shared>>)
        tpu.yield
      }) : () -> ()
      %add3A_50 = arith.constant 1 : i32
      %add3A_51 = arith.addi %scan3A_33, %add3A_50 : i32
      %lt3A = arith.constant 20 : i32
      %lt3A_52 = arith.cmpi slt, %add3A_51, %lt3A : i32
      %convert_element_type3A = arith.extui %lt3A_52 : i1 to i32
      %cond3A = arith.constant 0 : i32
      %cond3A_53 = arith.cmpi ne, %convert_element_type3A, %cond3A : i32
      scf.if %cond3A_53 {
        %add3A_64 = arith.constant 2 : i32
        %add3A_65 = arith.addi %mul3A_35, %add3A_64 : i32
        %dma_start3A_66 = arith.constant 0 : i32
        %dma_start3A_67 = tpu.memref_slice %arg7[%add3A_65, %dma_start3A_66] : memref<40x125xi32, #tpu.memory_space<vmem>> -> memref<1x125xi32, #tpu.memory_space<vmem>>
        %dma_start3A_68 = tpu.memref_squeeze %dma_start3A_67 : memref<1x125xi32, #tpu.memory_space<vmem>> -> memref<125xi32, #tpu.memory_space<vmem>>
        %dma_start3A_69 = arith.constant 0 : i32
        %dma_start3A_70 = arith.constant 0 : i32
        %dma_start3A_71 = tpu.memref_slice %arg2[%dma_start3A_69, %dma_start3A_70] : memref<10000x128xf32, #tpu.memory_space<hbm>> -> memref<10000x128xf32, #tpu.memory_space<hbm>>
        tpu.enqueue_indirect_dma source(%dma_start3A_71 : memref<10000x128xf32, #tpu.memory_space<hbm>>) target(%arg9 : memref<125x128xf32, #tpu.memory_space<vmem>>) offsets(%dma_start3A_68 : memref<125xi32, #tpu.memory_space<vmem>>) semaphore(%arg12 : memref<!tpu.dma_semaphore, #tpu.memory_space<semaphore_mem>>)
      } else {
      }
      %add3A_54 = arith.constant 1 : i32
      %add3A_55 = arith.addi %mul3A_35, %add3A_54 : i32
      %dma_wait3A_56 = arith.constant 0 : i32
      %dma_wait3A_57 = tpu.memref_slice %arg7[%add3A_55, %dma_wait3A_56] : memref<40x125xi32, #tpu.memory_space<vmem>> -> memref<1x125xi32, #tpu.memory_space<vmem>>
      %dma_wait3A_58 = tpu.memref_squeeze %dma_wait3A_57 : memref<1x125xi32, #tpu.memory_space<vmem>> -> memref<125xi32, #tpu.memory_space<vmem>>
      %dma_wait3A_59 = arith.constant 0 : i32
      %dma_wait3A_60 = arith.constant 0 : i32
      %dma_wait3A_61 = tpu.memref_slice %arg2[%dma_wait3A_59, %dma_wait3A_60] : memref<10000x128xf32, #tpu.memory_space<hbm>> -> memref<10000x128xf32, #tpu.memory_space<hbm>>
      tpu.wait_indirect_dma semaphore(%arg13 : memref<!tpu.dma_semaphore, #tpu.memory_space<semaphore_mem>>) src(%dma_wait3A_61 : memref<10000x128xf32, #tpu.memory_space<hbm>>) dst(%arg10 : memref<125x128xf32, #tpu.memory_space<vmem>>)
      %add3A_62 = arith.constant 1 : i32
      %add3A_63 = arith.addi %mul3A_35, %add3A_62 : i32
      "tpu.region"() ({
        %run_scoped3A = tpu.sem_alloc : memref<!tpu.dma_semaphore, #tpu.memory_space<semaphore_mem>>
        %dma_start3A_64 = arith.constant 0 : i32
        %dma_start3A_65 = tpu.memref_slice %arg8[%add3A_63, %dma_start3A_64] : memref<40x125xi32, #tpu.memory_space<vmem>> -> memref<1x125xi32, #tpu.memory_space<vmem>>
        %dma_start3A_66 = tpu.memref_squeeze %dma_start3A_65 : memref<1x125xi32, #tpu.memory_space<vmem>> -> memref<125xi32, #tpu.memory_space<vmem>>
        %dma_start3A_67 = arith.constant 0 : i32
        %dma_start3A_68 = arith.constant 0 : i32
        %dma_start3A_69 = tpu.memref_slice %arg11[%dma_start3A_67, %dma_start3A_68] : memref<10240x128xf32, #tpu.memory_space<vmem_shared>> -> memref<10240x128xf32, #tpu.memory_space<vmem_shared>>
        tpu.enqueue_indirect_dma source(%arg10 : memref<125x128xf32, #tpu.memory_space<vmem>>) target(%dma_start3A_69 : memref<10240x128xf32, #tpu.memory_space<vmem_shared>>) offsets(%dma_start3A_66 : memref<125xi32, #tpu.memory_space<vmem>>) semaphore(%run_scoped3A : memref<!tpu.dma_semaphore, #tpu.memory_space<semaphore_mem>>) {add = true}
        %dma_wait3A_70 = arith.constant 0 : i32
        %dma_wait3A_71 = tpu.memref_slice %arg8[%add3A_63, %dma_wait3A_70] : memref<40x125xi32, #tpu.memory_space<vmem>> -> memref<1x125xi32, #tpu.memory_space<vmem>>
        %dma_wait3A_72 = tpu.memref_squeeze %dma_wait3A_71 : memref<1x125xi32, #tpu.memory_space<vmem>> -> memref<125xi32, #tpu.memory_space<vmem>>
        %dma_wait3A_73 = arith.constant 0 : i32
        %dma_wait3A_74 = arith.constant 0 : i32
        %dma_wait3A_75 = tpu.memref_slice %arg11[%dma_wait3A_73, %dma_wait3A_74] : memref<10240x128xf32, #tpu.memory_space<vmem_shared>> -> memref<10240x128xf32, #tpu.memory_space<vmem_shared>>
        tpu.wait_indirect_dma semaphore(%run_scoped3A : memref<!tpu.dma_semaphore, #tpu.memory_space<semaphore_mem>>) src(%arg10 : memref<125x128xf32, #tpu.memory_space<vmem>>) dst(%dma_wait3A_75 : memref<10240x128xf32, #tpu.memory_space<vmem_shared>>)
        tpu.yield
      }) : () -> ()
    }
    %scan3A_27 = arith.constant 20 : i32
    %barrier3A_28 = arith.constant 0 : index
    tpu.barrier barrier_id(%barrier3A_28)
    %mul3A_29 = arith.constant 640 : i32
    %mul3A_30 = arith.muli %arg1, %mul3A_29 : i32
    %mul3A_31 = arith.constant 640 : i32
    %mul3A_32 = arith.muli %arg1, %mul3A_31 : i32
    "tpu.region"() ({
      %run_scoped3A = tpu.sem_alloc : memref<!tpu.dma_semaphore, #tpu.memory_space<semaphore_mem>>
      %dma_start3A_33 = arith.constant 0 : i32
      %dma_start3A_34 = arith.constant 0 : i32
      %dma_start3A_35 = tpu.memref_slice %arg6[%arg0, %dma_start3A_33, %dma_start3A_34] : memref<2x10240x128xf32, #tpu.memory_space<hbm>> -> memref<1x10240x128xf32, #tpu.memory_space<hbm>>
      %dma_start3A_36 = tpu.memref_squeeze %dma_start3A_35 : memref<1x10240x128xf32, #tpu.memory_space<hbm>> -> memref<10240x128xf32, #tpu.memory_space<hbm>>
      %dma_start3A_37 = arith.constant 0 : i32
      %dma_start3A_38 = tpu.memref_slice %dma_start3A_36[%mul3A_32, %dma_start3A_37] : memref<10240x128xf32, #tpu.memory_space<hbm>> -> memref<640x128xf32, #tpu.memory_space<hbm>>
      %dma_start3A_39 = arith.constant 0 : i32
      %dma_start3A_40 = tpu.memref_slice %arg11[%mul3A_30, %dma_start3A_39] : memref<10240x128xf32, #tpu.memory_space<vmem_shared>> -> memref<640x128xf32, #tpu.memory_space<vmem_shared>>
      tpu.enqueue_dma source(%dma_start3A_40 : memref<640x128xf32, #tpu.memory_space<vmem_shared>>) target(%dma_start3A_38 : memref<640x128xf32, #tpu.memory_space<hbm>>) target_semaphore(%run_scoped3A : memref<!tpu.dma_semaphore, #tpu.memory_space<semaphore_mem>>)
      %dma_wait3A_41 = arith.constant 0 : i32
      %dma_wait3A_42 = arith.constant 0 : i32
      %dma_wait3A_43 = tpu.memref_slice %arg6[%arg0, %dma_wait3A_41, %dma_wait3A_42] : memref<2x10240x128xf32, #tpu.memory_space<hbm>> -> memref<1x10240x128xf32, #tpu.memory_space<hbm>>
      %dma_wait3A_44 = tpu.memref_squeeze %dma_wait3A_43 : memref<1x10240x128xf32, #tpu.memory_space<hbm>> -> memref<10240x128xf32, #tpu.memory_space<hbm>>
      %dma_wait3A_45 = arith.constant 0 : i32
      %dma_wait3A_46 = tpu.memref_slice %dma_wait3A_44[%mul3A_32, %dma_wait3A_45] : memref<10240x128xf32, #tpu.memory_space<hbm>> -> memref<640x128xf32, #tpu.memory_space<hbm>>
      %dma_wait3A_47 = arith.constant 0 : i32
      %dma_wait3A_48 = tpu.memref_slice %arg11[%mul3A_30, %dma_wait3A_47] : memref<10240x128xf32, #tpu.memory_space<vmem_shared>> -> memref<640x128xf32, #tpu.memory_space<vmem_shared>>
      tpu.wait_dma2 semaphore(%run_scoped3A : memref<!tpu.dma_semaphore, #tpu.memory_space<semaphore_mem>>) src(%dma_wait3A_48 : memref<640x128xf32, #tpu.memory_space<vmem_shared>>) dst(%dma_wait3A_46 : memref<640x128xf32, #tpu.memory_space<hbm>>)
      tpu.yield
    }) : () -> ()
    return
  }
}

module attributes {stable_mosaic.version = 14 : i64} {
  func.func @_norms_body(%arg0: memref<2x2x10000x16xf32, #tpu.memory_space<vmem>>, %arg1: memref<10000x128xf32, #tpu.memory_space<vmem>>, %arg2: memref<10000x128xf32, #tpu.memory_space<vmem>>, %arg3: memref<10000x128xf32, #tpu.memory_space<vmem>>, %arg4: memref<10000x128xf32, #tpu.memory_space<vmem>>) attributes {dimension_semantics = [], scalar_prefetch = 0 : i64, scratch_operands = 0 : i64, tpu.core_type = #tpu.core_type<tc>} {
    %get3A = arith.constant 0 : index
    %get3A_0 = arith.constant 0 : index
    %get3A_1 = arith.constant 0 : index
    %get3A_2 = arith.constant 0 : index
    %get3A_3 = vector.load %arg0[%get3A, %get3A_0, %get3A_1, %get3A_2] : memref<2x2x10000x16xf32, #tpu.memory_space<vmem>>, vector<1x2x10000x16xf32>
    %get3A_4 = vector.shape_cast %get3A_3 : vector<1x2x10000x16xf32> to vector<2x10000x16xf32>
    %get3A_5 = arith.constant 1 : index
    %get3A_6 = arith.constant 0 : index
    %get3A_7 = arith.constant 0 : index
    %get3A_8 = arith.constant 0 : index
    %get3A_9 = vector.load %arg0[%get3A_5, %get3A_6, %get3A_7, %get3A_8] : memref<2x2x10000x16xf32, #tpu.memory_space<vmem>>, vector<1x2x10000x16xf32>
    %get3A_10 = vector.shape_cast %get3A_9 : vector<1x2x10000x16xf32> to vector<2x10000x16xf32>
    %add3A = arith.addf %get3A_4, %get3A_10 : vector<2x10000x16xf32>
    %slice3A = vector.extract_strided_slice %add3A {offsets = [0, 0, 0], sizes = [1, 10000, 1], strides = [1, 1, 1]} : vector<2x10000x16xf32> to vector<1x10000x1xf32>
    %squeeze3A = vector.shape_cast %slice3A : vector<1x10000x1xf32> to vector<10000x1xf32>
    %jit3A = arith.constant 1.000000e+00 : f32
    %max3A = vector.broadcast %jit3A : f32 to vector<10000x1xf32>
    %max3A_11 = arith.maximumf %max3A, %squeeze3A : vector<10000x1xf32>
    %slice3A_12 = vector.extract_strided_slice %add3A {offsets = [1, 0, 0], sizes = [1, 10000, 1], strides = [1, 1, 1]} : vector<2x10000x16xf32> to vector<1x10000x1xf32>
    %squeeze3A_13 = vector.shape_cast %slice3A_12 : vector<1x10000x1xf32> to vector<10000x1xf32>
    %jit3A_14 = arith.constant 1.000000e+00 : f32
    %max3A_15 = vector.broadcast %jit3A_14 : f32 to vector<10000x1xf32>
    %max3A_16 = arith.maximumf %max3A_15, %squeeze3A_13 : vector<10000x1xf32>
    %rsqrt3A = math.rsqrt %max3A_11 : vector<10000x1xf32>
    %mul3A = arith.constant 5.000000e-01 : f32
    %mul3A_17 = vector.broadcast %mul3A : f32 to vector<10000x1xf32>
    %mul3A_18 = arith.mulf %mul3A_17, %max3A_11 : vector<10000x1xf32>
    %mul3A_19 = arith.mulf %mul3A_18, %rsqrt3A : vector<10000x1xf32>
    %mul3A_20 = arith.mulf %mul3A_19, %rsqrt3A : vector<10000x1xf32>
    %sub3A = arith.constant 1.500000e+00 : f32
    %sub3A_21 = vector.broadcast %sub3A : f32 to vector<10000x1xf32>
    %sub3A_22 = arith.subf %sub3A_21, %mul3A_20 : vector<10000x1xf32>
    %mul3A_23 = arith.mulf %rsqrt3A, %sub3A_22 : vector<10000x1xf32>
    %mul3A_24 = arith.constant 5.000000e-01 : f32
    %mul3A_25 = vector.broadcast %mul3A_24 : f32 to vector<10000x1xf32>
    %mul3A_26 = arith.mulf %mul3A_25, %max3A_11 : vector<10000x1xf32>
    %mul3A_27 = arith.mulf %mul3A_26, %mul3A_23 : vector<10000x1xf32>
    %mul3A_28 = arith.mulf %mul3A_27, %mul3A_23 : vector<10000x1xf32>
    %sub3A_29 = arith.constant 1.500000e+00 : f32
    %sub3A_30 = vector.broadcast %sub3A_29 : f32 to vector<10000x1xf32>
    %sub3A_31 = arith.subf %sub3A_30, %mul3A_28 : vector<10000x1xf32>
    %mul3A_32 = arith.mulf %mul3A_23, %sub3A_31 : vector<10000x1xf32>
    %rsqrt3A_33 = math.rsqrt %max3A_16 : vector<10000x1xf32>
    %mul3A_34 = arith.constant 5.000000e-01 : f32
    %mul3A_35 = vector.broadcast %mul3A_34 : f32 to vector<10000x1xf32>
    %mul3A_36 = arith.mulf %mul3A_35, %max3A_16 : vector<10000x1xf32>
    %mul3A_37 = arith.mulf %mul3A_36, %rsqrt3A_33 : vector<10000x1xf32>
    %mul3A_38 = arith.mulf %mul3A_37, %rsqrt3A_33 : vector<10000x1xf32>
    %sub3A_39 = arith.constant 1.500000e+00 : f32
    %sub3A_40 = vector.broadcast %sub3A_39 : f32 to vector<10000x1xf32>
    %sub3A_41 = arith.subf %sub3A_40, %mul3A_38 : vector<10000x1xf32>
    %mul3A_42 = arith.mulf %rsqrt3A_33, %sub3A_41 : vector<10000x1xf32>
    %mul3A_43 = arith.constant 5.000000e-01 : f32
    %mul3A_44 = vector.broadcast %mul3A_43 : f32 to vector<10000x1xf32>
    %mul3A_45 = arith.mulf %mul3A_44, %max3A_16 : vector<10000x1xf32>
    %mul3A_46 = arith.mulf %mul3A_45, %mul3A_42 : vector<10000x1xf32>
    %mul3A_47 = arith.mulf %mul3A_46, %mul3A_42 : vector<10000x1xf32>
    %sub3A_48 = arith.constant 1.500000e+00 : f32
    %sub3A_49 = vector.broadcast %sub3A_48 : f32 to vector<10000x1xf32>
    %sub3A_50 = arith.subf %sub3A_49, %mul3A_47 : vector<10000x1xf32>
    %mul3A_51 = arith.mulf %mul3A_42, %sub3A_50 : vector<10000x1xf32>
    %broadcast_in_dim3A = arith.constant 1.000000e+00 : f32
    %broadcast_in_dim3A_52 = vector.broadcast %broadcast_in_dim3A : f32 to vector<1x128xf32>
    %mul3A_53 = vector.broadcast %mul3A_32 : vector<10000x1xf32> to vector<10000x128xf32>
    %mul3A_54 = vector.broadcast %broadcast_in_dim3A_52 : vector<1x128xf32> to vector<10000x128xf32>
    %mul3A_55 = arith.mulf %mul3A_53, %mul3A_54 : vector<10000x128xf32>
    %swap3A = arith.constant 0 : index
    %swap3A_56 = arith.constant 0 : index
    %swap3A_57 = vector.load %arg2[%swap3A, %swap3A_56] : memref<10000x128xf32, #tpu.memory_space<vmem>>, vector<10000x128xf32>
    tpu.vector_store %arg2[%swap3A, %swap3A_56], %mul3A_55 {strides = array<i32>} : memref<10000x128xf32, #tpu.memory_space<vmem>>, vector<10000x128xf32>,
    %mul3A_58 = vector.broadcast %mul3A_51 : vector<10000x1xf32> to vector<10000x128xf32>
    %mul3A_59 = vector.broadcast %broadcast_in_dim3A_52 : vector<1x128xf32> to vector<10000x128xf32>
    %mul3A_60 = arith.mulf %mul3A_58, %mul3A_59 : vector<10000x128xf32>
    %swap3A_61 = arith.constant 0 : index
    %swap3A_62 = arith.constant 0 : index
    %swap3A_63 = vector.load %arg3[%swap3A_61, %swap3A_62] : memref<10000x128xf32, #tpu.memory_space<vmem>>, vector<10000x128xf32>
    tpu.vector_store %arg3[%swap3A_61, %swap3A_62], %mul3A_60 {strides = array<i32>} : memref<10000x128xf32, #tpu.memory_space<vmem>>, vector<10000x128xf32>,
    %get3A_64 = arith.constant 0 : index
    %get3A_65 = arith.constant 0 : index
    %get3A_66 = vector.load %arg1[%get3A_64, %get3A_65] : memref<10000x128xf32, #tpu.memory_space<vmem>>, vector<10000x128xf32>
    %mul3A_67 = vector.broadcast %mul3A_32 : vector<10000x1xf32> to vector<10000x128xf32>
    %mul3A_68 = arith.mulf %get3A_66, %mul3A_67 : vector<10000x128xf32>
    %swap3A_69 = arith.constant 0 : index
    %swap3A_70 = arith.constant 0 : index
    %swap3A_71 = vector.load %arg4[%swap3A_69, %swap3A_70] : memref<10000x128xf32, #tpu.memory_space<vmem>>, vector<10000x128xf32>
    tpu.vector_store %arg4[%swap3A_69, %swap3A_70], %mul3A_68 {strides = array<i32>} : memref<10000x128xf32, #tpu.memory_space<vmem>>, vector<10000x128xf32>,
    return
  }
}

module attributes {stable_mosaic.version = 14 : i64} {
  func.func @_layer_body(%arg0: i32, %arg1: memref<2x2000x128xf32, #tpu.memory_space<vmem>>, %arg2: memref<2000x128xf32, #tpu.memory_space<vmem>>, %arg3: memref<128x128xf32, #tpu.memory_space<vmem>>, %arg4: memref<1x128xf32, #tpu.memory_space<vmem>>, %arg5: memref<2000x128xf32, #tpu.memory_space<vmem>>, %arg6: memref<2000x128xf32, #tpu.memory_space<vmem>>) attributes {dimension_semantics = [#tpu.dimension_semantics<arbitrary>], iteration_bounds = array<i64: 5>, scalar_prefetch = 0 : i64, scratch_operands = 0 : i64, tpu.core_type = #tpu.core_type<tc>, window_params = [{transform_indices = @transform_0, window_bounds = array<i64: 2, 2000, 128>}, {transform_indices = @transform_1, window_bounds = array<i64: 2000, 128>}, {pipeline_mode = #tpu.pipeline_mode<synchronous>, transform_indices = @transform_2, window_bounds = array<i64: 128, 128>}, {pipeline_mode = #tpu.pipeline_mode<synchronous>, transform_indices = @transform_3, window_bounds = array<i64: 1, 128>}, {transform_indices = @transform_4, window_bounds = array<i64: 2000, 128>}, {transform_indices = @transform_5, window_bounds = array<i64: 2000, 128>}]} {
    %get3A = arith.constant 0 : index
    %get3A_0 = arith.constant 0 : index
    %get3A_1 = arith.constant 0 : index
    %get3A_2 = vector.load %arg1[%get3A, %get3A_0, %get3A_1] : memref<2x2000x128xf32, #tpu.memory_space<vmem>>, vector<1x2000x128xf32>
    %get3A_3 = vector.shape_cast %get3A_2 : vector<1x2000x128xf32> to vector<2000x128xf32>
    %get3A_4 = arith.constant 1 : index
    %get3A_5 = arith.constant 0 : index
    %get3A_6 = arith.constant 0 : index
    %get3A_7 = vector.load %arg1[%get3A_4, %get3A_5, %get3A_6] : memref<2x2000x128xf32, #tpu.memory_space<vmem>>, vector<1x2000x128xf32>
    %get3A_8 = vector.shape_cast %get3A_7 : vector<1x2000x128xf32> to vector<2000x128xf32>
    %add3A = arith.addf %get3A_3, %get3A_8 : vector<2000x128xf32>
    %get3A_9 = arith.constant 0 : index
    %get3A_10 = arith.constant 0 : index
    %get3A_11 = vector.load %arg2[%get3A_9, %get3A_10] : memref<2000x128xf32, #tpu.memory_space<vmem>>, vector<2000x128xf32>
    %mul3A = arith.mulf %add3A, %get3A_11 : vector<2000x128xf32>
    %get3A_12 = arith.constant 0 : index
    %get3A_13 = arith.constant 0 : index
    %get3A_14 = vector.load %arg3[%get3A_12, %get3A_13] : memref<128x128xf32, #tpu.memory_space<vmem>>, vector<128x128xf32>
    %bitcast_convert_type3A = tpu.bitcast %mul3A : vector<2000x128xf32> -> vector<2000x128xi32>
    %and3A = arith.constant -65536 : i32
    %and3A_15 = vector.broadcast %and3A : i32 to vector<2000x128xi32>
    %and3A_16 = arith.andi %bitcast_convert_type3A, %and3A_15 : vector<2000x128xi32>
    %bitcast_convert_type3A_17 = tpu.bitcast %and3A_16 : vector<2000x128xi32> -> vector<2000x128xf32>
    %sub3A = arith.subf %mul3A, %bitcast_convert_type3A_17 : vector<2000x128xf32>
    %bitcast_convert_type3A_18 = tpu.bitcast %get3A_14 : vector<128x128xf32> -> vector<128x128xi32>
    %and3A_19 = arith.constant -65536 : i32
    %and3A_20 = vector.broadcast %and3A_19 : i32 to vector<128x128xi32>
    %and3A_21 = arith.andi %bitcast_convert_type3A_18, %and3A_20 : vector<128x128xi32>
    %bitcast_convert_type3A_22 = tpu.bitcast %and3A_21 : vector<128x128xi32> -> vector<128x128xf32>
    %sub3A_23 = arith.subf %get3A_14, %bitcast_convert_type3A_22 : vector<128x128xf32>
    %dot_general3A = arith.constant dense<0.000000e+00> : vector<2000x128xf32>
    %dot_general3A_24 = tpu.matmul %bitcast_convert_type3A_17, %bitcast_convert_type3A_22, %dot_general3A {dimension_numbers = #tpu.dot_dimension_numbers<[1], [0], [0], [1], [0, 0, 1, 1], [], []>, transpose_lhs_hint = false} : vector<2000x128xf32>, vector<128x128xf32>, vector<2000x128xf32> -> vector<2000x128xf32>
    %dot_general3A_25 = arith.constant dense<0.000000e+00> : vector<2000x128xf32>
    %dot_general3A_26 = tpu.matmul %bitcast_convert_type3A_17, %sub3A_23, %dot_general3A_25 {dimension_numbers = #tpu.dot_dimension_numbers<[1], [0], [0], [1], [0, 0, 1, 1], [], []>, transpose_lhs_hint = false} : vector<2000x128xf32>, vector<128x128xf32>, vector<2000x128xf32> -> vector<2000x128xf32>
    %dot_general3A_27 = arith.constant dense<0.000000e+00> : vector<2000x128xf32>
    %dot_general3A_28 = tpu.matmul %sub3A, %bitcast_convert_type3A_22, %dot_general3A_27 {dimension_numbers = #tpu.dot_dimension_numbers<[1], [0], [0], [1], [0, 0, 1, 1], [], []>, transpose_lhs_hint = false} : vector<2000x128xf32>, vector<128x128xf32>, vector<2000x128xf32> -> vector<2000x128xf32>
    %add3A_29 = arith.addf %dot_general3A_26, %dot_general3A_28 : vector<2000x128xf32>
    %add3A_30 = arith.addf %dot_general3A_24, %add3A_29 : vector<2000x128xf32>
    %get3A_31 = arith.constant 0 : index
    %get3A_32 = arith.constant 0 : index
    %get3A_33 = vector.load %arg4[%get3A_31, %get3A_32] : memref<1x128xf32, #tpu.memory_space<vmem>>, vector<1x128xf32>
    %add3A_34 = vector.broadcast %get3A_33 : vector<1x128xf32> to vector<2000x128xf32>
    %add3A_35 = arith.addf %add3A_30, %add3A_34 : vector<2000x128xf32>
    %max3A = arith.constant 0.000000e+00 : f32
    %max3A_36 = vector.broadcast %max3A : f32 to vector<2000x128xf32>
    %max3A_37 = arith.maximumf %add3A_35, %max3A_36 : vector<2000x128xf32>
    %get3A_38 = arith.constant 0 : index
    %get3A_39 = arith.constant 0 : index
    %get3A_40 = vector.load %arg5[%get3A_38, %get3A_39] : memref<2000x128xf32, #tpu.memory_space<vmem>>, vector<2000x128xf32>
    %mul3A_41 = arith.mulf %max3A_37, %get3A_40 : vector<2000x128xf32>
    %swap3A = arith.constant 0 : index
    %swap3A_42 = arith.constant 0 : index
    %swap3A_43 = vector.load %arg6[%swap3A, %swap3A_42] : memref<2000x128xf32, #tpu.memory_space<vmem>>, vector<2000x128xf32>
    tpu.vector_store %arg6[%swap3A, %swap3A_42], %mul3A_41 {strides = array<i32>} : memref<2000x128xf32, #tpu.memory_space<vmem>>, vector<2000x128xf32>,
    return
  }
  func.func @transform_0(%arg0: i32) -> (i32, i32, i32) {
    %c0_i32 = arith.constant 0 : i32
    %c0_i32_0 = arith.constant 0 : i32
    %c0_i32_1 = arith.constant 0 : i32
    return %c0_i32, %arg0, %c0_i32_0 : i32, i32, i32
  }
  func.func @transform_1(%arg0: i32) -> (i32, i32) {
    %c0_i32 = arith.constant 0 : i32
    %c0_i32_0 = arith.constant 0 : i32
    return %arg0, %c0_i32 : i32, i32
  }
  func.func @transform_2(%arg0: i32) -> (i32, i32) {
    %c0_i32 = arith.constant 0 : i32
    %c0_i32_0 = arith.constant 0 : i32
    %c0_i32_1 = arith.constant 0 : i32
    return %c0_i32, %c0_i32_0 : i32, i32
  }
  func.func @transform_3(%arg0: i32) -> (i32, i32) {
    %c0_i32 = arith.constant 0 : i32
    %c0_i32_0 = arith.constant 0 : i32
    %c0_i32_1 = arith.constant 0 : i32
    return %c0_i32, %c0_i32_0 : i32, i32
  }
  func.func @transform_4(%arg0: i32) -> (i32, i32) {
    %c0_i32 = arith.constant 0 : i32
    %c0_i32_0 = arith.constant 0 : i32
    return %arg0, %c0_i32 : i32, i32
  }
  func.func @transform_5(%arg0: i32) -> (i32, i32) {
    %c0_i32 = arith.constant 0 : i32
    %c0_i32_0 = arith.constant 0 : i32
    return %arg0, %c0_i32 : i32, i32
  }
}

module attributes {stable_mosaic.version = 14 : i64} {
  func.func @_head_body(%arg0: memref<2x10240x128xf32, #tpu.memory_space<vmem>>, %arg1: memref<10000x128xf32, #tpu.memory_space<vmem>>, %arg2: memref<128x128xf32, #tpu.memory_space<vmem>>, %arg3: memref<1x128xf32, #tpu.memory_space<vmem>>, %arg4: memref<128x128xf32, #tpu.memory_space<vmem>>, %arg5: memref<1x128xf32, #tpu.memory_space<vmem>>, %arg6: memref<1x128xf32, #tpu.memory_space<vmem>>, %arg7: memref<1x1xf32, #tpu.memory_space<vmem>>, %arg8: memref<128x128xf32, #tpu.memory_space<vmem>>, %arg9: memref<1x128xf32, #tpu.memory_space<vmem>>, %arg10: memref<128x2xf32, #tpu.memory_space<vmem>>, %arg11: memref<1x2xf32, #tpu.memory_space<vmem>>, %arg12: memref<1x2xf32, #tpu.memory_space<vmem>>, %arg13: memref<10000x1xf32, #tpu.memory_space<vmem>>) attributes {dimension_semantics = [], scalar_prefetch = 0 : i64, scratch_operands = 0 : i64, tpu.core_type = #tpu.core_type<tc>} {
    %get3A = arith.constant 0 : index
    %get3A_0 = arith.constant 0 : index
    %get3A_1 = arith.constant 0 : index
    %get3A_2 = vector.load %arg0[%get3A, %get3A_0, %get3A_1] : memref<2x10240x128xf32, #tpu.memory_space<vmem>>, vector<1x10000x128xf32>
    %get3A_3 = vector.shape_cast %get3A_2 : vector<1x10000x128xf32> to vector<10000x128xf32>
    %get3A_4 = arith.constant 1 : index
    %get3A_5 = arith.constant 0 : index
    %get3A_6 = arith.constant 0 : index
    %get3A_7 = vector.load %arg0[%get3A_4, %get3A_5, %get3A_6] : memref<2x10240x128xf32, #tpu.memory_space<vmem>>, vector<1x10000x128xf32>
    %get3A_8 = vector.shape_cast %get3A_7 : vector<1x10000x128xf32> to vector<10000x128xf32>
    %add3A = arith.addf %get3A_3, %get3A_8 : vector<10000x128xf32>
    %get3A_9 = arith.constant 0 : index
    %get3A_10 = arith.constant 0 : index
    %get3A_11 = vector.load %arg1[%get3A_9, %get3A_10] : memref<10000x128xf32, #tpu.memory_space<vmem>>, vector<10000x128xf32>
    %mul3A = arith.mulf %add3A, %get3A_11 : vector<10000x128xf32>
    %get3A_12 = arith.constant 0 : index
    %get3A_13 = arith.constant 0 : index
    %get3A_14 = vector.load %arg2[%get3A_12, %get3A_13] : memref<128x128xf32, #tpu.memory_space<vmem>>, vector<128x128xf32>
    %bitcast_convert_type3A = tpu.bitcast %mul3A : vector<10000x128xf32> -> vector<10000x128xi32>
    %and3A = arith.constant -65536 : i32
    %and3A_15 = vector.broadcast %and3A : i32 to vector<10000x128xi32>
    %and3A_16 = arith.andi %bitcast_convert_type3A, %and3A_15 : vector<10000x128xi32>
    %bitcast_convert_type3A_17 = tpu.bitcast %and3A_16 : vector<10000x128xi32> -> vector<10000x128xf32>
    %sub3A = arith.subf %mul3A, %bitcast_convert_type3A_17 : vector<10000x128xf32>
    %bitcast_convert_type3A_18 = tpu.bitcast %get3A_14 : vector<128x128xf32> -> vector<128x128xi32>
    %and3A_19 = arith.constant -65536 : i32
    %and3A_20 = vector.broadcast %and3A_19 : i32 to vector<128x128xi32>
    %and3A_21 = arith.andi %bitcast_convert_type3A_18, %and3A_20 : vector<128x128xi32>
    %bitcast_convert_type3A_22 = tpu.bitcast %and3A_21 : vector<128x128xi32> -> vector<128x128xf32>
    %sub3A_23 = arith.subf %get3A_14, %bitcast_convert_type3A_22 : vector<128x128xf32>
    %dot_general3A = arith.constant dense<0.000000e+00> : vector<10000x128xf32>
    %dot_general3A_24 = tpu.matmul %bitcast_convert_type3A_17, %bitcast_convert_type3A_22, %dot_general3A {dimension_numbers = #tpu.dot_dimension_numbers<[1], [0], [0], [1], [0, 0, 1, 1], [], []>, transpose_lhs_hint = false} : vector<10000x128xf32>, vector<128x128xf32>, vector<10000x128xf32> -> vector<10000x128xf32>
    %dot_general3A_25 = arith.constant dense<0.000000e+00> : vector<10000x128xf32>
    %dot_general3A_26 = tpu.matmul %bitcast_convert_type3A_17, %sub3A_23, %dot_general3A_25 {dimension_numbers = #tpu.dot_dimension_numbers<[1], [0], [0], [1], [0, 0, 1, 1], [], []>, transpose_lhs_hint = false} : vector<10000x128xf32>, vector<128x128xf32>, vector<10000x128xf32> -> vector<10000x128xf32>
    %dot_general3A_27 = arith.constant dense<0.000000e+00> : vector<10000x128xf32>
    %dot_general3A_28 = tpu.matmul %sub3A, %bitcast_convert_type3A_22, %dot_general3A_27 {dimension_numbers = #tpu.dot_dimension_numbers<[1], [0], [0], [1], [0, 0, 1, 1], [], []>, transpose_lhs_hint = false} : vector<10000x128xf32>, vector<128x128xf32>, vector<10000x128xf32> -> vector<10000x128xf32>
    %add3A_29 = arith.addf %dot_general3A_26, %dot_general3A_28 : vector<10000x128xf32>
    %add3A_30 = arith.addf %dot_general3A_24, %add3A_29 : vector<10000x128xf32>
    %get3A_31 = arith.constant 0 : index
    %get3A_32 = arith.constant 0 : index
    %get3A_33 = vector.load %arg3[%get3A_31, %get3A_32] : memref<1x128xf32, #tpu.memory_space<vmem>>, vector<1x128xf32>
    %add3A_34 = vector.broadcast %get3A_33 : vector<1x128xf32> to vector<10000x128xf32>
    %add3A_35 = arith.addf %add3A_30, %add3A_34 : vector<10000x128xf32>
    %max3A = arith.constant 0.000000e+00 : f32
    %max3A_36 = vector.broadcast %max3A : f32 to vector<10000x128xf32>
    %max3A_37 = arith.maximumf %add3A_35, %max3A_36 : vector<10000x128xf32>
    %reduce_sum3A = arith.constant dense<0.000000e+00> : vector<128xf32>
    %reduce_sum3A_38 = vector.multi_reduction <add>, %max3A_37, %reduce_sum3A [0] : vector<10000x128xf32> to vector<128xf32>
    %broadcast_in_dim3A = vector.shape_cast %reduce_sum3A_38 : vector<128xf32> to vector<1x128xf32>
    %mul3A_39 = arith.constant 9.99999974E-5 : f32
    %mul3A_40 = vector.broadcast %mul3A_39 : f32 to vector<1x128xf32>
    %mul3A_41 = arith.mulf %broadcast_in_dim3A, %mul3A_40 : vector<1x128xf32>
    %get3A_42 = arith.constant 0 : index
    %get3A_43 = arith.constant 0 : index
    %get3A_44 = vector.load %arg4[%get3A_42, %get3A_43] : memref<128x128xf32, #tpu.memory_space<vmem>>, vector<128x128xf32>
    %bitcast_convert_type3A_45 = tpu.bitcast %max3A_37 : vector<10000x128xf32> -> vector<10000x128xi32>
    %and3A_46 = arith.constant -65536 : i32
    %and3A_47 = vector.broadcast %and3A_46 : i32 to vector<10000x128xi32>
    %and3A_48 = arith.andi %bitcast_convert_type3A_45, %and3A_47 : vector<10000x128xi32>
    %bitcast_convert_type3A_49 = tpu.bitcast %and3A_48 : vector<10000x128xi32> -> vector<10000x128xf32>
    %sub3A_50 = arith.subf %max3A_37, %bitcast_convert_type3A_49 : vector<10000x128xf32>
    %bitcast_convert_type3A_51 = tpu.bitcast %get3A_44 : vector<128x128xf32> -> vector<128x128xi32>
    %and3A_52 = arith.constant -65536 : i32
    %and3A_53 = vector.broadcast %and3A_52 : i32 to vector<128x128xi32>
    %and3A_54 = arith.andi %bitcast_convert_type3A_51, %and3A_53 : vector<128x128xi32>
    %bitcast_convert_type3A_55 = tpu.bitcast %and3A_54 : vector<128x128xi32> -> vector<128x128xf32>
    %sub3A_56 = arith.subf %get3A_44, %bitcast_convert_type3A_55 : vector<128x128xf32>
    %dot_general3A_57 = arith.constant dense<0.000000e+00> : vector<10000x128xf32>
    %dot_general3A_58 = tpu.matmul %bitcast_convert_type3A_49, %bitcast_convert_type3A_55, %dot_general3A_57 {dimension_numbers = #tpu.dot_dimension_numbers<[1], [0], [0], [1], [0, 0, 1, 1], [], []>, transpose_lhs_hint = false} : vector<10000x128xf32>, vector<128x128xf32>, vector<10000x128xf32> -> vector<10000x128xf32>
    %dot_general3A_59 = arith.constant dense<0.000000e+00> : vector<10000x128xf32>
    %dot_general3A_60 = tpu.matmul %bitcast_convert_type3A_49, %sub3A_56, %dot_general3A_59 {dimension_numbers = #tpu.dot_dimension_numbers<[1], [0], [0], [1], [0, 0, 1, 1], [], []>, transpose_lhs_hint = false} : vector<10000x128xf32>, vector<128x128xf32>, vector<10000x128xf32> -> vector<10000x128xf32>
    %dot_general3A_61 = arith.constant dense<0.000000e+00> : vector<10000x128xf32>
    %dot_general3A_62 = tpu.matmul %sub3A_50, %bitcast_convert_type3A_55, %dot_general3A_61 {dimension_numbers = #tpu.dot_dimension_numbers<[1], [0], [0], [1], [0, 0, 1, 1], [], []>, transpose_lhs_hint = false} : vector<10000x128xf32>, vector<128x128xf32>, vector<10000x128xf32> -> vector<10000x128xf32>
    %add3A_63 = arith.addf %dot_general3A_60, %dot_general3A_62 : vector<10000x128xf32>
    %add3A_64 = arith.addf %dot_general3A_58, %add3A_63 : vector<10000x128xf32>
    %get3A_65 = arith.constant 0 : index
    %get3A_66 = arith.constant 0 : index
    %get3A_67 = vector.load %arg5[%get3A_65, %get3A_66] : memref<1x128xf32, #tpu.memory_space<vmem>>, vector<1x128xf32>
    %add3A_68 = vector.broadcast %get3A_67 : vector<1x128xf32> to vector<10000x128xf32>
    %add3A_69 = arith.addf %add3A_64, %add3A_68 : vector<10000x128xf32>
    %mul3A_70 = arith.constant 2.000000e+00 : f32
    %mul3A_71 = vector.broadcast %mul3A_70 : f32 to vector<10000x128xf32>
    %mul3A_72 = arith.mulf %mul3A_71, %add3A_69 : vector<10000x128xf32>
    %exp3A = math.exp %mul3A_72 : vector<10000x128xf32>
    %add3A_73 = arith.constant 1.000000e+00 : f32
    %add3A_74 = vector.broadcast %add3A_73 : f32 to vector<10000x128xf32>
    %add3A_75 = arith.addf %exp3A, %add3A_74 : vector<10000x128xf32>
    %div3A = arith.constant 2.000000e+00 : f32
    %div3A_76 = vector.broadcast %div3A : f32 to vector<10000x128xf32>
    %div3A_77 = arith.divf %div3A_76, %add3A_75 : vector<10000x128xf32>
    %sub3A_78 = arith.constant 1.000000e+00 : f32
    %sub3A_79 = vector.broadcast %sub3A_78 : f32 to vector<10000x128xf32>
    %sub3A_80 = arith.subf %sub3A_79, %div3A_77 : vector<10000x128xf32>
    %get3A_81 = arith.constant 0 : index
    %get3A_82 = arith.constant 0 : index
    %get3A_83 = vector.load %arg6[%get3A_81, %get3A_82] : memref<1x128xf32, #tpu.memory_space<vmem>>, vector<1x128xf32>
    %mul3A_84 = vector.broadcast %get3A_83 : vector<1x128xf32> to vector<10000x128xf32>
    %mul3A_85 = arith.mulf %sub3A_80, %mul3A_84 : vector<10000x128xf32>
    %reduce_sum3A_86 = arith.constant dense<0.000000e+00> : vector<10000xf32>
    %reduce_sum3A_87 = vector.multi_reduction <add>, %mul3A_85, %reduce_sum3A_86 [1] : vector<10000x128xf32> to vector<10000xf32>
    %broadcast_in_dim3A_88 = vector.shape_cast %reduce_sum3A_87 : vector<10000xf32> to vector<10000x1xf32>
    %get3A_89 = arith.constant 0 : index
    %get3A_90 = arith.constant 0 : index
    %get3A_91 = vector.load %arg7[%get3A_89, %get3A_90] : memref<1x1xf32, #tpu.memory_space<vmem>>, vector<1x1xf32>
    %get3A_92 = vector.extract %get3A_91[0, 0] : f32 from vector<1x1xf32>
    %add3A_93 = vector.broadcast %get3A_92 : f32 to vector<10000x1xf32>
    %add3A_94 = arith.addf %broadcast_in_dim3A_88, %add3A_93 : vector<10000x1xf32>
    %swap3A = arith.constant 0 : index
    %swap3A_95 = arith.constant 0 : index
    %swap3A_96 = vector.load %arg13[%swap3A, %swap3A_95] : memref<10000x1xf32, #tpu.memory_space<vmem>>, vector<10000x1xf32>
    tpu.vector_store %arg13[%swap3A, %swap3A_95], %add3A_94 {strides = array<i32>} : memref<10000x1xf32, #tpu.memory_space<vmem>>, vector<10000x1xf32>,
    %get3A_97 = arith.constant 0 : index
    %get3A_98 = arith.constant 0 : index
    %get3A_99 = vector.load %arg8[%get3A_97, %get3A_98] : memref<128x128xf32, #tpu.memory_space<vmem>>, vector<128x128xf32>
    %bitcast_convert_type3A_100 = tpu.bitcast %mul3A_41 : vector<1x128xf32> -> vector<1x128xi32>
    %and3A_101 = arith.constant -65536 : i32
    %and3A_102 = vector.broadcast %and3A_101 : i32 to vector<1x128xi32>
    %and3A_103 = arith.andi %bitcast_convert_type3A_100, %and3A_102 : vector<1x128xi32>
    %bitcast_convert_type3A_104 = tpu.bitcast %and3A_103 : vector<1x128xi32> -> vector<1x128xf32>
    %sub3A_105 = arith.subf %mul3A_41, %bitcast_convert_type3A_104 : vector<1x128xf32>
    %bitcast_convert_type3A_106 = tpu.bitcast %get3A_99 : vector<128x128xf32> -> vector<128x128xi32>
    %and3A_107 = arith.constant -65536 : i32
    %and3A_108 = vector.broadcast %and3A_107 : i32 to vector<128x128xi32>
    %and3A_109 = arith.andi %bitcast_convert_type3A_106, %and3A_108 : vector<128x128xi32>
    %bitcast_convert_type3A_110 = tpu.bitcast %and3A_109 : vector<128x128xi32> -> vector<128x128xf32>
    %sub3A_111 = arith.subf %get3A_99, %bitcast_convert_type3A_110 : vector<128x128xf32>
    %dot_general3A_112 = arith.constant dense<0.000000e+00> : vector<1x128xf32>
    %dot_general3A_113 = tpu.matmul %bitcast_convert_type3A_104, %bitcast_convert_type3A_110, %dot_general3A_112 {dimension_numbers = #tpu.dot_dimension_numbers<[1], [0], [0], [1], [0, 0, 1, 1], [], []>, transpose_lhs_hint = false} : vector<1x128xf32>, vector<128x128xf32>, vector<1x128xf32> -> vector<1x128xf32>
    %dot_general3A_114 = arith.constant dense<0.000000e+00> : vector<1x128xf32>
    %dot_general3A_115 = tpu.matmul %bitcast_convert_type3A_104, %sub3A_111, %dot_general3A_114 {dimension_numbers = #tpu.dot_dimension_numbers<[1], [0], [0], [1], [0, 0, 1, 1], [], []>, transpose_lhs_hint = false} : vector<1x128xf32>, vector<128x128xf32>, vector<1x128xf32> -> vector<1x128xf32>
    %dot_general3A_116 = arith.constant dense<0.000000e+00> : vector<1x128xf32>
    %dot_general3A_117 = tpu.matmul %sub3A_105, %bitcast_convert_type3A_110, %dot_general3A_116 {dimension_numbers = #tpu.dot_dimension_numbers<[1], [0], [0], [1], [0, 0, 1, 1], [], []>, transpose_lhs_hint = false} : vector<1x128xf32>, vector<128x128xf32>, vector<1x128xf32> -> vector<1x128xf32>
    %add3A_118 = arith.addf %dot_general3A_115, %dot_general3A_117 : vector<1x128xf32>
    %add3A_119 = arith.addf %dot_general3A_113, %add3A_118 : vector<1x128xf32>
    %get3A_120 = arith.constant 0 : index
    %get3A_121 = arith.constant 0 : index
    %get3A_122 = vector.load %arg9[%get3A_120, %get3A_121] : memref<1x128xf32, #tpu.memory_space<vmem>>, vector<1x128xf32>
    %add3A_123 = arith.addf %add3A_119, %get3A_122 : vector<1x128xf32>
    %max3A_124 = arith.constant 0.000000e+00 : f32
    %max3A_125 = vector.broadcast %max3A_124 : f32 to vector<1x128xf32>
    %max3A_126 = arith.maximumf %add3A_123, %max3A_125 : vector<1x128xf32>
    %get3A_127 = arith.constant 0 : index
    %get3A_128 = arith.constant 0 : index
    %get3A_129 = vector.load %arg10[%get3A_127, %get3A_128] : memref<128x2xf32, #tpu.memory_space<vmem>>, vector<128x2xf32>
    %bitcast_convert_type3A_130 = tpu.bitcast %max3A_126 : vector<1x128xf32> -> vector<1x128xi32>
    %and3A_131 = arith.constant -65536 : i32
    %and3A_132 = vector.broadcast %and3A_131 : i32 to vector<1x128xi32>
    %and3A_133 = arith.andi %bitcast_convert_type3A_130, %and3A_132 : vector<1x128xi32>
    %bitcast_convert_type3A_134 = tpu.bitcast %and3A_133 : vector<1x128xi32> -> vector<1x128xf32>
    %sub3A_135 = arith.subf %max3A_126, %bitcast_convert_type3A_134 : vector<1x128xf32>
    %bitcast_convert_type3A_136 = tpu.bitcast %get3A_129 : vector<128x2xf32> -> vector<128x2xi32>
    %and3A_137 = arith.constant -65536 : i32
    %and3A_138 = vector.broadcast %and3A_137 : i32 to vector<128x2xi32>
    %and3A_139 = arith.andi %bitcast_convert_type3A_136, %and3A_138 : vector<128x2xi32>
    %bitcast_convert_type3A_140 = tpu.bitcast %and3A_139 : vector<128x2xi32> -> vector<128x2xf32>
    %sub3A_141 = arith.subf %get3A_129, %bitcast_convert_type3A_140 : vector<128x2xf32>
    %dot_general3A_142 = arith.constant dense<0.000000e+00> : vector<1x2xf32>
    %dot_general3A_143 = tpu.matmul %bitcast_convert_type3A_134, %bitcast_convert_type3A_140, %dot_general3A_142 {dimension_numbers = #tpu.dot_dimension_numbers<[1], [0], [0], [1], [0, 0, 1, 1], [], []>, transpose_lhs_hint = false} : vector<1x128xf32>, vector<128x2xf32>, vector<1x2xf32> -> vector<1x2xf32>
    %dot_general3A_144 = arith.constant dense<0.000000e+00> : vector<1x2xf32>
    %dot_general3A_145 = tpu.matmul %bitcast_convert_type3A_134, %sub3A_141, %dot_general3A_144 {dimension_numbers = #tpu.dot_dimension_numbers<[1], [0], [0], [1], [0, 0, 1, 1], [], []>, transpose_lhs_hint = false} : vector<1x128xf32>, vector<128x2xf32>, vector<1x2xf32> -> vector<1x2xf32>
    %dot_general3A_146 = arith.constant dense<0.000000e+00> : vector<1x2xf32>
    %dot_general3A_147 = tpu.matmul %sub3A_135, %bitcast_convert_type3A_140, %dot_general3A_146 {dimension_numbers = #tpu.dot_dimension_numbers<[1], [0], [0], [1], [0, 0, 1, 1], [], []>, transpose_lhs_hint = false} : vector<1x128xf32>, vector<128x2xf32>, vector<1x2xf32> -> vector<1x2xf32>
    %add3A_148 = arith.addf %dot_general3A_145, %dot_general3A_147 : vector<1x2xf32>
    %add3A_149 = arith.addf %dot_general3A_143, %add3A_148 : vector<1x2xf32>
    %get3A_150 = arith.constant 0 : index
    %get3A_151 = arith.constant 0 : index
    %get3A_152 = vector.load %arg11[%get3A_150, %get3A_151] : memref<1x2xf32, #tpu.memory_space<vmem>>, vector<1x2xf32>
    %add3A_153 = arith.addf %add3A_149, %get3A_152 : vector<1x2xf32>
    %swap3A_154 = arith.constant 0 : index
    %swap3A_155 = arith.constant 0 : index
    %swap3A_156 = vector.load %arg12[%swap3A_154, %swap3A_155] : memref<1x2xf32, #tpu.memory_space<vmem>>, vector<1x2xf32>
    tpu.vector_store %arg12[%swap3A_154, %swap3A_155], %add3A_153 {strides = array<i32>} : memref<1x2xf32, #tpu.memory_space<vmem>>, vector<1x2xf32>,
    return
  }
}

</mosaic_0001>

<sc_bundles>
// kernel: kernel.10.cloned.1.call-start
scs
__scs_entry_jumppad:
0x0: {  	(pc) =	sbr.rel $0x88, $3  }
0x1: {  	(tag) =	ssettag $0x0;
	lr =	simm.s32 $0x1  }
0x2: {  	[smem:$0x3F91] =	sst lr;
	_ =	strace $0xD0000000  }
0x3: {  	_ = 	snop  }
0x4: {  	_ = 	snop  }
0x5: {  	_ = 	snop  }
0x6: {  	_ = 	snop  }
0x7: {  	_ = 	snop  }
__scs_overlays_trampoline_lowered:
0x8: {  	[smem:$0x3FA0] =	sst s0  }
0x9: {  	[smem:$0x3FA1] =	sst s1  }
0xa: {  	[smem:$0x3FA2] =	sst s2  }
0xb: {  	[smem:$0x3FA3] =	sst s3  }
0xc: {  	[smem:$0x3FA4] =	sst s4  }
0xd: {  	[smem:$0x3FA5] =	sst s5  }
0xe: {  	[smem:$0x3FA6] =	sst s6  }
0xf: {  	[smem:$0x3FA7] =	sst s7  }
0x10: {  	[smem:$0x3FA8] =	sst s8  }
0x11: {  	[smem:$0x3FA9] =	sst s9;
	s0 =	simm.s32 @!p0 $0x0  }
0x12: {  	s1 =	sld [smem:$0x3F8F];
	s0 =	simm.s32 @p0 $0x1  }
0x13: {  	[smem:$0x3FAA] =	sst s0;
	s0 =	simm.s32 @!p1 $0x0  }
0x14: {  	s2 =	sld [smem:$0x3F8E];
	s0 =	simm.s32 @p1 $0x1  }
0x15: {  	[smem:$0x3FAB] =	sst s0;
	s0 =	simm.s32 @!p2 $0x0  }
0x16: {  	s3 =	sld [smem:$0x3FDB];
	s0 =	simm.s32 @p2 $0x1  }
0x17: {  	s4 =	simm.s32 $0x1BF5;
	[smem:$0x3FAD] =	sst s0  }
0x18: {  	s0 =	sld [smem:$0x3F90];
	_ =	swait.ge [sflag:s4], $0x0  }
0x19: {  	s7 =	sld [smem:$0x3F91]  }
0x1a: {  	s8 =	sadd.s32 $0xFFFFE003, lr  }
0x1b: {  	s9 =	sadd.s32 $0xFFFFFEF7, lr;
	s5 =	simm.s32 $0xFFFFFFFF;
	p2 =	slt.u32 s8, $0xFFFFF086  }
0x1c: {  	p1 =	slt.u32 s9, $0xF7A;
	s5 =	simm.s32 @!p2 $0x0  }
0x1d: {  	s5 =	simm.s32 @p1 $0x1;
	p0 =	seq.s32 s7, s2  }
0x1e: {  	s7 =	smul.u32 @!p0 $0xF7A, s2;
	p2 =	seq.s32 @!p0 s5, $0x0  }
0x1f: {  	s9 =	smul.u32 $0xF7A, s1;
	s8 =	simm.s32 @!p0 $0x1BF5;
	p2 =	por !p2, p0  }
0x20: {  	[sflag:s8] =	ssyncset.s32 @!p0 $0xFFFFF086;
	s6 =	sadd.s32 @!p0 s3, s7;
	s7 =	simm.s32 @!p0 $0x108  }
0x21: {  	s3 =	sadd.s32 s3, s9;
	s6 =	sadd.s32 @!p0 $0x88, s6;
	s7 =	simm.s32 @p2 $0x1082  }
0x22: {  	[simem:s7], [sflag:s8] =	dma.local @!p0 [hbm:s6], $0xF7A  }
0x23: {  	s9 =	sor.u32 $0xD0000000, s2;
	s6 =	simm.s32 $0x108;
	_ =	swait.ge @!p0 [sflag:s8], $0x0  }
0x24: {  	s3 =	sadd.s32 $0x88, s3;
	s6 =	simm.s32 @!p1 $0x1082;
	[sflag:s4] =	ssyncset.s32 $0xFFFFF086  }
0x25: {  	[simem:s6], [sflag:s4] =	dma.local [hbm:s3], $0xF7A  }
0x26: {  	[smem:$0x3F91] =	sst s1;
	(tag) =	ssettag s2;
	_ =	strace s9  }
0x27: {  	s1 =	sld [smem:$0x3FA1]  }
0x28: {  	s2 =	sld [smem:$0x3FA2]  }
0x29: {  	s4 =	sld [smem:$0x3FA4]  }
0x2a: {  	p0 =	seq.s32 s5, $0x0;
	s5 =	sld [smem:$0x3FA5]  }
0x2b: {  	s6 =	sld [smem:$0x3FA6]  }
0x2c: {  	s7 =	sld [smem:$0x3FA7]  }
0x2d: {  	s3 =	simm.s32 $0x108;
	s8 =	sld [smem:$0x3FA8]  }
0x2e: {  	s3 =	simm.s32 @!p0 $0x1082;
	s9 =	sld [smem:$0x3FA9]  }
0x2f: {  	lr =	sadd.s32 s0, s3;
	s0 =	sld [smem:$0x3FA0]  }
0x30: {  	s3 =	sld [smem:$0x3FA3]  }
0x31: {  	[smem:$0x3FAC] =	sst s10  }
0x32: {  	s10 =	sld [smem:$0x3FAA];
	_ =	sdelay $0x3  }
0x33: {  	p0 =	seq.s32 s10, $0x1;
	s10 =	sld [smem:$0x3FAC];
	_ =	sdelay $0x3  }
0x34: {  	[smem:$0x3FAC] =	sst s10  }
0x35: {  	s10 =	sld [smem:$0x3FAB];
	_ =	sdelay $0x3  }
0x36: {  	p1 =	seq.s32 s10, $0x1;
	s10 =	sld [smem:$0x3FAC];
	_ =	sdelay $0x3  }
0x37: {  	[smem:$0x3FAC] =	sst s10  }
0x38: {  	s10 =	sld [smem:$0x3FAD]  }
0x39: {  	_ = 	snop;
	(pc) =	sbr.ind lr, $3  }
0x3a: {  	_ = 	snop  }
0x3b: {  	_ = 	snop  }
0x3c: {  	p2 =	seq.s32 s10, $0x1;
	s10 =	sld [smem:$0x3FAC]  }
0x3d: {  	_ =	shalt  }
0x3e: {  	_ =	shalt  }
0x3f: {  	_ =	shalt  }
0x40: {  	_ =	shalt  }
0x41: {  	_ =	shalt  }
0x42: {  	_ =	shalt  }
0x43: {  	_ =	shalt  }
0x44: {  	_ =	shalt  }
0x45: {  	_ =	shalt  }
0x46: {  	_ =	shalt  }
0x47: {  	_ =	shalt  }
0x48: {  	_ =	shalt  }
0x49: {  	_ =	shalt  }
0x4a: {  	_ =	shalt  }
0x4b: {  	_ =	shalt  }
0x4c: {  	_ =	shalt  }
0x4d: {  	_ =	shalt  }
0x4e: {  	_ =	shalt  }
0x4f: {  	_ =	shalt  }
0x50: {  	_ =	shalt  }
0x51: {  	_ =	shalt  }
0x52: {  	_ =	shalt  }
0x53: {  	_ =	shalt  }
0x54: {  	_ =	shalt  }
0x55: {  	_ =	shalt  }
0x56: {  	_ =	shalt  }
0x57: {  	_ =	shalt  }
0x58: {  	_ =	shalt  }
0x59: {  	_ =	shalt  }
0x5a: {  	_ =	shalt  }
0x5b: {  	_ =	shalt  }
0x5c: {  	_ =	shalt  }
0x5d: {  	_ =	shalt  }
0x5e: {  	_ =	shalt  }
0x5f: {  	_ =	shalt  }
0x60: {  	_ =	shalt  }
0x61: {  	_ =	shalt  }
0x62: {  	_ =	shalt  }
0x63: {  	_ =	shalt  }
0x64: {  	_ =	shalt  }
0x65: {  	_ =	shalt  }
0x66: {  	_ =	shalt  }
0x67: {  	_ =	shalt  }
0x68: {  	_ =	shalt  }
0x69: {  	_ =	shalt  }
0x6a: {  	_ =	shalt  }
0x6b: {  	_ =	shalt  }
0x6c: {  	_ =	shalt  }
0x6d: {  	_ =	shalt  }
0x6e: {  	_ =	shalt  }
0x6f: {  	_ =	shalt  }
0x70: {  	_ =	shalt  }
0x71: {  	_ =	shalt  }
0x72: {  	_ =	shalt  }
0x73: {  	_ =	shalt  }
0x74: {  	_ =	shalt  }
0x75: {  	_ =	shalt  }
0x76: {  	_ =	shalt  }
0x77: {  	_ =	shalt  }
0x78: {  	_ =	shalt  }
0x79: {  	_ =	shalt  }
0x7a: {  	_ =	shalt  }
0x7b: {  	_ =	shalt  }
0x7c: {  	_ =	shalt  }
0x7d: {  	_ =	shalt  }
0x7e: {  	_ =	shalt  }
0x7f: {  	_ =	shalt  }
0x80: {  	_ =	shalt  }
0x81: {  	_ =	shalt  }
0x82: {  	_ =	shalt  }
0x83: {  	_ =	shalt  }
0x84: {  	_ =	shalt  }
0x85: {  	_ =	shalt  }
0x86: {  	_ =	shalt  }
0x87: {  	_ =	shalt  }
.Lfunc_end0:
.L_simem_size_0:
called_computation_lowered:
.L_overlay_start_0:
0x88: {  	s2 =	sld [smem:$0x3FD9]  }
0x89: {  	s3 =	sld [smem:$0x3FFE];
	_ =	sdelay $0x1  }
0x8a: {  	s1 =	srdreg.scid  }
0x8b: {  	s0 =	sand.u32 $0x1, s1  }
0x8c: {  	s14 =	sshll.u32 s0, $0xA;
	s2 =	sadd.s32 s3, s2  }
0x8d: {  	s2 =	sadd.s32 s2, s14  }
0x8e: {  	[smem:$0x3FB8] =	sst s2  }
0x8f: {  	_ = 	snop  }
0x90: {  	s2 =	sld [smem:$0x3FD0];
	_ =	sdelay $0x2  }
0x91: {  	s15 =	simm.s32 $0xA;
	s4 =	simm.s32 $0x10  }
0x92: {  	[smem:s4], [sflag:s15] =	dma.local [hbm:s2], $0x1  }
0x93: {  	_ =	swait.eq [sflag:s15], $0x1  }
0x94: {  	[sflag:s15] =	ssyncset.done $0x0  }
0x95: {  	[sflag:s15] =	ssyncadd.s32 $0xFFFFFFFF  }
0x96: {  	s16 =	sld [smem:$0x11];
	(tm) =	ssettm $0x1  }
0x97: {  	s17 =	sld [smem:$0x3FFB];
	_ =	sdelay $0x3  }
0x98: {  	_ =	strace s17  }
0x99: {  	s3 =	sld [smem:$0x3FFC];
	_ =	sdelay $0x3  }
0x9a: {  	_ =	strace s3  }
0x9b: {  	s3 =	sld [smem:$0x3FFD];
	_ =	sdelay $0x3  }
0x9c: {  	_ =	strace s3  }
0x9d: {  	_ =	strace $0x8FFFFFFF  }
0x9e: {  	s18 =	sld [smem:$0x3FDB];
	_ =	sdelay $0x1  }
0x9f: {  	s19 =	simm.s32 $_scs_section_size  }
0xa0: {  	s5 =	simm.s32 $_size__tile_overlayer_lowered;
	s6 =	simm.s32 $_tile_overlayer_lowered  }
0xa1: {  	s22 =	simm.s32 $0x1BFF;
	s21 =	sshll.u32 s6, $0x1;
	s3 =	sadd.s32 s19, s18  }
0xa2: {  	s7 =	simm.s32 $0x0;
	s20 =	sshll.u32 s5, $0x1;
	s5 =	sadd.s32 s21, s3  }
0xa3: {  	[timem:s7], [sflag:s22] =	dma.local [hbm:s5], s20  }
0xa4: {  	_ =	swait.ge [sflag:s22], s20  }
0xa5: {  	s4 =	ssub.s32 $0x0, s20;
	[sflag:s22] =	ssyncset.done $0x0  }
0xa6: {  	[sflag:s22] =	ssyncadd.s32 s4;
	_ =	sdelay $0x1  }
0xa7: {  	s23 =	simm.s32 $0x1B8B  }
0xa8: {  	_ =	swait.ge [sflag:s23], $0x1  }
0xa9: {  	[sflag:s23] =	ssyncset.done $0x0  }
0xaa: {  	s25 =	simm.s32 $0x1B8E;
	s24 =	sld [smem:$0x3FFE];
	[sflag:s23] =	ssyncadd.s32 $0xFFFFFFFF  }
0xab: {  	s26 =	simm.s32 $execute0_lowered;
	[smem:$0x3FD2] =	sst s25  }
0xac: {  	s5 =	sshll.u32 s26, $0x1;
	_ =	strace $0x80000046;
	[dreg:$0x1] =	wrdreg $0xFFFFFFFF  }
0xad: {  	s28 =	simm.s32 $_size_execute0_lowered;
	s3 =	sadd.s32 s3, s5;
	[dreg:$0x0] =	wrdreg $0x0  }
0xae: {  	s5 =	sshll.u32 s28, $0x1;
	[dreg:$0x2] =	wrdreg s3  }
0xaf: {  	[dreg:$0x3] =	wrdreg s5  }
0xb0: {  	[dreg:$0x4] =	wrdreg $0xC0  }
0xb1: {  	_ =	task [dreg:s7], $0x5FFFF  }
0xb2: {  	[dreg:$0x1] =	wrdreg $0xFFFFFFFF  }
0xb3: {  	[dreg:$0x0] =	wrdreg $0x60  }
0xb4: {  	[dreg:$0x2] =	wrdreg s24  }
0xb5: {  	[dreg:$0x3] =	wrdreg s16  }
0xb6: {  	[dreg:$0x4] =	wrdreg $0x57D00  }
0xb7: {  	[dreg:$0x5] =	wrdreg $0x9  }
0xb8: {  	_ =	task.clear_ibuf [dreg:s7], $0x6FFFF;
	_ =	strace $0x90000046  }
0xb9: {  	s29 =	simm.s32 $0x9;
	_ =	strace $0x80000048  }
0xba: {  	_ =	swait.ge [sflag:s29], $0x1  }
0xbb: {  	[sflag:s29] =	ssyncadd.s32 $0xFFFFFFFF  }
0xbc: {  	_ =	strace $0x90000048  }
0xbd: {  	_ =	sfence  }
0xbe: {  	s30 =	sld [smem:$0x0];
	_ =	sdelay $0x2  }
0xbf: {  	s31 =	sshll.u32 s1, $0xD;
	s1 =	sshrl.u32 s1, $0x2  }
0xc0: {  	s3 =	sand.u32 $0x4000, s31;
	s1 =	sadd.s32 s1, s30  }
0xc1: {  	s0 =	sor.u32 s3, s0;
	s1 =	sshll.u32 s1, $0x11  }
0xc2: {  	s0 =	sor.u32 s1, s0  }
0xc3: {  	s0 =	sadd.s32 $0x8F2B, s0  }
0xc4: {  	[sflag:s0] =	ssyncadd.remote.s32 $0x1  }
0xc5: {  	_ =	sfence.sel $0xFFFF  }
0xc6: {  	[dreg:$0x0] =	wrdreg $0xFFFFFFFF;
	(pc) =	sbr.abs _section_cstart, $3  }
0xc7: {  	[dreg:$0x1] =	wrdreg $0xFFFFFFFF  }
0xc8: {  	_ =	task.clear_ibuf [dreg:s7], $0x2FFFF;
	_ =	strace $0x9FFFFFFF  }
0xc9: {  	(tm) =	ssettm $0x7FFFFFFF  }
tec
execute0_lowered:
.L_overlay_start_1:
0x0: {  	(tag) =	ssettag $0x1  }
0x1: {  	s6 =	rddreg [dreg:$0x0]  }
0x2: {  	s0 =	srdreg.scid;
	s2 =	rddreg [dreg:$0x1]  }
0x3: {  	s3 =	rddreg [dreg:$0x2];
	s4 =	simm.s32 $0x0;
	s14 =	simm.s32 $0x7D  }
0x4: {  	s7 =	sand.u32 $0x1, s0;
	s0 =	stileid.u32;
	[smem:$0x7FF] =	sst s4  }
0x5: {  	s1 =	sshll.u32 s7, $0x4;
	s8 =	smul.u32 $0x50000, s7;
	s7 =	ssub.s32 $0x2, s7  }
0x6: {  	s10 =	smul.u32 $0x2800, s0;
	s12 =	sshll.u32 s0, $0x6;
	s5 =	sor.u32 s0, s1  }
0x7: {  	s1 =	rddreg [dreg:$0x3];
	_ =	strace $0x80000047;
	s31 =	sshrl.u32 s7, $0x1  }
0x8: {  	s12 =	sor.u32 $0x1C01, s12;
	s5 =	smul.u32 $0x500, s5;
	s8 =	sshrl.u32 s8, $0x3  }
0x9: {  	s11 =	ssub.s32 s7, s31;
	s13 =	sadd.s32 s10, s3;
	s16 =	sshrl.u32 s10, $0x3  }
0xa: {  	s10 =	simm.s32 $0x2800;
	s8 =	sadd.s32 s8, s6;
	s13 =	sshrl.u32 s13, $0x3  }
0xb: {  	s9 =	sadd.s32 s5, s6;
	s5 =	sadd.s32 $0x2B400, s6;
	s15 =	sadd.s32 $0x2BA00, s8  }
0xc: {  	s17 =	sadd.s32 $0x30A00, s8;
	s8 =	smax.u32 s11, $0x1;
	s11 =	simm.s32 $0x5000  }
0xd: {  	s6 =	sadd.s32 $0x21400, s9;
	s7 =	sadd.s32 $0x17400, s9;
	s9 =	simm.s32 $0x1  }
0xe: {  	s15 =	sadd.s32 s16, s15;
	s16 =	sadd.s32 s16, s17;
	s17 =	simm.s32 $0x0  }
.LBB2_1:
0xf: {  	[tilespmem:s4], [sflag:$0x1] =	stream.linear.gather [hbm4b:s6+s4], $0x2800, $0x38;
	[tilespmem:$0x7FD0] =	vst v63  }
0x10: {  	_ =	swait.ge [sflag:s9], $0x2800  }
0x11: {  	[sflag:s9] =	ssyncset.done $0x0  }
0x12: {  	[sflag:s9] =	ssyncadd.s32 $0xFFFFD800  }
0x13: {  	[tilespmem:s10], [sflag:$0x1] =	stream.linear.gather [hbm4b:s7+s4], $0x2800, $0x38;
	[tilespmem:$0x7FD0] =	vst v63  }
0x14: {  	_ =	swait.ge [sflag:s9], $0x2800  }
0x15: {  	[sflag:s9] =	ssyncset.done $0x0  }
0x16: {  	[sflag:s9] =	ssyncadd.s32 $0xFFFFD800  }
0x17: {  	[tilespmem:s11], [sflag:$0x1] =	stream.linear.gather [hbm4b:s2+s4], $0x7D0, $0x38;
	[tilespmem:$0x7FD0] =	vst v63  }
0x18: {  	_ =	swait.ge [sflag:s9], $0x7D0  }
0x19: {  	[sflag:s9] =	ssyncset.done $0x0  }
0x1a: {  	[sflag:s9] =	ssyncadd.s32 $0xFFFFF830  }
0x1b: {  	[spmem:s13], [sflag:s12] =	dma.local [hbm:s5], $0x500  }
0x1c: {  	_ =	swait.ge [sflag:s9], $0x500  }
0x1d: {  	[sflag:s9] =	ssyncset.done $0x0  }
0x1e: {  	[sflag:s9] =	ssyncadd.s32 $0xFFFFFB00  }
0x1f: {  	s18 =	simm.s32 $0x0;
	[bflag:$0x0] =	sbarrier.arrive $0xFFFF  }
0x20: {  	[spmem:s3] =	stream.indirect.scatter.add.f32 [tilespmem:s11], [sflag:$0x1], $0x10, s18, s14, $0xb8;
	[tilespmem:$0x7FD0] =	vst v63  }
0x21: {  	_ =	swait.ge [sflag:s9], $0x7D0  }
0x22: {  	s18 =	simm.s32 $0x200;
	[sflag:s9] =	ssyncset.done $0x0  }
.LBB2_2:
0x23: {  	s19 =	sshra.s32 s18, $0x2;
	[sflag:s9] =	ssyncadd.s32 $0xFFFFF830;
	p0 =	sne.s32 s18, $0x9E00  }
0x24: {  	[spmem:s3] =	stream.indirect.scatter.add.f32 [tilespmem:s11], [sflag:$0x1], $0x10, s19, s14, $0xb8;
	[tilespmem:$0x7FD0] =	vst v63  }
.Ltmp0:
0x25: {  	_ = 	snop;
	(pc) =	sbr.rel @p0 .LBB2_2-.Ltmp0, $4  }
0x26: {  	_ = 	snop  }
0x27: {  	s18 =	sadd.s32 $0x200, s18  }
0x28: {  	_ =	swait.ge [sflag:s9], $0x7D0  }
0x29: {  	[sflag:s9] =	ssyncset.done $0x0  }
0x2a: {  	[sflag:s9] =	ssyncadd.s32 $0xFFFFF830  }
0x2b: {  	[bflag:$0x0] =	sbarrier.arrive $0xFFFF  }
0x2c: {  	[hbm:s15], [sflag:s12] =	dma.local [spmem:s13], $0x500  }
0x2d: {  	_ =	swait.ge [sflag:s9], $0x500  }
0x2e: {  	[sflag:s9] =	ssyncset.done $0x0  }
0x2f: {  	[sflag:s9] =	ssyncadd.s32 $0xFFFFFB00  }
0x30: {  	[bflag:$0x0] =	sbarrier.arrive $0xFFFF  }
0x31: {  	[spmem:s13], [sflag:s12] =	dma.local [hbm:s5], $0x500  }
0x32: {  	_ =	swait.ge [sflag:s9], $0x500  }
0x33: {  	[sflag:s9] =	ssyncset.done $0x0  }
0x34: {  	[sflag:s9] =	ssyncadd.s32 $0xFFFFFB00  }
0x35: {  	s18 =	simm.s32 $0x2800;
	[bflag:$0x0] =	sbarrier.arrive $0xFFFF  }
0x36: {  	[spmem:s3] =	stream.indirect.scatter.add.f32 [tilespmem:s11], [sflag:$0x1], $0x10, s18, s14, $0xb8;
	[tilespmem:$0x7FD0] =	vst v63  }
0x37: {  	s18 =	simm.s32 $0x200;
	_ =	swait.ge [sflag:s9], $0x7D0  }
.LBB2_4:
0x38: {  	s19 =	sshra.s32 s18, $0x2;
	[sflag:s9] =	ssyncset.done $0x0;
	p0 =	sne.s32 s18, $0x9E00  }
.Ltmp1:
0x39: {  	s19 =	sadd.s32 $0x2800, s19;
	[sflag:s9] =	ssyncadd.s32 $0xFFFFF830;
	(pc) =	sbr.rel @p0 .LBB2_4-.Ltmp1, $3  }
0x3a: {  	[spmem:s3] =	stream.indirect.scatter.add.f32 [tilespmem:s11], [sflag:$0x1], $0x10, s19, s14, $0xb8;
	[tilespmem:$0x7FD0] =	vst v63  }
0x3b: {  	s18 =	sadd.s32 $0x200, s18;
	_ =	sdelay $0x1  }
0x3c: {  	_ =	swait.ge [sflag:s9], $0x7D0  }
0x3d: {  	[sflag:s9] =	ssyncset.done $0x0  }
0x3e: {  	s17 =	sadd.s32 $0x1, s17;
	[sflag:s9] =	ssyncadd.s32 $0xFFFFF830  }
0x3f: {  	p0 =	sne.s32 s17, s8;
	[bflag:$0x0] =	sbarrier.arrive $0xFFFF  }
0x40: {  	[hbm:s16], [sflag:s12] =	dma.local [spmem:s13], $0x500  }
.Ltmp2:
0x41: {  	_ =	swait.ge [sflag:s9], $0x500;
	(pc) =	sbr.rel @p0 .LBB2_1-.Ltmp2, $3  }
0x42: {  	[sflag:s9] =	ssyncset.done $0x0  }
0x43: {  	[sflag:s9] =	ssyncadd.s32 $0xFFFFFB00  }
0x44: {  	[bflag:$0x0] =	sbarrier.arrive $0xFFFF;
	_ =	sdelay $0x1  }
0x45: {  	_ =	sfence.sel $0x180000  }
0x46: {  	[bflag:$0x0] =	sbarrier.arrive $0xFFFF  }
0x47: {  	p0 =	sne.s32 s0, $0x0;
	_ =	strace $0x90000047  }
0x48: {  	s0 =	sadd.s32 @!p0 $0x100000, s1;
	[bflag:$0x2] =	sbarrier.arrive $0xFFFF  }
0x49: {  	[sflag:s0] =	ssyncadd.tile.s32 @!p0 $0x1;
	_ =	shalt  }
.Lfunc_end2:
_tile_overlayer_lowered:
.L_overlay_start_2:
0x4a: {  	(tag) =	ssettag $0x2  }
0x4b: {  	s0 =	rddreg [dreg:$0x0];
	s2 =	stileid.u32  }
0x4c: {  	s1 =	rddreg [dreg:$0x1];
	p0 =	sne.s32 s2, $0x0  }
0x4d: {  	s3 =	rddreg [dreg:$0x2];
	[bflag:$0x3] =	sbarrier.arrive $0xFFFF;
	s2 =	simm.s32 @!p0 $0x1C01  }
0x4e: {  	[timem:s3], [sflag:s2] =	dma.local @!p0 [hbm:s0], s1  }
0x4f: {  	s0 =	simm.s32 @!p0 $0x1  }
0x50: {  	_ =	swait.ge @!p0 [sflag:s0], s1  }
0x51: {  	s1 =	ssub.s32 @!p0 $0x0, s1;
	[sflag:s0] =	ssyncset.done @!p0 $0x0  }
0x52: {  	[sflag:s0] =	ssyncadd.s32 @!p0 s1  }
0x53: {  	[bflag:$0x3] =	sbarrier.arrive $0xFFFF  }
0x54: {  	_ =	shalt  }

// kernel: kernel.13.cloned.1.call-start
scs
__scs_entry_jumppad:
0x0: {  	(pc) =	sbr.rel $0x88, $3  }
0x1: {  	(tag) =	ssettag $0x0;
	lr =	simm.s32 $0x1  }
0x2: {  	[smem:$0x3F91] =	sst lr;
	_ =	strace $0xD0000000  }
0x3: {  	_ = 	snop  }
0x4: {  	_ = 	snop  }
0x5: {  	_ = 	snop  }
0x6: {  	_ = 	snop  }
0x7: {  	_ = 	snop  }
__scs_overlays_trampoline_lowered:
0x8: {  	[smem:$0x3FA0] =	sst s0  }
0x9: {  	[smem:$0x3FA1] =	sst s1  }
0xa: {  	[smem:$0x3FA2] =	sst s2  }
0xb: {  	[smem:$0x3FA3] =	sst s3  }
0xc: {  	[smem:$0x3FA4] =	sst s4  }
0xd: {  	[smem:$0x3FA5] =	sst s5  }
0xe: {  	[smem:$0x3FA6] =	sst s6  }
0xf: {  	[smem:$0x3FA7] =	sst s7  }
0x10: {  	[smem:$0x3FA8] =	sst s8  }
0x11: {  	[smem:$0x3FA9] =	sst s9;
	s0 =	simm.s32 @!p0 $0x0  }
0x12: {  	s1 =	sld [smem:$0x3F8F];
	s0 =	simm.s32 @p0 $0x1  }
0x13: {  	[smem:$0x3FAA] =	sst s0;
	s0 =	simm.s32 @!p1 $0x0  }
0x14: {  	s2 =	sld [smem:$0x3F8E];
	s0 =	simm.s32 @p1 $0x1  }
0x15: {  	[smem:$0x3FAB] =	sst s0;
	s0 =	simm.s32 @!p2 $0x0  }
0x16: {  	s3 =	sld [smem:$0x3FDB];
	s0 =	simm.s32 @p2 $0x1  }
0x17: {  	s4 =	simm.s32 $0x1BF5;
	[smem:$0x3FAD] =	sst s0  }
0x18: {  	s0 =	sld [smem:$0x3F90];
	_ =	swait.ge [sflag:s4], $0x0  }
0x19: {  	s7 =	sld [smem:$0x3F91]  }
0x1a: {  	s8 =	sadd.s32 $0xFFFFE003, lr  }
0x1b: {  	s9 =	sadd.s32 $0xFFFFFEF7, lr;
	s5 =	simm.s32 $0xFFFFFFFF;
	p2 =	slt.u32 s8, $0xFFFFF086  }
0x1c: {  	p1 =	slt.u32 s9, $0xF7A;
	s5 =	simm.s32 @!p2 $0x0  }
0x1d: {  	s5 =	simm.s32 @p1 $0x1;
	p0 =	seq.s32 s7, s2  }
0x1e: {  	s7 =	smul.u32 @!p0 $0xF7A, s2;
	p2 =	seq.s32 @!p0 s5, $0x0  }
0x1f: {  	s9 =	smul.u32 $0xF7A, s1;
	s8 =	simm.s32 @!p0 $0x1BF5;
	p2 =	por !p2, p0  }
0x20: {  	[sflag:s8] =	ssyncset.s32 @!p0 $0xFFFFF086;
	s6 =	sadd.s32 @!p0 s3, s7;
	s7 =	simm.s32 @!p0 $0x108  }
0x21: {  	s3 =	sadd.s32 s3, s9;
	s6 =	sadd.s32 @!p0 $0x88, s6;
	s7 =	simm.s32 @p2 $0x1082  }
0x22: {  	[simem:s7], [sflag:s8] =	dma.local @!p0 [hbm:s6], $0xF7A  }
0x23: {  	s9 =	sor.u32 $0xD0000000, s2;
	s6 =	simm.s32 $0x108;
	_ =	swait.ge @!p0 [sflag:s8], $0x0  }
0x24: {  	s3 =	sadd.s32 $0x88, s3;
	s6 =	simm.s32 @!p1 $0x1082;
	[sflag:s4] =	ssyncset.s32 $0xFFFFF086  }
0x25: {  	[simem:s6], [sflag:s4] =	dma.local [hbm:s3], $0xF7A  }
0x26: {  	[smem:$0x3F91] =	sst s1;
	(tag) =	ssettag s2;
	_ =	strace s9  }
0x27: {  	s1 =	sld [smem:$0x3FA1]  }
0x28: {  	s2 =	sld [smem:$0x3FA2]  }
0x29: {  	s4 =	sld [smem:$0x3FA4]  }
0x2a: {  	p0 =	seq.s32 s5, $0x0;
	s5 =	sld [smem:$0x3FA5]  }
0x2b: {  	s6 =	sld [smem:$0x3FA6]  }
0x2c: {  	s7 =	sld [smem:$0x3FA7]  }
0x2d: {  	s3 =	simm.s32 $0x108;
	s8 =	sld [smem:$0x3FA8]  }
0x2e: {  	s3 =	simm.s32 @!p0 $0x1082;
	s9 =	sld [smem:$0x3FA9]  }
0x2f: {  	lr =	sadd.s32 s0, s3;
	s0 =	sld [smem:$0x3FA0]  }
0x30: {  	s3 =	sld [smem:$0x3FA3]  }
0x31: {  	[smem:$0x3FAC] =	sst s10  }
0x32: {  	s10 =	sld [smem:$0x3FAA];
	_ =	sdelay $0x3  }
0x33: {  	p0 =	seq.s32 s10, $0x1;
	s10 =	sld [smem:$0x3FAC];
	_ =	sdelay $0x3  }
0x34: {  	[smem:$0x3FAC] =	sst s10  }
0x35: {  	s10 =	sld [smem:$0x3FAB];
	_ =	sdelay $0x3  }
0x36: {  	p1 =	seq.s32 s10, $0x1;
	s10 =	sld [smem:$0x3FAC];
	_ =	sdelay $0x3  }
0x37: {  	[smem:$0x3FAC] =	sst s10  }
0x38: {  	s10 =	sld [smem:$0x3FAD]  }
0x39: {  	_ = 	snop;
	(pc) =	sbr.ind lr, $3  }
0x3a: {  	_ = 	snop  }
0x3b: {  	_ = 	snop  }
0x3c: {  	p2 =	seq.s32 s10, $0x1;
	s10 =	sld [smem:$0x3FAC]  }
0x3d: {  	_ =	shalt  }
0x3e: {  	_ =	shalt  }
0x3f: {  	_ =	shalt  }
0x40: {  	_ =	shalt  }
0x41: {  	_ =	shalt  }
0x42: {  	_ =	shalt  }
0x43: {  	_ =	shalt  }
0x44: {  	_ =	shalt  }
0x45: {  	_ =	shalt  }
0x46: {  	_ =	shalt  }
0x47: {  	_ =	shalt  }
0x48: {  	_ =	shalt  }
0x49: {  	_ =	shalt  }
0x4a: {  	_ =	shalt  }
0x4b: {  	_ =	shalt  }
0x4c: {  	_ =	shalt  }
0x4d: {  	_ =	shalt  }
0x4e: {  	_ =	shalt  }
0x4f: {  	_ =	shalt  }
0x50: {  	_ =	shalt  }
0x51: {  	_ =	shalt  }
0x52: {  	_ =	shalt  }
0x53: {  	_ =	shalt  }
0x54: {  	_ =	shalt  }
0x55: {  	_ =	shalt  }
0x56: {  	_ =	shalt  }
0x57: {  	_ =	shalt  }
0x58: {  	_ =	shalt  }
0x59: {  	_ =	shalt  }
0x5a: {  	_ =	shalt  }
0x5b: {  	_ =	shalt  }
0x5c: {  	_ =	shalt  }
0x5d: {  	_ =	shalt  }
0x5e: {  	_ =	shalt  }
0x5f: {  	_ =	shalt  }
0x60: {  	_ =	shalt  }
0x61: {  	_ =	shalt  }
0x62: {  	_ =	shalt  }
0x63: {  	_ =	shalt  }
0x64: {  	_ =	shalt  }
0x65: {  	_ =	shalt  }
0x66: {  	_ =	shalt  }
0x67: {  	_ =	shalt  }
0x68: {  	_ =	shalt  }
0x69: {  	_ =	shalt  }
0x6a: {  	_ =	shalt  }
0x6b: {  	_ =	shalt  }
0x6c: {  	_ =	shalt  }
0x6d: {  	_ =	shalt  }
0x6e: {  	_ =	shalt  }
0x6f: {  	_ =	shalt  }
0x70: {  	_ =	shalt  }
0x71: {  	_ =	shalt  }
0x72: {  	_ =	shalt  }
0x73: {  	_ =	shalt  }
0x74: {  	_ =	shalt  }
0x75: {  	_ =	shalt  }
0x76: {  	_ =	shalt  }
0x77: {  	_ =	shalt  }
0x78: {  	_ =	shalt  }
0x79: {  	_ =	shalt  }
0x7a: {  	_ =	shalt  }
0x7b: {  	_ =	shalt  }
0x7c: {  	_ =	shalt  }
0x7d: {  	_ =	shalt  }
0x7e: {  	_ =	shalt  }
0x7f: {  	_ =	shalt  }
0x80: {  	_ =	shalt  }
0x81: {  	_ =	shalt  }
0x82: {  	_ =	shalt  }
0x83: {  	_ =	shalt  }
0x84: {  	_ =	shalt  }
0x85: {  	_ =	shalt  }
0x86: {  	_ =	shalt  }
0x87: {  	_ =	shalt  }
.Lfunc_end0:
.L_simem_size_0:
called_computation.1_lowered:
.L_overlay_start_0:
0x88: {  	s2 =	sld [smem:$0x3FD9]  }
0x89: {  	s3 =	sld [smem:$0x3FFE];
	_ =	sdelay $0x1  }
0x8a: {  	s1 =	srdreg.scid  }
0x8b: {  	s0 =	sand.u32 $0x1, s1  }
0x8c: {  	s16 =	sshll.u32 s0, $0xA;
	s2 =	sadd.s32 s3, s2  }
0x8d: {  	s2 =	sadd.s32 s2, s16  }
0x8e: {  	[smem:$0x3FB8] =	sst s2  }
0x8f: {  	_ = 	snop  }
0x90: {  	(tm) =	ssettm $0x1  }
0x91: {  	s17 =	sld [smem:$0x3FFB];
	_ =	sdelay $0x3  }
0x92: {  	_ =	strace s17  }
0x93: {  	s2 =	sld [smem:$0x3FFC];
	_ =	sdelay $0x3  }
0x94: {  	_ =	strace s2  }
0x95: {  	s2 =	sld [smem:$0x3FFD];
	_ =	sdelay $0x3  }
0x96: {  	_ =	strace s2  }
0x97: {  	_ =	strace $0x8FFFFFFF  }
0x98: {  	s18 =	sld [smem:$0x3FDB];
	_ =	sdelay $0x1  }
0x99: {  	s19 =	simm.s32 $_scs_section_size  }
0x9a: {  	s4 =	simm.s32 $_size__tile_overlayer_lowered;
	s5 =	simm.s32 $_tile_overlayer_lowered  }
0x9b: {  	s22 =	simm.s32 $0x1BFF;
	s21 =	sshll.u32 s5, $0x1;
	s2 =	sadd.s32 s19, s18  }
0x9c: {  	s6 =	simm.s32 $0x0;
	s20 =	sshll.u32 s4, $0x1;
	s4 =	sadd.s32 s21, s2  }
0x9d: {  	[timem:s6], [sflag:s22] =	dma.local [hbm:s4], s20  }
0x9e: {  	_ =	swait.ge [sflag:s22], s20  }
0x9f: {  	s3 =	ssub.s32 $0x0, s20;
	[sflag:s22] =	ssyncset.done $0x0  }
0xa0: {  	[sflag:s22] =	ssyncadd.s32 s3;
	_ =	sdelay $0x1  }
0xa1: {  	s23 =	simm.s32 $0x1B8B  }
0xa2: {  	_ =	swait.ge [sflag:s23], $0x1  }
0xa3: {  	[sflag:s23] =	ssyncset.done $0x0  }
0xa4: {  	s25 =	simm.s32 $0x1B8E;
	s24 =	sld [smem:$0x3FFE];
	[sflag:s23] =	ssyncadd.s32 $0xFFFFFFFF  }
0xa5: {  	s26 =	simm.s32 $execute0_lowered;
	[smem:$0x3FD2] =	sst s25  }
0xa6: {  	s4 =	sshll.u32 s26, $0x1;
	_ =	strace $0x80000049;
	[dreg:$0x1] =	wrdreg $0xFFFFFFFF  }
0xa7: {  	s28 =	simm.s32 $_size_execute0_lowered;
	s2 =	sadd.s32 s2, s4;
	[dreg:$0x0] =	wrdreg $0x0  }
0xa8: {  	s4 =	sshll.u32 s28, $0x1;
	[dreg:$0x2] =	wrdreg s2  }
0xa9: {  	[dreg:$0x3] =	wrdreg s4  }
0xaa: {  	[dreg:$0x4] =	wrdreg $0xC0  }
0xab: {  	_ =	task [dreg:s6], $0x5FFFF  }
0xac: {  	[dreg:$0x1] =	wrdreg $0xFFFFFFFF  }
0xad: {  	[dreg:$0x0] =	wrdreg $0x60  }
0xae: {  	[dreg:$0x2] =	wrdreg s24  }
0xaf: {  	[dreg:$0x3] =	wrdreg $0xA8000  }
0xb0: {  	[dreg:$0x4] =	wrdreg $0x9  }
0xb1: {  	_ =	task.clear_ibuf [dreg:s6], $0x5FFFF;
	_ =	strace $0x90000049  }
0xb2: {  	s29 =	simm.s32 $0x9;
	_ =	strace $0x8000004B  }
0xb3: {  	_ =	swait.ge [sflag:s29], $0x1  }
0xb4: {  	[sflag:s29] =	ssyncadd.s32 $0xFFFFFFFF  }
0xb5: {  	_ =	strace $0x9000004B  }
0xb6: {  	_ =	sfence  }
0xb7: {  	s30 =	sld [smem:$0x0];
	_ =	sdelay $0x2  }
0xb8: {  	s31 =	sshll.u32 s1, $0xD;
	s1 =	sshrl.u32 s1, $0x2  }
0xb9: {  	s3 =	sand.u32 $0x4000, s31;
	s1 =	sadd.s32 s1, s30  }
0xba: {  	s0 =	sor.u32 s3, s0;
	s1 =	sshll.u32 s1, $0x11  }
0xbb: {  	s0 =	sor.u32 s1, s0  }
0xbc: {  	s0 =	sadd.s32 $0x8F2B, s0  }
0xbd: {  	[sflag:s0] =	ssyncadd.remote.s32 $0x1  }
0xbe: {  	_ =	sfence.sel $0xFFFF  }
0xbf: {  	[dreg:$0x0] =	wrdreg $0xFFFFFFFF;
	(pc) =	sbr.abs _section_cstart, $3  }
0xc0: {  	[dreg:$0x1] =	wrdreg $0xFFFFFFFF  }
0xc1: {  	_ =	task.clear_ibuf [dreg:s6], $0x2FFFF;
	_ =	strace $0x9FFFFFFF  }
0xc2: {  	(tm) =	ssettm $0x7FFFFFFF  }
0xc3: {  	_ =	shalt  }
tec
execute0_lowered:
.L_overlay_start_1:
0x0: {  	(tag) =	ssettag $0x1  }
0x1: {  	s0 =	srdreg.scid;
	s6 =	rddreg [dreg:$0x0]  }
0x2: {  	s2 =	rddreg [dreg:$0x1];
	s1 =	stileid.u32  }
0x3: {  	s3 =	simm.s32 $0x0;
	s13 =	simm.s32 $0x7D;
	s14 =	simm.s32 $0x2800  }
0x4: {  	s15 =	simm.s32 $0x3;
	s16 =	simm.s32 $0x6800;
	s17 =	simm.s32 $0x1  }
0x5: {  	s18 =	simm.s32 $0x2;
	s19 =	simm.s32 $0x1380;
	s20 =	simm.s32 $0x2700  }
0x6: {  	s21 =	simm.s32 $0x2780;
	s26 =	simm.s32 $0x0;
	s5 =	sand.u32 $0x1, s0  }
0x7: {  	[smem:$0x7FF] =	sst s3;
	s10 =	smul.u32 $0x50000, s1;
	s25 =	sshll.u32 s1, $0x6  }
0x8: {  	s24 =	smul.u32 $0x2800, s1;
	s4 =	sshll.u32 s5, $0x4;
	_ =	strace $0x8000004A  }
0x9: {  	s8 =	smul.u32 $0x28000, s5;
	s29 =	ssub.s32 $0x2, s5;
	s5 =	sadd.s32 $0x3E600, s6  }
0xa: {  	s4 =	sor.u32 s1, s4;
	s30 =	sshrl.u32 s29, $0x1;
	s31 =	sshrl.u32 s10, $0x2  }
0xb: {  	s7 =	smul.u32 $0x500, s4;
	s4 =	sadd.s32 $0x17400, s6;
	s11 =	sadd.s32 s8, s6  }
0xc: {  	s12 =	ssub.s32 s29, s30;
	s10 =	sadd.s32 s31, s2;
	s23 =	sadd.s32 $0x40E00, s11  }
0xd: {  	s10 =	sshrl.u32 s10, $0x3;
	s11 =	simm.s32 $0x4;
	s9 =	sadd.s32 s7, s6  }
0xe: {  	s6 =	sor.u32 $0x1C03, s25;
	s23 =	sadd.s32 s24, s23;
	s25 =	sor.u32 $0x1C04, s25  }
0xf: {  	s7 =	sadd.s32 $0xD400, s9;
	s8 =	sadd.s32 $0x3400, s9;
	s9 =	smax.u32 s12, $0x1  }
0x10: {  	s12 =	simm.s32 $0x1400;
	s22 =	sadd.s32 $0x280, s7;
	s24 =	sadd.s32 $0x280, s8  }
.LBB2_1:
0x11: {  	[spmem:s10], [sflag:s6] =	dma.local [hbm:s5], $0x2800  }
0x12: {  	[tilespmem:s3], [sflag:$0x4] =	stream.linear.gather [hbm4b:s7+s3], $0x1400, $0x38;
	[tilespmem:$0x1E800] =	vst v63  }
0x13: {  	_ =	swait.ge [sflag:s11], $0x1400  }
0x14: {  	[sflag:s11] =	ssyncset.done $0x0  }
0x15: {  	[sflag:s11] =	ssyncadd.s32 $0xFFFFEC00  }
0x16: {  	[tilespmem:s12], [sflag:$0x4] =	stream.linear.gather [hbm4b:s8+s3], $0x1400, $0x38;
	[tilespmem:$0x1E800] =	vst v63  }
0x17: {  	_ =	swait.ge [sflag:s11], $0x1400  }
0x18: {  	[sflag:s11] =	ssyncset.done $0x0  }
0x19: {  	[sflag:s11] =	ssyncadd.s32 $0xFFFFEC00  }
0x1a: {  	[tilespmem:s14], [sflag:$0x1] =	stream.indirect.gather [hbm4b:s4+s13], $0x80, s3, s13, $0xb8;
	[tilespmem:$0x1E800] =	vst v63  }
0x1b: {  	_ =	swait.ge [sflag:s15], $0x2800  }
0x1c: {  	[sflag:s15] =	ssyncset.done $0x0  }
0x1d: {  	[sflag:s15] =	ssyncadd.s32 $0xFFFFD800  }
0x1e: {  	s28 =	simm.s32 $0x80;
	[bflag:$0x0] =	sbarrier.arrive $0xFFFF  }
0x1f: {  	[tilespmem:s16], [sflag:$0x2] =	stream.indirect.gather [hbm4b:s4+s13], $0x80, s28, s13, $0xb8;
	[tilespmem:$0x1E800] =	vst v63  }
0x20: {  	_ =	swait.ge [sflag:s17], $0x3E80  }
0x21: {  	[sflag:s17] =	ssyncset.done $0x0  }
0x22: {  	s28 =	simm.s32 $0x1400;
	[sflag:s17] =	ssyncadd.s32 $0xFFFFC180  }
0x23: {  	[spmem:s2] =	stream.indirect.scatter.add.f32 [tilespmem:s14], [sflag:$0x4], $0x80, s28, s13, $0xb8;
	[tilespmem:$0x1E800] =	vst v63  }
0x24: {  	_ =	swait.ge [sflag:s11], $0x3E80  }
0x25: {  	[sflag:s11] =	ssyncset.done $0x0  }
0x26: {  	s28 =	simm.s32 $0x100;
	[sflag:s11] =	ssyncadd.s32 $0xFFFFC180  }
0x27: {  	[tilespmem:s14], [sflag:$0x1] =	stream.indirect.gather [hbm4b:s4+s13], $0x80, s28, s13, $0xb8;
	[tilespmem:$0x1E800] =	vst v63  }
0x28: {  	_ =	swait.ge [sflag:s18], $0x3E80  }
0x29: {  	[sflag:s18] =	ssyncset.done $0x0  }
0x2a: {  	s28 =	simm.s32 $0x1480;
	[sflag:s18] =	ssyncadd.s32 $0xFFFFC180  }
0x2b: {  	[spmem:s2] =	stream.indirect.scatter.add.f32 [tilespmem:s16], [sflag:$0x4], $0x80, s28, s13, $0xb8;
	[tilespmem:$0x1E800] =	vst v63  }
0x2c: {  	_ =	swait.ge [sflag:s11], $0x3E80  }
0x2d: {  	s29 =	simm.s32 $0x800;
	s28 =	simm.s32 $0x100;
	[sflag:s11] =	ssyncset.done $0x0  }
.LBB2_2:
0x2e: {  	s30 =	sadd.s32 $0x80, s28  }
0x2f: {  	[sflag:s11] =	ssyncadd.s32 $0xFFFFC180;
	s31 =	smov.u32 s29;
	s0 =	sadd.s32 $0x400, s29  }
0x30: {  	[tilespmem:s16], [sflag:$0x2] =	stream.indirect.gather [hbm4b:s4+s13], $0x80, s30, s13, $0xb8;
	[tilespmem:$0x1E800] =	vst v63  }
0x31: {  	p0 =	sne.s32 s29, $0x4800;
	_ =	swait.ge [sflag:s17], $0x3E80  }
0x32: {  	[sflag:s17] =	ssyncset.done $0x0  }
0x33: {  	s29 =	sadd.s32 $0x1400, s28;
	[sflag:s17] =	ssyncadd.s32 $0xFFFFC180  }
0x34: {  	[spmem:s2] =	stream.indirect.scatter.add.f32 [tilespmem:s14], [sflag:$0x4], $0x80, s29, s13, $0xb8;
	[tilespmem:$0x1E800] =	vst v63  }
0x35: {  	_ =	swait.ge [sflag:s11], $0x3E80  }
0x36: {  	[sflag:s11] =	ssyncset.done $0x0  }
0x37: {  	s29 =	sadd.s32 $0x100, s28;
	[sflag:s11] =	ssyncadd.s32 $0xFFFFC180  }
0x38: {  	[tilespmem:s14], [sflag:$0x1] =	stream.indirect.gather [hbm4b:s4+s13], $0x80, s29, s13, $0xb8;
	[tilespmem:$0x1E800] =	vst v63  }
0x39: {  	_ =	swait.ge [sflag:s18], $0x3E80  }
.Ltmp0:
0x3a: {  	[sflag:s18] =	ssyncset.done $0x0;
	(pc) =	sbr.rel @p0 .LBB2_2-.Ltmp0, $4  }
0x3b: {  	s28 =	sadd.s32 $0x1480, s28;
	[sflag:s18] =	ssyncadd.s32 $0xFFFFC180  }
0x3c: {  	[spmem:s2] =	stream.indirect.scatter.add.f32 [tilespmem:s16], [sflag:$0x4], $0x80, s28, s13, $0xb8;
	[tilespmem:$0x1E800] =	vst v63  }
0x3d: {  	_ =	swait.ge [sflag:s11], $0x3E80  }
0x3e: {  	s29 =	smov.u32 s0;
	s28 =	sshra.s32 s31, $0x2;
	[sflag:s11] =	ssyncset.done $0x0  }
0x3f: {  	s0 =	sadd.s32 $0x80, s28;
	[sflag:s11] =	ssyncadd.s32 $0xFFFFC180  }
0x40: {  	[tilespmem:s16], [sflag:$0x2] =	stream.indirect.gather [hbm4b:s4+s13], $0x80, s0, s13, $0xb8;
	[tilespmem:$0x1E800] =	vst v63  }
0x41: {  	_ =	swait.ge [sflag:s17], $0x3E80  }
0x42: {  	[sflag:s17] =	ssyncset.done $0x0  }
0x43: {  	s30 =	sadd.s32 $0x1400, s28;
	[sflag:s17] =	ssyncadd.s32 $0xFFFFC180  }
0x44: {  	[spmem:s2] =	stream.indirect.scatter.add.f32 [tilespmem:s14], [sflag:$0x4], $0x80, s30, s13, $0xb8;
	[tilespmem:$0x1E800] =	vst v63  }
0x45: {  	_ =	swait.ge [sflag:s11], $0x3E80  }
0x46: {  	[sflag:s11] =	ssyncset.done $0x0  }
0x47: {  	s31 =	sadd.s32 $0x100, s28;
	[sflag:s11] =	ssyncadd.s32 $0xFFFFC180  }
0x48: {  	[tilespmem:s14], [sflag:$0x1] =	stream.indirect.gather [hbm4b:s4+s13], $0x80, s31, s13, $0xb8;
	[tilespmem:$0x1E800] =	vst v63  }
0x49: {  	_ =	swait.ge [sflag:s18], $0x3E80  }
0x4a: {  	[sflag:s18] =	ssyncset.done $0x0  }
0x4b: {  	s30 =	sadd.s32 $0x1480, s28;
	[sflag:s18] =	ssyncadd.s32 $0xFFFFC180  }
0x4c: {  	[spmem:s2] =	stream.indirect.scatter.add.f32 [tilespmem:s16], [sflag:$0x4], $0x80, s30, s13, $0xb8;
	[tilespmem:$0x1E800] =	vst v63  }
0x4d: {  	_ =	swait.ge [sflag:s11], $0x3E80  }
0x4e: {  	[sflag:s11] =	ssyncset.done $0x0  }
0x4f: {  	[sflag:s11] =	ssyncadd.s32 $0xFFFFC180  }
0x50: {  	[tilespmem:s16], [sflag:$0x2] =	stream.indirect.gather [hbm4b:s4+s13], $0x80, s19, s13, $0xb8;
	[tilespmem:$0x1E800] =	vst v63  }
0x51: {  	_ =	swait.ge [sflag:s17], $0x3E80  }
0x52: {  	[sflag:s17] =	ssyncset.done $0x0  }
0x53: {  	[sflag:s17] =	ssyncadd.s32 $0xFFFFC180  }
0x54: {  	[spmem:s2] =	stream.indirect.scatter.add.f32 [tilespmem:s14], [sflag:$0x4], $0x80, s20, s13, $0xb8;
	[tilespmem:$0x1E800] =	vst v63  }
0x55: {  	_ =	swait.ge [sflag:s11], $0x3E80  }
0x56: {  	[sflag:s11] =	ssyncset.done $0x0  }
0x57: {  	[sflag:s11] =	ssyncadd.s32 $0xFFFFC180  }
0x58: {  	_ =	swait.ge [sflag:s18], $0x3E80  }
0x59: {  	[sflag:s18] =	ssyncset.done $0x0  }
0x5a: {  	[sflag:s18] =	ssyncadd.s32 $0xFFFFC180  }
0x5b: {  	[spmem:s2] =	stream.indirect.scatter.add.f32 [tilespmem:s16], [sflag:$0x4], $0x80, s21, s13, $0xb8;
	[tilespmem:$0x1E800] =	vst v63  }
0x5c: {  	_ =	swait.ge [sflag:s11], $0x3E80  }
0x5d: {  	[sflag:s11] =	ssyncset.done $0x0  }
0x5e: {  	s31 =	simm.s32 $0x0;
	[sflag:s11] =	ssyncadd.s32 $0xFFFFC180  }
0x5f: {  	[tilespmem:s31], [sflag:$0x4] =	stream.linear.gather [hbm4b:s22+s31], $0x1400, $0x38;
	[tilespmem:$0x1E800] =	vst v63  }
0x60: {  	_ =	swait.ge [sflag:s11], $0x1400  }
0x61: {  	[sflag:s11] =	ssyncset.done $0x0  }
0x62: {  	[sflag:s11] =	ssyncadd.s32 $0xFFFFEC00  }
0x63: {  	[tilespmem:s12], [sflag:$0x4] =	stream.linear.gather [hbm4b:s24+s31], $0x1400, $0x38;
	[tilespmem:$0x1E800] =	vst v63  }
0x64: {  	_ =	swait.ge [sflag:s11], $0x1400  }
0x65: {  	[sflag:s11] =	ssyncset.done $0x0  }
0x66: {  	[sflag:s11] =	ssyncadd.s32 $0xFFFFEC00  }
0x67: {  	[tilespmem:s14], [sflag:$0x1] =	stream.indirect.gather [hbm4b:s4+s13], $0x80, s31, s13, $0xb8;
	[tilespmem:$0x1E800] =	vst v63  }
0x68: {  	s30 =	simm.s32 $0x80  }
0x69: {  	[tilespmem:s16], [sflag:$0x2] =	stream.indirect.gather [hbm4b:s4+s13], $0x80, s30, s13, $0xb8;
	[tilespmem:$0x1E800] =	vst v63  }
0x6a: {  	_ =	swait.ge [sflag:s17], $0x3E80  }
0x6b: {  	[sflag:s17] =	ssyncset.done $0x0  }
0x6c: {  	s31 =	simm.s32 $0x1400;
	[sflag:s17] =	ssyncadd.s32 $0xFFFFC180  }
0x6d: {  	[spmem:s2] =	stream.indirect.scatter.add.f32 [tilespmem:s14], [sflag:$0x4], $0x80, s31, s13, $0xb8;
	[tilespmem:$0x1E800] =	vst v63  }
0x6e: {  	_ =	swait.ge [sflag:s11], $0x3E80  }
0x6f: {  	[sflag:s11] =	ssyncset.done $0x0  }
0x70: {  	s30 =	simm.s32 $0x100;
	[sflag:s11] =	ssyncadd.s32 $0xFFFFC180  }
0x71: {  	[tilespmem:s14], [sflag:$0x1] =	stream.indirect.gather [hbm4b:s4+s13], $0x80, s30, s13, $0xb8;
	[tilespmem:$0x1E800] =	vst v63  }
0x72: {  	_ =	swait.ge [sflag:s18], $0x3E80  }
0x73: {  	[sflag:s18] =	ssyncset.done $0x0  }
0x74: {  	s31 =	simm.s32 $0x1480;
	[sflag:s18] =	ssyncadd.s32 $0xFFFFC180  }
0x75: {  	[spmem:s2] =	stream.indirect.scatter.add.f32 [tilespmem:s16], [sflag:$0x4], $0x80, s31, s13, $0xb8;
	[tilespmem:$0x1E800] =	vst v63  }
0x76: {  	_ =	swait.ge [sflag:s11], $0x3E80  }
0x77: {  	s29 =	simm.s32 $0x800;
	s28 =	simm.s32 $0x100;
	[sflag:s11] =	ssyncset.done $0x0  }
.LBB2_4:
0x78: {  	s0 =	sadd.s32 $0x80, s28  }
0x79: {  	[sflag:s11] =	ssyncadd.s32 $0xFFFFC180;
	s30 =	smov.u32 s29;
	s31 =	sadd.s32 $0x400, s29  }
0x7a: {  	[tilespmem:s16], [sflag:$0x2] =	stream.indirect.gather [hbm4b:s4+s13], $0x80, s0, s13, $0xb8;
	[tilespmem:$0x1E800] =	vst v63  }
0x7b: {  	p0 =	sne.s32 s29, $0x4800;
	_ =	swait.ge [sflag:s17], $0x3E80  }
0x7c: {  	[sflag:s17] =	ssyncset.done $0x0  }
0x7d: {  	s0 =	sadd.s32 $0x1400, s28;
	[sflag:s17] =	ssyncadd.s32 $0xFFFFC180  }
0x7e: {  	[spmem:s2] =	stream.indirect.scatter.add.f32 [tilespmem:s14], [sflag:$0x4], $0x80, s0, s13, $0xb8;
	[tilespmem:$0x1E800] =	vst v63  }
0x7f: {  	_ =	swait.ge [sflag:s11], $0x3E80  }
0x80: {  	[sflag:s11] =	ssyncset.done $0x0  }
0x81: {  	s0 =	sadd.s32 $0x100, s28;
	[sflag:s11] =	ssyncadd.s32 $0xFFFFC180  }
0x82: {  	[tilespmem:s14], [sflag:$0x1] =	stream.indirect.gather [hbm4b:s4+s13], $0x80, s0, s13, $0xb8;
	[tilespmem:$0x1E800] =	vst v63  }
0x83: {  	_ =	swait.ge [sflag:s18], $0x3E80  }
.Ltmp1:
0x84: {  	[sflag:s18] =	ssyncset.done $0x0;
	(pc) =	sbr.rel @p0 .LBB2_4-.Ltmp1, $4  }
0x85: {  	s0 =	sadd.s32 $0x1480, s28;
	[sflag:s18] =	ssyncadd.s32 $0xFFFFC180  }
0x86: {  	[spmem:s2] =	stream.indirect.scatter.add.f32 [tilespmem:s16], [sflag:$0x4], $0x80, s0, s13, $0xb8;
	[tilespmem:$0x1E800] =	vst v63  }
0x87: {  	_ =	swait.ge [sflag:s11], $0x3E80  }
0x88: {  	s29 =	smov.u32 s31;
	s28 =	sshra.s32 s30, $0x2;
	[sflag:s11] =	ssyncset.done $0x0  }
0x89: {  	s0 =	sadd.s32 $0x80, s28;
	[sflag:s11] =	ssyncadd.s32 $0xFFFFC180  }
0x8a: {  	[tilespmem:s16], [sflag:$0x2] =	stream.indirect.gather [hbm4b:s4+s13], $0x80, s0, s13, $0xb8;
	[tilespmem:$0x1E800] =	vst v63  }
0x8b: {  	_ =	swait.ge [sflag:s17], $0x3E80  }
0x8c: {  	[sflag:s17] =	ssyncset.done $0x0  }
0x8d: {  	s29 =	sadd.s32 $0x1400, s28;
	[sflag:s17] =	ssyncadd.s32 $0xFFFFC180  }
0x8e: {  	[spmem:s2] =	stream.indirect.scatter.add.f32 [tilespmem:s14], [sflag:$0x4], $0x80, s29, s13, $0xb8;
	[tilespmem:$0x1E800] =	vst v63  }
0x8f: {  	_ =	swait.ge [sflag:s11], $0x3E80  }
0x90: {  	[sflag:s11] =	ssyncset.done $0x0  }
0x91: {  	s30 =	sadd.s32 $0x100, s28;
	[sflag:s11] =	ssyncadd.s32 $0xFFFFC180  }
0x92: {  	[tilespmem:s14], [sflag:$0x1] =	stream.indirect.gather [hbm4b:s4+s13], $0x80, s30, s13, $0xb8;
	[tilespmem:$0x1E800] =	vst v63  }
0x93: {  	_ =	swait.ge [sflag:s18], $0x3E80  }
0x94: {  	[sflag:s18] =	ssyncset.done $0x0  }
0x95: {  	s31 =	sadd.s32 $0x1480, s28;
	[sflag:s18] =	ssyncadd.s32 $0xFFFFC180  }
0x96: {  	[spmem:s2] =	stream.indirect.scatter.add.f32 [tilespmem:s16], [sflag:$0x4], $0x80, s31, s13, $0xb8;
	[tilespmem:$0x1E800] =	vst v63  }
0x97: {  	_ =	swait.ge [sflag:s11], $0x3E80  }
0x98: {  	[sflag:s11] =	ssyncset.done $0x0  }
0x99: {  	[sflag:s11] =	ssyncadd.s32 $0xFFFFC180  }
0x9a: {  	[tilespmem:s16], [sflag:$0x2] =	stream.indirect.gather [hbm4b:s4+s13], $0x80, s19, s13, $0xb8;
	[tilespmem:$0x1E800] =	vst v63  }
0x9b: {  	_ =	swait.ge [sflag:s17], $0x3E80  }
0x9c: {  	[sflag:s17] =	ssyncset.done $0x0  }
0x9d: {  	[sflag:s17] =	ssyncadd.s32 $0xFFFFC180  }
0x9e: {  	[spmem:s2] =	stream.indirect.scatter.add.f32 [tilespmem:s14], [sflag:$0x4], $0x80, s20, s13, $0xb8;
	[tilespmem:$0x1E800] =	vst v63  }
0x9f: {  	_ =	swait.ge [sflag:s11], $0x3E80  }
0xa0: {  	[sflag:s11] =	ssyncset.done $0x0  }
0xa1: {  	[sflag:s11] =	ssyncadd.s32 $0xFFFFC180  }
0xa2: {  	_ =	swait.ge [sflag:s18], $0x3E80  }
0xa3: {  	[sflag:s18] =	ssyncset.done $0x0  }
0xa4: {  	[sflag:s18] =	ssyncadd.s32 $0xFFFFC180  }
0xa5: {  	[spmem:s2] =	stream.indirect.scatter.add.f32 [tilespmem:s16], [sflag:$0x4], $0x80, s21, s13, $0xb8;
	[tilespmem:$0x1E800] =	vst v63  }
0xa6: {  	_ =	swait.ge [sflag:s11], $0x3E80  }
0xa7: {  	s26 =	sadd.s32 $0x1, s26;
	[sflag:s11] =	ssyncset.done $0x0  }
0xa8: {  	p0 =	sne.s32 s26, s9;
	[sflag:s11] =	ssyncadd.s32 $0xFFFFC180  }
.Ltmp2:
0xa9: {  	[bflag:$0x0] =	sbarrier.arrive $0xFFFF;
	(pc) =	sbr.rel @p0 .LBB2_1-.Ltmp2, $4  }
0xaa: {  	[hbm:s23], [sflag:s25] =	dma.local [spmem:s10], $0x2800  }
0xab: {  	_ =	swait.ge [sflag:s11], $0x2800  }
0xac: {  	[sflag:s11] =	ssyncset.done $0x0  }
0xad: {  	[sflag:s11] =	ssyncadd.s32 $0xFFFFD800  }
0xae: {  	_ =	sfence.sel $0x180000  }
0xaf: {  	[bflag:$0x0] =	sbarrier.arrive $0xFFFF  }
0xb0: {  	_ =	strace $0x9000004A  }
0xb1: {  	[bflag:$0x2] =	sbarrier.arrive $0xFFFF  }
0xb2: {  	p0 =	sne.s32 s1, $0x0;
	s0 =	rddreg [dreg:$0x2]  }
0xb3: {  	s0 =	sadd.s32 @!p0 $0x100000, s0  }
0xb4: {  	[sflag:s0] =	ssyncadd.tile.s32 @!p0 $0x1;
	_ =	shalt  }
.Lfunc_end2:
_tile_overlayer_lowered:
.L_overlay_start_2:
0xb5: {  	(tag) =	ssettag $0x2  }
0xb6: {  	s0 =	rddreg [dreg:$0x0];
	s2 =	stileid.u32  }
0xb7: {  	s1 =	rddreg [dreg:$0x1];
	p0 =	sne.s32 s2, $0x0  }
0xb8: {  	s3 =	rddreg [dreg:$0x2];
	[bflag:$0x3] =	sbarrier.arrive $0xFFFF;
	s2 =	simm.s32 @!p0 $0x1C04  }
0xb9: {  	[timem:s3], [sflag:s2] =	dma.local @!p0 [hbm:s0], s1  }
0xba: {  	s0 =	simm.s32 @!p0 $0x4  }
0xbb: {  	_ =	swait.ge @!p0 [sflag:s0], s1  }
0xbc: {  	s1 =	ssub.s32 @!p0 $0x0, s1;
	[sflag:s0] =	ssyncset.done @!p0 $0x0  }
0xbd: {  	[sflag:s0] =	ssyncadd.s32 @!p0 s1  }
0xbe: {  	[bflag:$0x3] =	sbarrier.arrive $0xFFFF  }
0xbf: {  	_ =	shalt  }

// kernel: kernel.16.cloned.1.call-start
scs
__scs_entry_jumppad:
0x0: {  	(pc) =	sbr.rel $0x88, $3  }
0x1: {  	(tag) =	ssettag $0x0;
	lr =	simm.s32 $0x1  }
0x2: {  	[smem:$0x3F91] =	sst lr;
	_ =	strace $0xD0000000  }
0x3: {  	_ = 	snop  }
0x4: {  	_ = 	snop  }
0x5: {  	_ = 	snop  }
0x6: {  	_ = 	snop  }
0x7: {  	_ = 	snop  }
__scs_overlays_trampoline_lowered:
0x8: {  	[smem:$0x3FA0] =	sst s0  }
0x9: {  	[smem:$0x3FA1] =	sst s1  }
0xa: {  	[smem:$0x3FA2] =	sst s2  }
0xb: {  	[smem:$0x3FA3] =	sst s3  }
0xc: {  	[smem:$0x3FA4] =	sst s4  }
0xd: {  	[smem:$0x3FA5] =	sst s5  }
0xe: {  	[smem:$0x3FA6] =	sst s6  }
0xf: {  	[smem:$0x3FA7] =	sst s7  }
0x10: {  	[smem:$0x3FA8] =	sst s8  }
0x11: {  	[smem:$0x3FA9] =	sst s9;
	s0 =	simm.s32 @!p0 $0x0  }
0x12: {  	s1 =	sld [smem:$0x3F8F];
	s0 =	simm.s32 @p0 $0x1  }
0x13: {  	[smem:$0x3FAA] =	sst s0;
	s0 =	simm.s32 @!p1 $0x0  }
0x14: {  	s2 =	sld [smem:$0x3F8E];
	s0 =	simm.s32 @p1 $0x1  }
0x15: {  	[smem:$0x3FAB] =	sst s0;
	s0 =	simm.s32 @!p2 $0x0  }
0x16: {  	s3 =	sld [smem:$0x3FDB];
	s0 =	simm.s32 @p2 $0x1  }
0x17: {  	s4 =	simm.s32 $0x1BF5;
	[smem:$0x3FAD] =	sst s0  }
0x18: {  	s0 =	sld [smem:$0x3F90];
	_ =	swait.ge [sflag:s4], $0x0  }
0x19: {  	s7 =	sld [smem:$0x3F91]  }
0x1a: {  	s8 =	sadd.s32 $0xFFFFE003, lr  }
0x1b: {  	s9 =	sadd.s32 $0xFFFFFEF7, lr;
	s5 =	simm.s32 $0xFFFFFFFF;
	p2 =	slt.u32 s8, $0xFFFFF086  }
0x1c: {  	p1 =	slt.u32 s9, $0xF7A;
	s5 =	simm.s32 @!p2 $0x0  }
0x1d: {  	s5 =	simm.s32 @p1 $0x1;
	p0 =	seq.s32 s7, s2  }
0x1e: {  	s7 =	smul.u32 @!p0 $0xF7A, s2;
	p2 =	seq.s32 @!p0 s5, $0x0  }
0x1f: {  	s9 =	smul.u32 $0xF7A, s1;
	s8 =	simm.s32 @!p0 $0x1BF5;
	p2 =	por !p2, p0  }
0x20: {  	[sflag:s8] =	ssyncset.s32 @!p0 $0xFFFFF086;
	s6 =	sadd.s32 @!p0 s3, s7;
	s7 =	simm.s32 @!p0 $0x108  }
0x21: {  	s3 =	sadd.s32 s3, s9;
	s6 =	sadd.s32 @!p0 $0x88, s6;
	s7 =	simm.s32 @p2 $0x1082  }
0x22: {  	[simem:s7], [sflag:s8] =	dma.local @!p0 [hbm:s6], $0xF7A  }
0x23: {  	s9 =	sor.u32 $0xD0000000, s2;
	s6 =	simm.s32 $0x108;
	_ =	swait.ge @!p0 [sflag:s8], $0x0  }
0x24: {  	s3 =	sadd.s32 $0x88, s3;
	s6 =	simm.s32 @!p1 $0x1082;
	[sflag:s4] =	ssyncset.s32 $0xFFFFF086  }
0x25: {  	[simem:s6], [sflag:s4] =	dma.local [hbm:s3], $0xF7A  }
0x26: {  	[smem:$0x3F91] =	sst s1;
	(tag) =	ssettag s2;
	_ =	strace s9  }
0x27: {  	s1 =	sld [smem:$0x3FA1]  }
0x28: {  	s2 =	sld [smem:$0x3FA2]  }
0x29: {  	s4 =	sld [smem:$0x3FA4]  }
0x2a: {  	p0 =	seq.s32 s5, $0x0;
	s5 =	sld [smem:$0x3FA5]  }
0x2b: {  	s6 =	sld [smem:$0x3FA6]  }
0x2c: {  	s7 =	sld [smem:$0x3FA7]  }
0x2d: {  	s3 =	simm.s32 $0x108;
	s8 =	sld [smem:$0x3FA8]  }
0x2e: {  	s3 =	simm.s32 @!p0 $0x1082;
	s9 =	sld [smem:$0x3FA9]  }
0x2f: {  	lr =	sadd.s32 s0, s3;
	s0 =	sld [smem:$0x3FA0]  }
0x30: {  	s3 =	sld [smem:$0x3FA3]  }
0x31: {  	[smem:$0x3FAC] =	sst s10  }
0x32: {  	s10 =	sld [smem:$0x3FAA];
	_ =	sdelay $0x3  }
0x33: {  	p0 =	seq.s32 s10, $0x1;
	s10 =	sld [smem:$0x3FAC];
	_ =	sdelay $0x3  }
0x34: {  	[smem:$0x3FAC] =	sst s10  }
0x35: {  	s10 =	sld [smem:$0x3FAB];
	_ =	sdelay $0x3  }
0x36: {  	p1 =	seq.s32 s10, $0x1;
	s10 =	sld [smem:$0x3FAC];
	_ =	sdelay $0x3  }
0x37: {  	[smem:$0x3FAC] =	sst s10  }
0x38: {  	s10 =	sld [smem:$0x3FAD]  }
0x39: {  	_ = 	snop;
	(pc) =	sbr.ind lr, $3  }
0x3a: {  	_ = 	snop  }
0x3b: {  	_ = 	snop  }
0x3c: {  	p2 =	seq.s32 s10, $0x1;
	s10 =	sld [smem:$0x3FAC]  }
0x3d: {  	_ =	shalt  }
0x3e: {  	_ =	shalt  }
0x3f: {  	_ =	shalt  }
0x40: {  	_ =	shalt  }
0x41: {  	_ =	shalt  }
0x42: {  	_ =	shalt  }
0x43: {  	_ =	shalt  }
0x44: {  	_ =	shalt  }
0x45: {  	_ =	shalt  }
0x46: {  	_ =	shalt  }
0x47: {  	_ =	shalt  }
0x48: {  	_ =	shalt  }
0x49: {  	_ =	shalt  }
0x4a: {  	_ =	shalt  }
0x4b: {  	_ =	shalt  }
0x4c: {  	_ =	shalt  }
0x4d: {  	_ =	shalt  }
0x4e: {  	_ =	shalt  }
0x4f: {  	_ =	shalt  }
0x50: {  	_ =	shalt  }
0x51: {  	_ =	shalt  }
0x52: {  	_ =	shalt  }
0x53: {  	_ =	shalt  }
0x54: {  	_ =	shalt  }
0x55: {  	_ =	shalt  }
0x56: {  	_ =	shalt  }
0x57: {  	_ =	shalt  }
0x58: {  	_ =	shalt  }
0x59: {  	_ =	shalt  }
0x5a: {  	_ =	shalt  }
0x5b: {  	_ =	shalt  }
0x5c: {  	_ =	shalt  }
0x5d: {  	_ =	shalt  }
0x5e: {  	_ =	shalt  }
0x5f: {  	_ =	shalt  }
0x60: {  	_ =	shalt  }
0x61: {  	_ =	shalt  }
0x62: {  	_ =	shalt  }
0x63: {  	_ =	shalt  }
0x64: {  	_ =	shalt  }
0x65: {  	_ =	shalt  }
0x66: {  	_ =	shalt  }
0x67: {  	_ =	shalt  }
0x68: {  	_ =	shalt  }
0x69: {  	_ =	shalt  }
0x6a: {  	_ =	shalt  }
0x6b: {  	_ =	shalt  }
0x6c: {  	_ =	shalt  }
0x6d: {  	_ =	shalt  }
0x6e: {  	_ =	shalt  }
0x6f: {  	_ =	shalt  }
0x70: {  	_ =	shalt  }
0x71: {  	_ =	shalt  }
0x72: {  	_ =	shalt  }
0x73: {  	_ =	shalt  }
0x74: {  	_ =	shalt  }
0x75: {  	_ =	shalt  }
0x76: {  	_ =	shalt  }
0x77: {  	_ =	shalt  }
0x78: {  	_ =	shalt  }
0x79: {  	_ =	shalt  }
0x7a: {  	_ =	shalt  }
0x7b: {  	_ =	shalt  }
0x7c: {  	_ =	shalt  }
0x7d: {  	_ =	shalt  }
0x7e: {  	_ =	shalt  }
0x7f: {  	_ =	shalt  }
0x80: {  	_ =	shalt  }
0x81: {  	_ =	shalt  }
0x82: {  	_ =	shalt  }
0x83: {  	_ =	shalt  }
0x84: {  	_ =	shalt  }
0x85: {  	_ =	shalt  }
0x86: {  	_ =	shalt  }
0x87: {  	_ =	shalt  }
.Lfunc_end0:
.L_simem_size_0:
called_computation.2_lowered:
.L_overlay_start_0:
0x88: {  	s2 =	sld [smem:$0x3FD9]  }
0x89: {  	s3 =	sld [smem:$0x3FFE];
	_ =	sdelay $0x1  }
0x8a: {  	s1 =	srdreg.scid  }
0x8b: {  	s0 =	sand.u32 $0x1, s1  }
0x8c: {  	s16 =	sshll.u32 s0, $0xA;
	s2 =	sadd.s32 s3, s2  }
0x8d: {  	s2 =	sadd.s32 s2, s16  }
0x8e: {  	[smem:$0x3FB8] =	sst s2  }
0x8f: {  	_ = 	snop  }
0x90: {  	(tm) =	ssettm $0x1  }
0x91: {  	s17 =	sld [smem:$0x3FFB];
	_ =	sdelay $0x3  }
0x92: {  	_ =	strace s17  }
0x93: {  	s2 =	sld [smem:$0x3FFC];
	_ =	sdelay $0x3  }
0x94: {  	_ =	strace s2  }
0x95: {  	s2 =	sld [smem:$0x3FFD];
	_ =	sdelay $0x3  }
0x96: {  	_ =	strace s2  }
0x97: {  	_ =	strace $0x8FFFFFFF  }
0x98: {  	s18 =	sld [smem:$0x3FDB];
	_ =	sdelay $0x1  }
0x99: {  	s19 =	simm.s32 $_scs_section_size  }
0x9a: {  	s4 =	simm.s32 $_size__tile_overlayer_lowered;
	s5 =	simm.s32 $_tile_overlayer_lowered  }
0x9b: {  	s22 =	simm.s32 $0x1BFF;
	s21 =	sshll.u32 s5, $0x1;
	s2 =	sadd.s32 s19, s18  }
0x9c: {  	s6 =	simm.s32 $0x0;
	s20 =	sshll.u32 s4, $0x1;
	s4 =	sadd.s32 s21, s2  }
0x9d: {  	[timem:s6], [sflag:s22] =	dma.local [hbm:s4], s20  }
0x9e: {  	_ =	swait.ge [sflag:s22], s20  }
0x9f: {  	s3 =	ssub.s32 $0x0, s20;
	[sflag:s22] =	ssyncset.done $0x0  }
0xa0: {  	[sflag:s22] =	ssyncadd.s32 s3;
	_ =	sdelay $0x1  }
0xa1: {  	s23 =	simm.s32 $0x1B8B  }
0xa2: {  	_ =	swait.ge [sflag:s23], $0x1  }
0xa3: {  	[sflag:s23] =	ssyncset.done $0x0  }
0xa4: {  	s25 =	simm.s32 $0x1B8E;
	s24 =	sld [smem:$0x3FFE];
	[sflag:s23] =	ssyncadd.s32 $0xFFFFFFFF  }
0xa5: {  	s26 =	simm.s32 $execute0_lowered;
	[smem:$0x3FD2] =	sst s25  }
0xa6: {  	s4 =	sshll.u32 s26, $0x1;
	_ =	strace $0x8000004C;
	[dreg:$0x1] =	wrdreg $0xFFFFFFFF  }
0xa7: {  	s28 =	simm.s32 $_size_execute0_lowered;
	s2 =	sadd.s32 s2, s4;
	[dreg:$0x0] =	wrdreg $0x0  }
0xa8: {  	s4 =	sshll.u32 s28, $0x1;
	[dreg:$0x2] =	wrdreg s2  }
0xa9: {  	[dreg:$0x3] =	wrdreg s4  }
0xaa: {  	[dreg:$0x4] =	wrdreg $0xC0  }
0xab: {  	_ =	task [dreg:s6], $0x5FFFF  }
0xac: {  	[dreg:$0x1] =	wrdreg $0xFFFFFFFF  }
0xad: {  	[dreg:$0x0] =	wrdreg $0x60  }
0xae: {  	[dreg:$0x2] =	wrdreg s24  }
0xaf: {  	[dreg:$0x3] =	wrdreg $0xA8000  }
0xb0: {  	[dreg:$0x4] =	wrdreg $0x9  }
0xb1: {  	_ =	task.clear_ibuf [dreg:s6], $0x5FFFF;
	_ =	strace $0x9000004C  }
0xb2: {  	s29 =	simm.s32 $0x9;
	_ =	strace $0x8000004E  }
0xb3: {  	_ =	swait.ge [sflag:s29], $0x1  }
0xb4: {  	[sflag:s29] =	ssyncadd.s32 $0xFFFFFFFF  }
0xb5: {  	_ =	strace $0x9000004E  }
0xb6: {  	_ =	sfence  }
0xb7: {  	s30 =	sld [smem:$0x0];
	_ =	sdelay $0x2  }
0xb8: {  	s31 =	sshll.u32 s1, $0xD;
	s1 =	sshrl.u32 s1, $0x2  }
0xb9: {  	s3 =	sand.u32 $0x4000, s31;
	s1 =	sadd.s32 s1, s30  }
0xba: {  	s0 =	sor.u32 s3, s0;
	s1 =	sshll.u32 s1, $0x11  }
0xbb: {  	s0 =	sor.u32 s1, s0  }
0xbc: {  	s0 =	sadd.s32 $0x8F2B, s0  }
0xbd: {  	[sflag:s0] =	ssyncadd.remote.s32 $0x1  }
0xbe: {  	_ =	sfence.sel $0xFFFF  }
0xbf: {  	[dreg:$0x0] =	wrdreg $0xFFFFFFFF;
	(pc) =	sbr.abs _section_cstart, $3  }
0xc0: {  	[dreg:$0x1] =	wrdreg $0xFFFFFFFF  }
0xc1: {  	_ =	task.clear_ibuf [dreg:s6], $0x2FFFF;
	_ =	strace $0x9FFFFFFF  }
0xc2: {  	(tm) =	ssettm $0x7FFFFFFF  }
0xc3: {  	_ =	shalt  }
tec
execute0_lowered:
.L_overlay_start_1:
0x0: {  	(tag) =	ssettag $0x1  }
0x1: {  	s0 =	srdreg.scid;
	s6 =	rddreg [dreg:$0x0]  }
0x2: {  	s2 =	rddreg [dreg:$0x1];
	s1 =	stileid.u32  }
0x3: {  	s3 =	simm.s32 $0x0;
	s13 =	simm.s32 $0x7D;
	s14 =	simm.s32 $0x2800  }
0x4: {  	s15 =	simm.s32 $0x3;
	s16 =	simm.s32 $0x6800;
	s17 =	simm.s32 $0x1  }
0x5: {  	s18 =	simm.s32 $0x2;
	s19 =	simm.s32 $0x1380;
	s20 =	simm.s32 $0x2700  }
0x6: {  	s21 =	simm.s32 $0x2780;
	s26 =	simm.s32 $0x0;
	s5 =	sand.u32 $0x1, s0  }
0x7: {  	[smem:$0x7FF] =	sst s3;
	s10 =	smul.u32 $0x50000, s1;
	s25 =	sshll.u32 s1, $0x6  }
0x8: {  	s24 =	smul.u32 $0x2800, s1;
	s4 =	sshll.u32 s5, $0x4;
	_ =	strace $0x8000004D  }
0x9: {  	s8 =	smul.u32 $0x28000, s5;
	s29 =	ssub.s32 $0x2, s5;
	s5 =	sadd.s32 $0x3E600, s6  }
0xa: {  	s4 =	sor.u32 s1, s4;
	s30 =	sshrl.u32 s29, $0x1;
	s31 =	sshrl.u32 s10, $0x2  }
0xb: {  	s7 =	smul.u32 $0x500, s4;
	s4 =	sadd.s32 $0x17400, s6;
	s11 =	sadd.s32 s8, s6  }
0xc: {  	s12 =	ssub.s32 s29, s30;
	s10 =	sadd.s32 s31, s2;
	s23 =	sadd.s32 $0x40E00, s11  }
0xd: {  	s10 =	sshrl.u32 s10, $0x3;
	s11 =	simm.s32 $0x4;
	s9 =	sadd.s32 s7, s6  }
0xe: {  	s6 =	sor.u32 $0x1C03, s25;
	s23 =	sadd.s32 s24, s23;
	s25 =	sor.u32 $0x1C04, s25  }
0xf: {  	s7 =	sadd.s32 $0xD400, s9;
	s8 =	sadd.s32 $0x3400, s9;
	s9 =	smax.u32 s12, $0x1  }
0x10: {  	s12 =	simm.s32 $0x1400;
	s22 =	sadd.s32 $0x280, s7;
	s24 =	sadd.s32 $0x280, s8  }
.LBB2_1:
0x11: {  	[spmem:s10], [sflag:s6] =	dma.local [hbm:s5], $0x2800  }
0x12: {  	[tilespmem:s3], [sflag:$0x4] =	stream.linear.gather [hbm4b:s7+s3], $0x1400, $0x38;
	[tilespmem:$0x1E800] =	vst v63  }
0x13: {  	_ =	swait.ge [sflag:s11], $0x1400  }
0x14: {  	[sflag:s11] =	ssyncset.done $0x0  }
0x15: {  	[sflag:s11] =	ssyncadd.s32 $0xFFFFEC00  }
0x16: {  	[tilespmem:s12], [sflag:$0x4] =	stream.linear.gather [hbm4b:s8+s3], $0x1400, $0x38;
	[tilespmem:$0x1E800] =	vst v63  }
0x17: {  	_ =	swait.ge [sflag:s11], $0x1400  }
0x18: {  	[sflag:s11] =	ssyncset.done $0x0  }
0x19: {  	[sflag:s11] =	ssyncadd.s32 $0xFFFFEC00  }
0x1a: {  	[tilespmem:s14], [sflag:$0x1] =	stream.indirect.gather [hbm4b:s4+s13], $0x80, s3, s13, $0xb8;
	[tilespmem:$0x1E800] =	vst v63  }
0x1b: {  	_ =	swait.ge [sflag:s15], $0x2800  }
0x1c: {  	[sflag:s15] =	ssyncset.done $0x0  }
0x1d: {  	[sflag:s15] =	ssyncadd.s32 $0xFFFFD800  }
0x1e: {  	s28 =	simm.s32 $0x80;
	[bflag:$0x0] =	sbarrier.arrive $0xFFFF  }
0x1f: {  	[tilespmem:s16], [sflag:$0x2] =	stream.indirect.gather [hbm4b:s4+s13], $0x80, s28, s13, $0xb8;
	[tilespmem:$0x1E800] =	vst v63  }
0x20: {  	_ =	swait.ge [sflag:s17], $0x3E80  }
0x21: {  	[sflag:s17] =	ssyncset.done $0x0  }
0x22: {  	s28 =	simm.s32 $0x1400;
	[sflag:s17] =	ssyncadd.s32 $0xFFFFC180  }
0x23: {  	[spmem:s2] =	stream.indirect.scatter.add.f32 [tilespmem:s14], [sflag:$0x4], $0x80, s28, s13, $0xb8;
	[tilespmem:$0x1E800] =	vst v63  }
0x24: {  	_ =	swait.ge [sflag:s11], $0x3E80  }
0x25: {  	[sflag:s11] =	ssyncset.done $0x0  }
0x26: {  	s28 =	simm.s32 $0x100;
	[sflag:s11] =	ssyncadd.s32 $0xFFFFC180  }
0x27: {  	[tilespmem:s14], [sflag:$0x1] =	stream.indirect.gather [hbm4b:s4+s13], $0x80, s28, s13, $0xb8;
	[tilespmem:$0x1E800] =	vst v63  }
0x28: {  	_ =	swait.ge [sflag:s18], $0x3E80  }
0x29: {  	[sflag:s18] =	ssyncset.done $0x0  }
0x2a: {  	s28 =	simm.s32 $0x1480;
	[sflag:s18] =	ssyncadd.s32 $0xFFFFC180  }
0x2b: {  	[spmem:s2] =	stream.indirect.scatter.add.f32 [tilespmem:s16], [sflag:$0x4], $0x80, s28, s13, $0xb8;
	[tilespmem:$0x1E800] =	vst v63  }
0x2c: {  	_ =	swait.ge [sflag:s11], $0x3E80  }
0x2d: {  	s29 =	simm.s32 $0x800;
	s28 =	simm.s32 $0x100;
	[sflag:s11] =	ssyncset.done $0x0  }
.LBB2_2:
0x2e: {  	s30 =	sadd.s32 $0x80, s28  }
0x2f: {  	[sflag:s11] =	ssyncadd.s32 $0xFFFFC180;
	s31 =	smov.u32 s29;
	s0 =	sadd.s32 $0x400, s29  }
0x30: {  	[tilespmem:s16], [sflag:$0x2] =	stream.indirect.gather [hbm4b:s4+s13], $0x80, s30, s13, $0xb8;
	[tilespmem:$0x1E800] =	vst v63  }
0x31: {  	p0 =	sne.s32 s29, $0x4800;
	_ =	swait.ge [sflag:s17], $0x3E80  }
0x32: {  	[sflag:s17] =	ssyncset.done $0x0  }
0x33: {  	s29 =	sadd.s32 $0x1400, s28;
	[sflag:s17] =	ssyncadd.s32 $0xFFFFC180  }
0x34: {  	[spmem:s2] =	stream.indirect.scatter.add.f32 [tilespmem:s14], [sflag:$0x4], $0x80, s29, s13, $0xb8;
	[tilespmem:$0x1E800] =	vst v63  }
0x35: {  	_ =	swait.ge [sflag:s11], $0x3E80  }
0x36: {  	[sflag:s11] =	ssyncset.done $0x0  }
0x37: {  	s29 =	sadd.s32 $0x100, s28;
	[sflag:s11] =	ssyncadd.s32 $0xFFFFC180  }
0x38: {  	[tilespmem:s14], [sflag:$0x1] =	stream.indirect.gather [hbm4b:s4+s13], $0x80, s29, s13, $0xb8;
	[tilespmem:$0x1E800] =	vst v63  }
0x39: {  	_ =	swait.ge [sflag:s18], $0x3E80  }
.Ltmp0:
0x3a: {  	[sflag:s18] =	ssyncset.done $0x0;
	(pc) =	sbr.rel @p0 .LBB2_2-.Ltmp0, $4  }
0x3b: {  	s28 =	sadd.s32 $0x1480, s28;
	[sflag:s18] =	ssyncadd.s32 $0xFFFFC180  }
0x3c: {  	[spmem:s2] =	stream.indirect.scatter.add.f32 [tilespmem:s16], [sflag:$0x4], $0x80, s28, s13, $0xb8;
	[tilespmem:$0x1E800] =	vst v63  }
0x3d: {  	_ =	swait.ge [sflag:s11], $0x3E80  }
0x3e: {  	s29 =	smov.u32 s0;
	s28 =	sshra.s32 s31, $0x2;
	[sflag:s11] =	ssyncset.done $0x0  }
0x3f: {  	s0 =	sadd.s32 $0x80, s28;
	[sflag:s11] =	ssyncadd.s32 $0xFFFFC180  }
0x40: {  	[tilespmem:s16], [sflag:$0x2] =	stream.indirect.gather [hbm4b:s4+s13], $0x80, s0, s13, $0xb8;
	[tilespmem:$0x1E800] =	vst v63  }
0x41: {  	_ =	swait.ge [sflag:s17], $0x3E80  }
0x42: {  	[sflag:s17] =	ssyncset.done $0x0  }
0x43: {  	s30 =	sadd.s32 $0x1400, s28;
	[sflag:s17] =	ssyncadd.s32 $0xFFFFC180  }
0x44: {  	[spmem:s2] =	stream.indirect.scatter.add.f32 [tilespmem:s14], [sflag:$0x4], $0x80, s30, s13, $0xb8;
	[tilespmem:$0x1E800] =	vst v63  }
0x45: {  	_ =	swait.ge [sflag:s11], $0x3E80  }
0x46: {  	[sflag:s11] =	ssyncset.done $0x0  }
0x47: {  	s31 =	sadd.s32 $0x100, s28;
	[sflag:s11] =	ssyncadd.s32 $0xFFFFC180  }
0x48: {  	[tilespmem:s14], [sflag:$0x1] =	stream.indirect.gather [hbm4b:s4+s13], $0x80, s31, s13, $0xb8;
	[tilespmem:$0x1E800] =	vst v63  }
0x49: {  	_ =	swait.ge [sflag:s18], $0x3E80  }
0x4a: {  	[sflag:s18] =	ssyncset.done $0x0  }
0x4b: {  	s30 =	sadd.s32 $0x1480, s28;
	[sflag:s18] =	ssyncadd.s32 $0xFFFFC180  }
0x4c: {  	[spmem:s2] =	stream.indirect.scatter.add.f32 [tilespmem:s16], [sflag:$0x4], $0x80, s30, s13, $0xb8;
	[tilespmem:$0x1E800] =	vst v63  }
0x4d: {  	_ =	swait.ge [sflag:s11], $0x3E80  }
0x4e: {  	[sflag:s11] =	ssyncset.done $0x0  }
0x4f: {  	[sflag:s11] =	ssyncadd.s32 $0xFFFFC180  }
0x50: {  	[tilespmem:s16], [sflag:$0x2] =	stream.indirect.gather [hbm4b:s4+s13], $0x80, s19, s13, $0xb8;
	[tilespmem:$0x1E800] =	vst v63  }
0x51: {  	_ =	swait.ge [sflag:s17], $0x3E80  }
0x52: {  	[sflag:s17] =	ssyncset.done $0x0  }
0x53: {  	[sflag:s17] =	ssyncadd.s32 $0xFFFFC180  }
0x54: {  	[spmem:s2] =	stream.indirect.scatter.add.f32 [tilespmem:s14], [sflag:$0x4], $0x80, s20, s13, $0xb8;
	[tilespmem:$0x1E800] =	vst v63  }
0x55: {  	_ =	swait.ge [sflag:s11], $0x3E80  }
0x56: {  	[sflag:s11] =	ssyncset.done $0x0  }
0x57: {  	[sflag:s11] =	ssyncadd.s32 $0xFFFFC180  }
0x58: {  	_ =	swait.ge [sflag:s18], $0x3E80  }
0x59: {  	[sflag:s18] =	ssyncset.done $0x0  }
0x5a: {  	[sflag:s18] =	ssyncadd.s32 $0xFFFFC180  }
0x5b: {  	[spmem:s2] =	stream.indirect.scatter.add.f32 [tilespmem:s16], [sflag:$0x4], $0x80, s21, s13, $0xb8;
	[tilespmem:$0x1E800] =	vst v63  }
0x5c: {  	_ =	swait.ge [sflag:s11], $0x3E80  }
0x5d: {  	[sflag:s11] =	ssyncset.done $0x0  }
0x5e: {  	s31 =	simm.s32 $0x0;
	[sflag:s11] =	ssyncadd.s32 $0xFFFFC180  }
0x5f: {  	[tilespmem:s31], [sflag:$0x4] =	stream.linear.gather [hbm4b:s22+s31], $0x1400, $0x38;
	[tilespmem:$0x1E800] =	vst v63  }
0x60: {  	_ =	swait.ge [sflag:s11], $0x1400  }
0x61: {  	[sflag:s11] =	ssyncset.done $0x0  }
0x62: {  	[sflag:s11] =	ssyncadd.s32 $0xFFFFEC00  }
0x63: {  	[tilespmem:s12], [sflag:$0x4] =	stream.linear.gather [hbm4b:s24+s31], $0x1400, $0x38;
	[tilespmem:$0x1E800] =	vst v63  }
0x64: {  	_ =	swait.ge [sflag:s11], $0x1400  }
0x65: {  	[sflag:s11] =	ssyncset.done $0x0  }
0x66: {  	[sflag:s11] =	ssyncadd.s32 $0xFFFFEC00  }
0x67: {  	[tilespmem:s14], [sflag:$0x1] =	stream.indirect.gather [hbm4b:s4+s13], $0x80, s31, s13, $0xb8;
	[tilespmem:$0x1E800] =	vst v63  }
0x68: {  	s30 =	simm.s32 $0x80  }
0x69: {  	[tilespmem:s16], [sflag:$0x2] =	stream.indirect.gather [hbm4b:s4+s13], $0x80, s30, s13, $0xb8;
	[tilespmem:$0x1E800] =	vst v63  }
0x6a: {  	_ =	swait.ge [sflag:s17], $0x3E80  }
0x6b: {  	[sflag:s17] =	ssyncset.done $0x0  }
0x6c: {  	s31 =	simm.s32 $0x1400;
	[sflag:s17] =	ssyncadd.s32 $0xFFFFC180  }
0x6d: {  	[spmem:s2] =	stream.indirect.scatter.add.f32 [tilespmem:s14], [sflag:$0x4], $0x80, s31, s13, $0xb8;
	[tilespmem:$0x1E800] =	vst v63  }
0x6e: {  	_ =	swait.ge [sflag:s11], $0x3E80  }
0x6f: {  	[sflag:s11] =	ssyncset.done $0x0  }
0x70: {  	s30 =	simm.s32 $0x100;
	[sflag:s11] =	ssyncadd.s32 $0xFFFFC180  }
0x71: {  	[tilespmem:s14], [sflag:$0x1] =	stream.indirect.gather [hbm4b:s4+s13], $0x80, s30, s13, $0xb8;
	[tilespmem:$0x1E800] =	vst v63  }
0x72: {  	_ =	swait.ge [sflag:s18], $0x3E80  }
0x73: {  	[sflag:s18] =	ssyncset.done $0x0  }
0x74: {  	s31 =	simm.s32 $0x1480;
	[sflag:s18] =	ssyncadd.s32 $0xFFFFC180  }
0x75: {  	[spmem:s2] =	stream.indirect.scatter.add.f32 [tilespmem:s16], [sflag:$0x4], $0x80, s31, s13, $0xb8;
	[tilespmem:$0x1E800] =	vst v63  }
0x76: {  	_ =	swait.ge [sflag:s11], $0x3E80  }
0x77: {  	s29 =	simm.s32 $0x800;
	s28 =	simm.s32 $0x100;
	[sflag:s11] =	ssyncset.done $0x0  }
.LBB2_4:
0x78: {  	s0 =	sadd.s32 $0x80, s28  }
0x79: {  	[sflag:s11] =	ssyncadd.s32 $0xFFFFC180;
	s30 =	smov.u32 s29;
	s31 =	sadd.s32 $0x400, s29  }
0x7a: {  	[tilespmem:s16], [sflag:$0x2] =	stream.indirect.gather [hbm4b:s4+s13], $0x80, s0, s13, $0xb8;
	[tilespmem:$0x1E800] =	vst v63  }
0x7b: {  	p0 =	sne.s32 s29, $0x4800;
	_ =	swait.ge [sflag:s17], $0x3E80  }
0x7c: {  	[sflag:s17] =	ssyncset.done $0x0  }
0x7d: {  	s0 =	sadd.s32 $0x1400, s28;
	[sflag:s17] =	ssyncadd.s32 $0xFFFFC180  }
0x7e: {  	[spmem:s2] =	stream.indirect.scatter.add.f32 [tilespmem:s14], [sflag:$0x4], $0x80, s0, s13, $0xb8;
	[tilespmem:$0x1E800] =	vst v63  }
0x7f: {  	_ =	swait.ge [sflag:s11], $0x3E80  }
0x80: {  	[sflag:s11] =	ssyncset.done $0x0  }
0x81: {  	s0 =	sadd.s32 $0x100, s28;
	[sflag:s11] =	ssyncadd.s32 $0xFFFFC180  }
0x82: {  	[tilespmem:s14], [sflag:$0x1] =	stream.indirect.gather [hbm4b:s4+s13], $0x80, s0, s13, $0xb8;
	[tilespmem:$0x1E800] =	vst v63  }
0x83: {  	_ =	swait.ge [sflag:s18], $0x3E80  }
.Ltmp1:
0x84: {  	[sflag:s18] =	ssyncset.done $0x0;
	(pc) =	sbr.rel @p0 .LBB2_4-.Ltmp1, $4  }
0x85: {  	s0 =	sadd.s32 $0x1480, s28;
	[sflag:s18] =	ssyncadd.s32 $0xFFFFC180  }
0x86: {  	[spmem:s2] =	stream.indirect.scatter.add.f32 [tilespmem:s16], [sflag:$0x4], $0x80, s0, s13, $0xb8;
	[tilespmem:$0x1E800] =	vst v63  }
0x87: {  	_ =	swait.ge [sflag:s11], $0x3E80  }
0x88: {  	s29 =	smov.u32 s31;
	s28 =	sshra.s32 s30, $0x2;
	[sflag:s11] =	ssyncset.done $0x0  }
0x89: {  	s0 =	sadd.s32 $0x80, s28;
	[sflag:s11] =	ssyncadd.s32 $0xFFFFC180  }
0x8a: {  	[tilespmem:s16], [sflag:$0x2] =	stream.indirect.gather [hbm4b:s4+s13], $0x80, s0, s13, $0xb8;
	[tilespmem:$0x1E800] =	vst v63  }
0x8b: {  	_ =	swait.ge [sflag:s17], $0x3E80  }
0x8c: {  	[sflag:s17] =	ssyncset.done $0x0  }
0x8d: {  	s29 =	sadd.s32 $0x1400, s28;
	[sflag:s17] =	ssyncadd.s32 $0xFFFFC180  }
0x8e: {  	[spmem:s2] =	stream.indirect.scatter.add.f32 [tilespmem:s14], [sflag:$0x4], $0x80, s29, s13, $0xb8;
	[tilespmem:$0x1E800] =	vst v63  }
0x8f: {  	_ =	swait.ge [sflag:s11], $0x3E80  }
0x90: {  	[sflag:s11] =	ssyncset.done $0x0  }
0x91: {  	s30 =	sadd.s32 $0x100, s28;
	[sflag:s11] =	ssyncadd.s32 $0xFFFFC180  }
0x92: {  	[tilespmem:s14], [sflag:$0x1] =	stream.indirect.gather [hbm4b:s4+s13], $0x80, s30, s13, $0xb8;
	[tilespmem:$0x1E800] =	vst v63  }
0x93: {  	_ =	swait.ge [sflag:s18], $0x3E80  }
0x94: {  	[sflag:s18] =	ssyncset.done $0x0  }
0x95: {  	s31 =	sadd.s32 $0x1480, s28;
	[sflag:s18] =	ssyncadd.s32 $0xFFFFC180  }
0x96: {  	[spmem:s2] =	stream.indirect.scatter.add.f32 [tilespmem:s16], [sflag:$0x4], $0x80, s31, s13, $0xb8;
	[tilespmem:$0x1E800] =	vst v63  }
0x97: {  	_ =	swait.ge [sflag:s11], $0x3E80  }
0x98: {  	[sflag:s11] =	ssyncset.done $0x0  }
0x99: {  	[sflag:s11] =	ssyncadd.s32 $0xFFFFC180  }
0x9a: {  	[tilespmem:s16], [sflag:$0x2] =	stream.indirect.gather [hbm4b:s4+s13], $0x80, s19, s13, $0xb8;
	[tilespmem:$0x1E800] =	vst v63  }
0x9b: {  	_ =	swait.ge [sflag:s17], $0x3E80  }
0x9c: {  	[sflag:s17] =	ssyncset.done $0x0  }
0x9d: {  	[sflag:s17] =	ssyncadd.s32 $0xFFFFC180  }
0x9e: {  	[spmem:s2] =	stream.indirect.scatter.add.f32 [tilespmem:s14], [sflag:$0x4], $0x80, s20, s13, $0xb8;
	[tilespmem:$0x1E800] =	vst v63  }
0x9f: {  	_ =	swait.ge [sflag:s11], $0x3E80  }
0xa0: {  	[sflag:s11] =	ssyncset.done $0x0  }
0xa1: {  	[sflag:s11] =	ssyncadd.s32 $0xFFFFC180  }
0xa2: {  	_ =	swait.ge [sflag:s18], $0x3E80  }
0xa3: {  	[sflag:s18] =	ssyncset.done $0x0  }
0xa4: {  	[sflag:s18] =	ssyncadd.s32 $0xFFFFC180  }
0xa5: {  	[spmem:s2] =	stream.indirect.scatter.add.f32 [tilespmem:s16], [sflag:$0x4], $0x80, s21, s13, $0xb8;
	[tilespmem:$0x1E800] =	vst v63  }
0xa6: {  	_ =	swait.ge [sflag:s11], $0x3E80  }
0xa7: {  	s26 =	sadd.s32 $0x1, s26;
	[sflag:s11] =	ssyncset.done $0x0  }
0xa8: {  	p0 =	sne.s32 s26, s9;
	[sflag:s11] =	ssyncadd.s32 $0xFFFFC180  }
.Ltmp2:
0xa9: {  	[bflag:$0x0] =	sbarrier.arrive $0xFFFF;
	(pc) =	sbr.rel @p0 .LBB2_1-.Ltmp2, $4  }
0xaa: {  	[hbm:s23], [sflag:s25] =	dma.local [spmem:s10], $0x2800  }
0xab: {  	_ =	swait.ge [sflag:s11], $0x2800  }
0xac: {  	[sflag:s11] =	ssyncset.done $0x0  }
0xad: {  	[sflag:s11] =	ssyncadd.s32 $0xFFFFD800  }
0xae: {  	_ =	sfence.sel $0x180000  }
0xaf: {  	[bflag:$0x0] =	sbarrier.arrive $0xFFFF  }
0xb0: {  	_ =	strace $0x9000004D  }
0xb1: {  	[bflag:$0x2] =	sbarrier.arrive $0xFFFF  }
0xb2: {  	p0 =	sne.s32 s1, $0x0;
	s0 =	rddreg [dreg:$0x2]  }
0xb3: {  	s0 =	sadd.s32 @!p0 $0x100000, s0  }
0xb4: {  	[sflag:s0] =	ssyncadd.tile.s32 @!p0 $0x1;
	_ =	shalt  }
.Lfunc_end2:
_tile_overlayer_lowered:
.L_overlay_start_2:
0xb5: {  	(tag) =	ssettag $0x2  }
0xb6: {  	s0 =	rddreg [dreg:$0x0];
	s2 =	stileid.u32  }
0xb7: {  	s1 =	rddreg [dreg:$0x1];
	p0 =	sne.s32 s2, $0x0  }
0xb8: {  	s3 =	rddreg [dreg:$0x2];
	[bflag:$0x3] =	sbarrier.arrive $0xFFFF;
	s2 =	simm.s32 @!p0 $0x1C04  }
0xb9: {  	[timem:s3], [sflag:s2] =	dma.local @!p0 [hbm:s0], s1  }
0xba: {  	s0 =	simm.s32 @!p0 $0x4  }
0xbb: {  	_ =	swait.ge @!p0 [sflag:s0], s1  }
0xbc: {  	s1 =	ssub.s32 @!p0 $0x0, s1;
	[sflag:s0] =	ssyncset.done @!p0 $0x0  }
0xbd: {  	[sflag:s0] =	ssyncadd.s32 @!p0 s1  }
0xbe: {  	[bflag:$0x3] =	sbarrier.arrive $0xFFFF  }
0xbf: {  	_ =	shalt  }

// kernel: kernel.19.cloned.1.call-start
scs
__scs_entry_jumppad:
0x0: {  	(pc) =	sbr.rel $0x88, $3  }
0x1: {  	(tag) =	ssettag $0x0;
	lr =	simm.s32 $0x1  }
0x2: {  	[smem:$0x3F91] =	sst lr;
	_ =	strace $0xD0000000  }
0x3: {  	_ = 	snop  }
0x4: {  	_ = 	snop  }
0x5: {  	_ = 	snop  }
0x6: {  	_ = 	snop  }
0x7: {  	_ = 	snop  }
__scs_overlays_trampoline_lowered:
0x8: {  	[smem:$0x3FA0] =	sst s0  }
0x9: {  	[smem:$0x3FA1] =	sst s1  }
0xa: {  	[smem:$0x3FA2] =	sst s2  }
0xb: {  	[smem:$0x3FA3] =	sst s3  }
0xc: {  	[smem:$0x3FA4] =	sst s4  }
0xd: {  	[smem:$0x3FA5] =	sst s5  }
0xe: {  	[smem:$0x3FA6] =	sst s6  }
0xf: {  	[smem:$0x3FA7] =	sst s7  }
0x10: {  	[smem:$0x3FA8] =	sst s8  }
0x11: {  	[smem:$0x3FA9] =	sst s9;
	s0 =	simm.s32 @!p0 $0x0  }
0x12: {  	s1 =	sld [smem:$0x3F8F];
	s0 =	simm.s32 @p0 $0x1  }
0x13: {  	[smem:$0x3FAA] =	sst s0;
	s0 =	simm.s32 @!p1 $0x0  }
0x14: {  	s2 =	sld [smem:$0x3F8E];
	s0 =	simm.s32 @p1 $0x1  }
0x15: {  	[smem:$0x3FAB] =	sst s0;
	s0 =	simm.s32 @!p2 $0x0  }
0x16: {  	s3 =	sld [smem:$0x3FDB];
	s0 =	simm.s32 @p2 $0x1  }
0x17: {  	s4 =	simm.s32 $0x1BF5;
	[smem:$0x3FAD] =	sst s0  }
0x18: {  	s0 =	sld [smem:$0x3F90];
	_ =	swait.ge [sflag:s4], $0x0  }
0x19: {  	s7 =	sld [smem:$0x3F91]  }
0x1a: {  	s8 =	sadd.s32 $0xFFFFE003, lr  }
0x1b: {  	s9 =	sadd.s32 $0xFFFFFEF7, lr;
	s5 =	simm.s32 $0xFFFFFFFF;
	p2 =	slt.u32 s8, $0xFFFFF086  }
0x1c: {  	p1 =	slt.u32 s9, $0xF7A;
	s5 =	simm.s32 @!p2 $0x0  }
0x1d: {  	s5 =	simm.s32 @p1 $0x1;
	p0 =	seq.s32 s7, s2  }
0x1e: {  	s7 =	smul.u32 @!p0 $0xF7A, s2;
	p2 =	seq.s32 @!p0 s5, $0x0  }
0x1f: {  	s9 =	smul.u32 $0xF7A, s1;
	s8 =	simm.s32 @!p0 $0x1BF5;
	p2 =	por !p2, p0  }
0x20: {  	[sflag:s8] =	ssyncset.s32 @!p0 $0xFFFFF086;
	s6 =	sadd.s32 @!p0 s3, s7;
	s7 =	simm.s32 @!p0 $0x108  }
0x21: {  	s3 =	sadd.s32 s3, s9;
	s6 =	sadd.s32 @!p0 $0x88, s6;
	s7 =	simm.s32 @p2 $0x1082  }
0x22: {  	[simem:s7], [sflag:s8] =	dma.local @!p0 [hbm:s6], $0xF7A  }
0x23: {  	s9 =	sor.u32 $0xD0000000, s2;
	s6 =	simm.s32 $0x108;
	_ =	swait.ge @!p0 [sflag:s8], $0x0  }
0x24: {  	s3 =	sadd.s32 $0x88, s3;
	s6 =	simm.s32 @!p1 $0x1082;
	[sflag:s4] =	ssyncset.s32 $0xFFFFF086  }
0x25: {  	[simem:s6], [sflag:s4] =	dma.local [hbm:s3], $0xF7A  }
0x26: {  	[smem:$0x3F91] =	sst s1;
	(tag) =	ssettag s2;
	_ =	strace s9  }
0x27: {  	s1 =	sld [smem:$0x3FA1]  }
0x28: {  	s2 =	sld [smem:$0x3FA2]  }
0x29: {  	s4 =	sld [smem:$0x3FA4]  }
0x2a: {  	p0 =	seq.s32 s5, $0x0;
	s5 =	sld [smem:$0x3FA5]  }
0x2b: {  	s6 =	sld [smem:$0x3FA6]  }
0x2c: {  	s7 =	sld [smem:$0x3FA7]  }
0x2d: {  	s3 =	simm.s32 $0x108;
	s8 =	sld [smem:$0x3FA8]  }
0x2e: {  	s3 =	simm.s32 @!p0 $0x1082;
	s9 =	sld [smem:$0x3FA9]  }
0x2f: {  	lr =	sadd.s32 s0, s3;
	s0 =	sld [smem:$0x3FA0]  }
0x30: {  	s3 =	sld [smem:$0x3FA3]  }
0x31: {  	[smem:$0x3FAC] =	sst s10  }
0x32: {  	s10 =	sld [smem:$0x3FAA];
	_ =	sdelay $0x3  }
0x33: {  	p0 =	seq.s32 s10, $0x1;
	s10 =	sld [smem:$0x3FAC];
	_ =	sdelay $0x3  }
0x34: {  	[smem:$0x3FAC] =	sst s10  }
0x35: {  	s10 =	sld [smem:$0x3FAB];
	_ =	sdelay $0x3  }
0x36: {  	p1 =	seq.s32 s10, $0x1;
	s10 =	sld [smem:$0x3FAC];
	_ =	sdelay $0x3  }
0x37: {  	[smem:$0x3FAC] =	sst s10  }
0x38: {  	s10 =	sld [smem:$0x3FAD]  }
0x39: {  	_ = 	snop;
	(pc) =	sbr.ind lr, $3  }
0x3a: {  	_ = 	snop  }
0x3b: {  	_ = 	snop  }
0x3c: {  	p2 =	seq.s32 s10, $0x1;
	s10 =	sld [smem:$0x3FAC]  }
0x3d: {  	_ =	shalt  }
0x3e: {  	_ =	shalt  }
0x3f: {  	_ =	shalt  }
0x40: {  	_ =	shalt  }
0x41: {  	_ =	shalt  }
0x42: {  	_ =	shalt  }
0x43: {  	_ =	shalt  }
0x44: {  	_ =	shalt  }
0x45: {  	_ =	shalt  }
0x46: {  	_ =	shalt  }
0x47: {  	_ =	shalt  }
0x48: {  	_ =	shalt  }
0x49: {  	_ =	shalt  }
0x4a: {  	_ =	shalt  }
0x4b: {  	_ =	shalt  }
0x4c: {  	_ =	shalt  }
0x4d: {  	_ =	shalt  }
0x4e: {  	_ =	shalt  }
0x4f: {  	_ =	shalt  }
0x50: {  	_ =	shalt  }
0x51: {  	_ =	shalt  }
0x52: {  	_ =	shalt  }
0x53: {  	_ =	shalt  }
0x54: {  	_ =	shalt  }
0x55: {  	_ =	shalt  }
0x56: {  	_ =	shalt  }
0x57: {  	_ =	shalt  }
0x58: {  	_ =	shalt  }
0x59: {  	_ =	shalt  }
0x5a: {  	_ =	shalt  }
0x5b: {  	_ =	shalt  }
0x5c: {  	_ =	shalt  }
0x5d: {  	_ =	shalt  }
0x5e: {  	_ =	shalt  }
0x5f: {  	_ =	shalt  }
0x60: {  	_ =	shalt  }
0x61: {  	_ =	shalt  }
0x62: {  	_ =	shalt  }
0x63: {  	_ =	shalt  }
0x64: {  	_ =	shalt  }
0x65: {  	_ =	shalt  }
0x66: {  	_ =	shalt  }
0x67: {  	_ =	shalt  }
0x68: {  	_ =	shalt  }
0x69: {  	_ =	shalt  }
0x6a: {  	_ =	shalt  }
0x6b: {  	_ =	shalt  }
0x6c: {  	_ =	shalt  }
0x6d: {  	_ =	shalt  }
0x6e: {  	_ =	shalt  }
0x6f: {  	_ =	shalt  }
0x70: {  	_ =	shalt  }
0x71: {  	_ =	shalt  }
0x72: {  	_ =	shalt  }
0x73: {  	_ =	shalt  }
0x74: {  	_ =	shalt  }
0x75: {  	_ =	shalt  }
0x76: {  	_ =	shalt  }
0x77: {  	_ =	shalt  }
0x78: {  	_ =	shalt  }
0x79: {  	_ =	shalt  }
0x7a: {  	_ =	shalt  }
0x7b: {  	_ =	shalt  }
0x7c: {  	_ =	shalt  }
0x7d: {  	_ =	shalt  }
0x7e: {  	_ =	shalt  }
0x7f: {  	_ =	shalt  }
0x80: {  	_ =	shalt  }
0x81: {  	_ =	shalt  }
0x82: {  	_ =	shalt  }
0x83: {  	_ =	shalt  }
0x84: {  	_ =	shalt  }
0x85: {  	_ =	shalt  }
0x86: {  	_ =	shalt  }
0x87: {  	_ =	shalt  }
.Lfunc_end0:
.L_simem_size_0:
called_computation.3_lowered:
.L_overlay_start_0:
0x88: {  	s2 =	sld [smem:$0x3FD9]  }
0x89: {  	s3 =	sld [smem:$0x3FFE];
	_ =	sdelay $0x1  }
0x8a: {  	s1 =	srdreg.scid  }
0x8b: {  	s0 =	sand.u32 $0x1, s1  }
0x8c: {  	s16 =	sshll.u32 s0, $0xA;
	s2 =	sadd.s32 s3, s2  }
0x8d: {  	s2 =	sadd.s32 s2, s16  }
0x8e: {  	[smem:$0x3FB8] =	sst s2  }
0x8f: {  	_ = 	snop  }
0x90: {  	(tm) =	ssettm $0x1  }
0x91: {  	s17 =	sld [smem:$0x3FFB];
	_ =	sdelay $0x3  }
0x92: {  	_ =	strace s17  }
0x93: {  	s2 =	sld [smem:$0x3FFC];
	_ =	sdelay $0x3  }
0x94: {  	_ =	strace s2  }
0x95: {  	s2 =	sld [smem:$0x3FFD];
	_ =	sdelay $0x3  }
0x96: {  	_ =	strace s2  }
0x97: {  	_ =	strace $0x8FFFFFFF  }
0x98: {  	s18 =	sld [smem:$0x3FDB];
	_ =	sdelay $0x1  }
0x99: {  	s19 =	simm.s32 $_scs_section_size  }
0x9a: {  	s4 =	simm.s32 $_size__tile_overlayer_lowered;
	s5 =	simm.s32 $_tile_overlayer_lowered  }
0x9b: {  	s22 =	simm.s32 $0x1BFF;
	s21 =	sshll.u32 s5, $0x1;
	s2 =	sadd.s32 s19, s18  }
0x9c: {  	s6 =	simm.s32 $0x0;
	s20 =	sshll.u32 s4, $0x1;
	s4 =	sadd.s32 s21, s2  }
0x9d: {  	[timem:s6], [sflag:s22] =	dma.local [hbm:s4], s20  }
0x9e: {  	_ =	swait.ge [sflag:s22], s20  }
0x9f: {  	s3 =	ssub.s32 $0x0, s20;
	[sflag:s22] =	ssyncset.done $0x0  }
0xa0: {  	[sflag:s22] =	ssyncadd.s32 s3;
	_ =	sdelay $0x1  }
0xa1: {  	s23 =	simm.s32 $0x1B8B  }
0xa2: {  	_ =	swait.ge [sflag:s23], $0x1  }
0xa3: {  	[sflag:s23] =	ssyncset.done $0x0  }
0xa4: {  	s25 =	simm.s32 $0x1B8E;
	s24 =	sld [smem:$0x3FFE];
	[sflag:s23] =	ssyncadd.s32 $0xFFFFFFFF  }
0xa5: {  	s26 =	simm.s32 $execute0_lowered;
	[smem:$0x3FD2] =	sst s25  }
0xa6: {  	s4 =	sshll.u32 s26, $0x1;
	_ =	strace $0x8000004F;
	[dreg:$0x1] =	wrdreg $0xFFFFFFFF  }
0xa7: {  	s28 =	simm.s32 $_size_execute0_lowered;
	s2 =	sadd.s32 s2, s4;
	[dreg:$0x0] =	wrdreg $0x0  }
0xa8: {  	s4 =	sshll.u32 s28, $0x1;
	[dreg:$0x2] =	wrdreg s2  }
0xa9: {  	[dreg:$0x3] =	wrdreg s4  }
0xaa: {  	[dreg:$0x4] =	wrdreg $0xC0  }
0xab: {  	_ =	task [dreg:s6], $0x5FFFF  }
0xac: {  	[dreg:$0x1] =	wrdreg $0xFFFFFFFF  }
0xad: {  	[dreg:$0x0] =	wrdreg $0x60  }
0xae: {  	[dreg:$0x2] =	wrdreg s24  }
0xaf: {  	[dreg:$0x3] =	wrdreg $0xA8000  }
0xb0: {  	[dreg:$0x4] =	wrdreg $0x9  }
0xb1: {  	_ =	task.clear_ibuf [dreg:s6], $0x5FFFF;
	_ =	strace $0x9000004F  }
0xb2: {  	s29 =	simm.s32 $0x9;
	_ =	strace $0x80000051  }
0xb3: {  	_ =	swait.ge [sflag:s29], $0x1  }
0xb4: {  	[sflag:s29] =	ssyncadd.s32 $0xFFFFFFFF  }
0xb5: {  	_ =	strace $0x90000051  }
0xb6: {  	_ =	sfence  }
0xb7: {  	s30 =	sld [smem:$0x0];
	_ =	sdelay $0x2  }
0xb8: {  	s31 =	sshll.u32 s1, $0xD;
	s1 =	sshrl.u32 s1, $0x2  }
0xb9: {  	s3 =	sand.u32 $0x4000, s31;
	s1 =	sadd.s32 s1, s30  }
0xba: {  	s0 =	sor.u32 s3, s0;
	s1 =	sshll.u32 s1, $0x11  }
0xbb: {  	s0 =	sor.u32 s1, s0  }
0xbc: {  	s0 =	sadd.s32 $0x8F2B, s0  }
0xbd: {  	[sflag:s0] =	ssyncadd.remote.s32 $0x1  }
0xbe: {  	_ =	sfence.sel $0xFFFF  }
0xbf: {  	[dreg:$0x0] =	wrdreg $0xFFFFFFFF;
	(pc) =	sbr.abs _section_cstart, $3  }
0xc0: {  	[dreg:$0x1] =	wrdreg $0xFFFFFFFF  }
0xc1: {  	_ =	task.clear_ibuf [dreg:s6], $0x2FFFF;
	_ =	strace $0x9FFFFFFF  }
0xc2: {  	(tm) =	ssettm $0x7FFFFFFF  }
0xc3: {  	_ =	shalt  }
tec
execute0_lowered:
.L_overlay_start_1:
0x0: {  	(tag) =	ssettag $0x1  }
0x1: {  	s0 =	srdreg.scid;
	s6 =	rddreg [dreg:$0x0]  }
0x2: {  	s2 =	rddreg [dreg:$0x1];
	s1 =	stileid.u32  }
0x3: {  	s3 =	simm.s32 $0x0;
	s13 =	simm.s32 $0x7D;
	s14 =	simm.s32 $0x2800  }
0x4: {  	s15 =	simm.s32 $0x3;
	s16 =	simm.s32 $0x6800;
	s17 =	simm.s32 $0x1  }
0x5: {  	s18 =	simm.s32 $0x2;
	s19 =	simm.s32 $0x1380;
	s20 =	simm.s32 $0x2700  }
0x6: {  	s21 =	simm.s32 $0x2780;
	s26 =	simm.s32 $0x0;
	s5 =	sand.u32 $0x1, s0  }
0x7: {  	[smem:$0x7FF] =	sst s3;
	s10 =	smul.u32 $0x50000, s1;
	s25 =	sshll.u32 s1, $0x6  }
0x8: {  	s24 =	smul.u32 $0x2800, s1;
	s4 =	sshll.u32 s5, $0x4;
	_ =	strace $0x80000050  }
0x9: {  	s8 =	smul.u32 $0x28000, s5;
	s29 =	ssub.s32 $0x2, s5;
	s5 =	sadd.s32 $0x3E600, s6  }
0xa: {  	s4 =	sor.u32 s1, s4;
	s30 =	sshrl.u32 s29, $0x1;
	s31 =	sshrl.u32 s10, $0x2  }
0xb: {  	s7 =	smul.u32 $0x500, s4;
	s4 =	sadd.s32 $0x17400, s6;
	s11 =	sadd.s32 s8, s6  }
0xc: {  	s12 =	ssub.s32 s29, s30;
	s10 =	sadd.s32 s31, s2;
	s23 =	sadd.s32 $0x40E00, s11  }
0xd: {  	s10 =	sshrl.u32 s10, $0x3;
	s11 =	simm.s32 $0x4;
	s9 =	sadd.s32 s7, s6  }
0xe: {  	s6 =	sor.u32 $0x1C03, s25;
	s23 =	sadd.s32 s24, s23;
	s25 =	sor.u32 $0x1C04, s25  }
0xf: {  	s7 =	sadd.s32 $0xD400, s9;
	s8 =	sadd.s32 $0x3400, s9;
	s9 =	smax.u32 s12, $0x1  }
0x10: {  	s12 =	simm.s32 $0x1400;
	s22 =	sadd.s32 $0x280, s7;
	s24 =	sadd.s32 $0x280, s8  }
.LBB2_1:
0x11: {  	[spmem:s10], [sflag:s6] =	dma.local [hbm:s5], $0x2800  }
0x12: {  	[tilespmem:s3], [sflag:$0x4] =	stream.linear.gather [hbm4b:s7+s3], $0x1400, $0x38;
	[tilespmem:$0x1E800] =	vst v63  }
0x13: {  	_ =	swait.ge [sflag:s11], $0x1400  }
0x14: {  	[sflag:s11] =	ssyncset.done $0x0  }
0x15: {  	[sflag:s11] =	ssyncadd.s32 $0xFFFFEC00  }
0x16: {  	[tilespmem:s12], [sflag:$0x4] =	stream.linear.gather [hbm4b:s8+s3], $0x1400, $0x38;
	[tilespmem:$0x1E800] =	vst v63  }
0x17: {  	_ =	swait.ge [sflag:s11], $0x1400  }
0x18: {  	[sflag:s11] =	ssyncset.done $0x0  }
0x19: {  	[sflag:s11] =	ssyncadd.s32 $0xFFFFEC00  }
0x1a: {  	[tilespmem:s14], [sflag:$0x1] =	stream.indirect.gather [hbm4b:s4+s13], $0x80, s3, s13, $0xb8;
	[tilespmem:$0x1E800] =	vst v63  }
0x1b: {  	_ =	swait.ge [sflag:s15], $0x2800  }
0x1c: {  	[sflag:s15] =	ssyncset.done $0x0  }
0x1d: {  	[sflag:s15] =	ssyncadd.s32 $0xFFFFD800  }
0x1e: {  	s28 =	simm.s32 $0x80;
	[bflag:$0x0] =	sbarrier.arrive $0xFFFF  }
0x1f: {  	[tilespmem:s16], [sflag:$0x2] =	stream.indirect.gather [hbm4b:s4+s13], $0x80, s28, s13, $0xb8;
	[tilespmem:$0x1E800] =	vst v63  }
0x20: {  	_ =	swait.ge [sflag:s17], $0x3E80  }
0x21: {  	[sflag:s17] =	ssyncset.done $0x0  }
0x22: {  	s28 =	simm.s32 $0x1400;
	[sflag:s17] =	ssyncadd.s32 $0xFFFFC180  }
0x23: {  	[spmem:s2] =	stream.indirect.scatter.add.f32 [tilespmem:s14], [sflag:$0x4], $0x80, s28, s13, $0xb8;
	[tilespmem:$0x1E800] =	vst v63  }
0x24: {  	_ =	swait.ge [sflag:s11], $0x3E80  }
0x25: {  	[sflag:s11] =	ssyncset.done $0x0  }
0x26: {  	s28 =	simm.s32 $0x100;
	[sflag:s11] =	ssyncadd.s32 $0xFFFFC180  }
0x27: {  	[tilespmem:s14], [sflag:$0x1] =	stream.indirect.gather [hbm4b:s4+s13], $0x80, s28, s13, $0xb8;
	[tilespmem:$0x1E800] =	vst v63  }
0x28: {  	_ =	swait.ge [sflag:s18], $0x3E80  }
0x29: {  	[sflag:s18] =	ssyncset.done $0x0  }
0x2a: {  	s28 =	simm.s32 $0x1480;
	[sflag:s18] =	ssyncadd.s32 $0xFFFFC180  }
0x2b: {  	[spmem:s2] =	stream.indirect.scatter.add.f32 [tilespmem:s16], [sflag:$0x4], $0x80, s28, s13, $0xb8;
	[tilespmem:$0x1E800] =	vst v63  }
0x2c: {  	_ =	swait.ge [sflag:s11], $0x3E80  }
0x2d: {  	s29 =	simm.s32 $0x800;
	s28 =	simm.s32 $0x100;
	[sflag:s11] =	ssyncset.done $0x0  }
.LBB2_2:
0x2e: {  	s30 =	sadd.s32 $0x80, s28  }
0x2f: {  	[sflag:s11] =	ssyncadd.s32 $0xFFFFC180;
	s31 =	smov.u32 s29;
	s0 =	sadd.s32 $0x400, s29  }
0x30: {  	[tilespmem:s16], [sflag:$0x2] =	stream.indirect.gather [hbm4b:s4+s13], $0x80, s30, s13, $0xb8;
	[tilespmem:$0x1E800] =	vst v63  }
0x31: {  	p0 =	sne.s32 s29, $0x4800;
	_ =	swait.ge [sflag:s17], $0x3E80  }
0x32: {  	[sflag:s17] =	ssyncset.done $0x0  }
0x33: {  	s29 =	sadd.s32 $0x1400, s28;
	[sflag:s17] =	ssyncadd.s32 $0xFFFFC180  }
0x34: {  	[spmem:s2] =	stream.indirect.scatter.add.f32 [tilespmem:s14], [sflag:$0x4], $0x80, s29, s13, $0xb8;
	[tilespmem:$0x1E800] =	vst v63  }
0x35: {  	_ =	swait.ge [sflag:s11], $0x3E80  }
0x36: {  	[sflag:s11] =	ssyncset.done $0x0  }
0x37: {  	s29 =	sadd.s32 $0x100, s28;
	[sflag:s11] =	ssyncadd.s32 $0xFFFFC180  }
0x38: {  	[tilespmem:s14], [sflag:$0x1] =	stream.indirect.gather [hbm4b:s4+s13], $0x80, s29, s13, $0xb8;
	[tilespmem:$0x1E800] =	vst v63  }
0x39: {  	_ =	swait.ge [sflag:s18], $0x3E80  }
.Ltmp0:
0x3a: {  	[sflag:s18] =	ssyncset.done $0x0;
	(pc) =	sbr.rel @p0 .LBB2_2-.Ltmp0, $4  }
0x3b: {  	s28 =	sadd.s32 $0x1480, s28;
	[sflag:s18] =	ssyncadd.s32 $0xFFFFC180  }
0x3c: {  	[spmem:s2] =	stream.indirect.scatter.add.f32 [tilespmem:s16], [sflag:$0x4], $0x80, s28, s13, $0xb8;
	[tilespmem:$0x1E800] =	vst v63  }
0x3d: {  	_ =	swait.ge [sflag:s11], $0x3E80  }
0x3e: {  	s29 =	smov.u32 s0;
	s28 =	sshra.s32 s31, $0x2;
	[sflag:s11] =	ssyncset.done $0x0  }
0x3f: {  	s0 =	sadd.s32 $0x80, s28;
	[sflag:s11] =	ssyncadd.s32 $0xFFFFC180  }
0x40: {  	[tilespmem:s16], [sflag:$0x2] =	stream.indirect.gather [hbm4b:s4+s13], $0x80, s0, s13, $0xb8;
	[tilespmem:$0x1E800] =	vst v63  }
0x41: {  	_ =	swait.ge [sflag:s17], $0x3E80  }
0x42: {  	[sflag:s17] =	ssyncset.done $0x0  }
0x43: {  	s30 =	sadd.s32 $0x1400, s28;
	[sflag:s17] =	ssyncadd.s32 $0xFFFFC180  }
0x44: {  	[spmem:s2] =	stream.indirect.scatter.add.f32 [tilespmem:s14], [sflag:$0x4], $0x80, s30, s13, $0xb8;
	[tilespmem:$0x1E800] =	vst v63  }
0x45: {  	_ =	swait.ge [sflag:s11], $0x3E80  }
0x46: {  	[sflag:s11] =	ssyncset.done $0x0  }
0x47: {  	s31 =	sadd.s32 $0x100, s28;
	[sflag:s11] =	ssyncadd.s32 $0xFFFFC180  }
0x48: {  	[tilespmem:s14], [sflag:$0x1] =	stream.indirect.gather [hbm4b:s4+s13], $0x80, s31, s13, $0xb8;
	[tilespmem:$0x1E800] =	vst v63  }
0x49: {  	_ =	swait.ge [sflag:s18], $0x3E80  }
0x4a: {  	[sflag:s18] =	ssyncset.done $0x0  }
0x4b: {  	s30 =	sadd.s32 $0x1480, s28;
	[sflag:s18] =	ssyncadd.s32 $0xFFFFC180  }
0x4c: {  	[spmem:s2] =	stream.indirect.scatter.add.f32 [tilespmem:s16], [sflag:$0x4], $0x80, s30, s13, $0xb8;
	[tilespmem:$0x1E800] =	vst v63  }
0x4d: {  	_ =	swait.ge [sflag:s11], $0x3E80  }
0x4e: {  	[sflag:s11] =	ssyncset.done $0x0  }
0x4f: {  	[sflag:s11] =	ssyncadd.s32 $0xFFFFC180  }
0x50: {  	[tilespmem:s16], [sflag:$0x2] =	stream.indirect.gather [hbm4b:s4+s13], $0x80, s19, s13, $0xb8;
	[tilespmem:$0x1E800] =	vst v63  }
0x51: {  	_ =	swait.ge [sflag:s17], $0x3E80  }
0x52: {  	[sflag:s17] =	ssyncset.done $0x0  }
0x53: {  	[sflag:s17] =	ssyncadd.s32 $0xFFFFC180  }
0x54: {  	[spmem:s2] =	stream.indirect.scatter.add.f32 [tilespmem:s14], [sflag:$0x4], $0x80, s20, s13, $0xb8;
	[tilespmem:$0x1E800] =	vst v63  }
0x55: {  	_ =	swait.ge [sflag:s11], $0x3E80  }
0x56: {  	[sflag:s11] =	ssyncset.done $0x0  }
0x57: {  	[sflag:s11] =	ssyncadd.s32 $0xFFFFC180  }
0x58: {  	_ =	swait.ge [sflag:s18], $0x3E80  }
0x59: {  	[sflag:s18] =	ssyncset.done $0x0  }
0x5a: {  	[sflag:s18] =	ssyncadd.s32 $0xFFFFC180  }
0x5b: {  	[spmem:s2] =	stream.indirect.scatter.add.f32 [tilespmem:s16], [sflag:$0x4], $0x80, s21, s13, $0xb8;
	[tilespmem:$0x1E800] =	vst v63  }
0x5c: {  	_ =	swait.ge [sflag:s11], $0x3E80  }
0x5d: {  	[sflag:s11] =	ssyncset.done $0x0  }
0x5e: {  	s31 =	simm.s32 $0x0;
	[sflag:s11] =	ssyncadd.s32 $0xFFFFC180  }
0x5f: {  	[tilespmem:s31], [sflag:$0x4] =	stream.linear.gather [hbm4b:s22+s31], $0x1400, $0x38;
	[tilespmem:$0x1E800] =	vst v63  }
0x60: {  	_ =	swait.ge [sflag:s11], $0x1400  }
0x61: {  	[sflag:s11] =	ssyncset.done $0x0  }
0x62: {  	[sflag:s11] =	ssyncadd.s32 $0xFFFFEC00  }
0x63: {  	[tilespmem:s12], [sflag:$0x4] =	stream.linear.gather [hbm4b:s24+s31], $0x1400, $0x38;
	[tilespmem:$0x1E800] =	vst v63  }
0x64: {  	_ =	swait.ge [sflag:s11], $0x1400  }
0x65: {  	[sflag:s11] =	ssyncset.done $0x0  }
0x66: {  	[sflag:s11] =	ssyncadd.s32 $0xFFFFEC00  }
0x67: {  	[tilespmem:s14], [sflag:$0x1] =	stream.indirect.gather [hbm4b:s4+s13], $0x80, s31, s13, $0xb8;
	[tilespmem:$0x1E800] =	vst v63  }
0x68: {  	s30 =	simm.s32 $0x80  }
0x69: {  	[tilespmem:s16], [sflag:$0x2] =	stream.indirect.gather [hbm4b:s4+s13], $0x80, s30, s13, $0xb8;
	[tilespmem:$0x1E800] =	vst v63  }
0x6a: {  	_ =	swait.ge [sflag:s17], $0x3E80  }
0x6b: {  	[sflag:s17] =	ssyncset.done $0x0  }
0x6c: {  	s31 =	simm.s32 $0x1400;
	[sflag:s17] =	ssyncadd.s32 $0xFFFFC180  }
0x6d: {  	[spmem:s2] =	stream.indirect.scatter.add.f32 [tilespmem:s14], [sflag:$0x4], $0x80, s31, s13, $0xb8;
	[tilespmem:$0x1E800] =	vst v63  }
0x6e: {  	_ =	swait.ge [sflag:s11], $0x3E80  }
0x6f: {  	[sflag:s11] =	ssyncset.done $0x0  }
0x70: {  	s30 =	simm.s32 $0x100;
	[sflag:s11] =	ssyncadd.s32 $0xFFFFC180  }
0x71: {  	[tilespmem:s14], [sflag:$0x1] =	stream.indirect.gather [hbm4b:s4+s13], $0x80, s30, s13, $0xb8;
	[tilespmem:$0x1E800] =	vst v63  }
0x72: {  	_ =	swait.ge [sflag:s18], $0x3E80  }
0x73: {  	[sflag:s18] =	ssyncset.done $0x0  }
0x74: {  	s31 =	simm.s32 $0x1480;
	[sflag:s18] =	ssyncadd.s32 $0xFFFFC180  }
0x75: {  	[spmem:s2] =	stream.indirect.scatter.add.f32 [tilespmem:s16], [sflag:$0x4], $0x80, s31, s13, $0xb8;
	[tilespmem:$0x1E800] =	vst v63  }
0x76: {  	_ =	swait.ge [sflag:s11], $0x3E80  }
0x77: {  	s29 =	simm.s32 $0x800;
	s28 =	simm.s32 $0x100;
	[sflag:s11] =	ssyncset.done $0x0  }
.LBB2_4:
0x78: {  	s0 =	sadd.s32 $0x80, s28  }
0x79: {  	[sflag:s11] =	ssyncadd.s32 $0xFFFFC180;
	s30 =	smov.u32 s29;
	s31 =	sadd.s32 $0x400, s29  }
0x7a: {  	[tilespmem:s16], [sflag:$0x2] =	stream.indirect.gather [hbm4b:s4+s13], $0x80, s0, s13, $0xb8;
	[tilespmem:$0x1E800] =	vst v63  }
0x7b: {  	p0 =	sne.s32 s29, $0x4800;
	_ =	swait.ge [sflag:s17], $0x3E80  }
0x7c: {  	[sflag:s17] =	ssyncset.done $0x0  }
0x7d: {  	s0 =	sadd.s32 $0x1400, s28;
	[sflag:s17] =	ssyncadd.s32 $0xFFFFC180  }
0x7e: {  	[spmem:s2] =	stream.indirect.scatter.add.f32 [tilespmem:s14], [sflag:$0x4], $0x80, s0, s13, $0xb8;
	[tilespmem:$0x1E800] =	vst v63  }
0x7f: {  	_ =	swait.ge [sflag:s11], $0x3E80  }
0x80: {  	[sflag:s11] =	ssyncset.done $0x0  }
0x81: {  	s0 =	sadd.s32 $0x100, s28;
	[sflag:s11] =	ssyncadd.s32 $0xFFFFC180  }
0x82: {  	[tilespmem:s14], [sflag:$0x1] =	stream.indirect.gather [hbm4b:s4+s13], $0x80, s0, s13, $0xb8;
	[tilespmem:$0x1E800] =	vst v63  }
0x83: {  	_ =	swait.ge [sflag:s18], $0x3E80  }
.Ltmp1:
0x84: {  	[sflag:s18] =	ssyncset.done $0x0;
	(pc) =	sbr.rel @p0 .LBB2_4-.Ltmp1, $4  }
0x85: {  	s0 =	sadd.s32 $0x1480, s28;
	[sflag:s18] =	ssyncadd.s32 $0xFFFFC180  }
0x86: {  	[spmem:s2] =	stream.indirect.scatter.add.f32 [tilespmem:s16], [sflag:$0x4], $0x80, s0, s13, $0xb8;
	[tilespmem:$0x1E800] =	vst v63  }
0x87: {  	_ =	swait.ge [sflag:s11], $0x3E80  }
0x88: {  	s29 =	smov.u32 s31;
	s28 =	sshra.s32 s30, $0x2;
	[sflag:s11] =	ssyncset.done $0x0  }
0x89: {  	s0 =	sadd.s32 $0x80, s28;
	[sflag:s11] =	ssyncadd.s32 $0xFFFFC180  }
0x8a: {  	[tilespmem:s16], [sflag:$0x2] =	stream.indirect.gather [hbm4b:s4+s13], $0x80, s0, s13, $0xb8;
	[tilespmem:$0x1E800] =	vst v63  }
0x8b: {  	_ =	swait.ge [sflag:s17], $0x3E80  }
0x8c: {  	[sflag:s17] =	ssyncset.done $0x0  }
0x8d: {  	s29 =	sadd.s32 $0x1400, s28;
	[sflag:s17] =	ssyncadd.s32 $0xFFFFC180  }
0x8e: {  	[spmem:s2] =	stream.indirect.scatter.add.f32 [tilespmem:s14], [sflag:$0x4], $0x80, s29, s13, $0xb8;
	[tilespmem:$0x1E800] =	vst v63  }
0x8f: {  	_ =	swait.ge [sflag:s11], $0x3E80  }
0x90: {  	[sflag:s11] =	ssyncset.done $0x0  }
0x91: {  	s30 =	sadd.s32 $0x100, s28;
	[sflag:s11] =	ssyncadd.s32 $0xFFFFC180  }
0x92: {  	[tilespmem:s14], [sflag:$0x1] =	stream.indirect.gather [hbm4b:s4+s13], $0x80, s30, s13, $0xb8;
	[tilespmem:$0x1E800] =	vst v63  }
0x93: {  	_ =	swait.ge [sflag:s18], $0x3E80  }
0x94: {  	[sflag:s18] =	ssyncset.done $0x0  }
0x95: {  	s31 =	sadd.s32 $0x1480, s28;
	[sflag:s18] =	ssyncadd.s32 $0xFFFFC180  }
0x96: {  	[spmem:s2] =	stream.indirect.scatter.add.f32 [tilespmem:s16], [sflag:$0x4], $0x80, s31, s13, $0xb8;
	[tilespmem:$0x1E800] =	vst v63  }
0x97: {  	_ =	swait.ge [sflag:s11], $0x3E80  }
0x98: {  	[sflag:s11] =	ssyncset.done $0x0  }
0x99: {  	[sflag:s11] =	ssyncadd.s32 $0xFFFFC180  }
0x9a: {  	[tilespmem:s16], [sflag:$0x2] =	stream.indirect.gather [hbm4b:s4+s13], $0x80, s19, s13, $0xb8;
	[tilespmem:$0x1E800] =	vst v63  }
0x9b: {  	_ =	swait.ge [sflag:s17], $0x3E80  }
0x9c: {  	[sflag:s17] =	ssyncset.done $0x0  }
0x9d: {  	[sflag:s17] =	ssyncadd.s32 $0xFFFFC180  }
0x9e: {  	[spmem:s2] =	stream.indirect.scatter.add.f32 [tilespmem:s14], [sflag:$0x4], $0x80, s20, s13, $0xb8;
	[tilespmem:$0x1E800] =	vst v63  }
0x9f: {  	_ =	swait.ge [sflag:s11], $0x3E80  }
0xa0: {  	[sflag:s11] =	ssyncset.done $0x0  }
0xa1: {  	[sflag:s11] =	ssyncadd.s32 $0xFFFFC180  }
0xa2: {  	_ =	swait.ge [sflag:s18], $0x3E80  }
0xa3: {  	[sflag:s18] =	ssyncset.done $0x0  }
0xa4: {  	[sflag:s18] =	ssyncadd.s32 $0xFFFFC180  }
0xa5: {  	[spmem:s2] =	stream.indirect.scatter.add.f32 [tilespmem:s16], [sflag:$0x4], $0x80, s21, s13, $0xb8;
	[tilespmem:$0x1E800] =	vst v63  }
0xa6: {  	_ =	swait.ge [sflag:s11], $0x3E80  }
0xa7: {  	s26 =	sadd.s32 $0x1, s26;
	[sflag:s11] =	ssyncset.done $0x0  }
0xa8: {  	p0 =	sne.s32 s26, s9;
	[sflag:s11] =	ssyncadd.s32 $0xFFFFC180  }
.Ltmp2:
0xa9: {  	[bflag:$0x0] =	sbarrier.arrive $0xFFFF;
	(pc) =	sbr.rel @p0 .LBB2_1-.Ltmp2, $4  }
0xaa: {  	[hbm:s23], [sflag:s25] =	dma.local [spmem:s10], $0x2800  }
0xab: {  	_ =	swait.ge [sflag:s11], $0x2800  }
0xac: {  	[sflag:s11] =	ssyncset.done $0x0  }
0xad: {  	[sflag:s11] =	ssyncadd.s32 $0xFFFFD800  }
0xae: {  	_ =	sfence.sel $0x180000  }
0xaf: {  	[bflag:$0x0] =	sbarrier.arrive $0xFFFF  }
0xb0: {  	_ =	strace $0x90000050  }
0xb1: {  	[bflag:$0x2] =	sbarrier.arrive $0xFFFF  }
0xb2: {  	p0 =	sne.s32 s1, $0x0;
	s0 =	rddreg [dreg:$0x2]  }
0xb3: {  	s0 =	sadd.s32 @!p0 $0x100000, s0  }
0xb4: {  	[sflag:s0] =	ssyncadd.tile.s32 @!p0 $0x1;
	_ =	shalt  }
.Lfunc_end2:
_tile_overlayer_lowered:
.L_overlay_start_2:
0xb5: {  	(tag) =	ssettag $0x2  }
0xb6: {  	s0 =	rddreg [dreg:$0x0];
	s2 =	stileid.u32  }
0xb7: {  	s1 =	rddreg [dreg:$0x1];
	p0 =	sne.s32 s2, $0x0  }
0xb8: {  	s3 =	rddreg [dreg:$0x2];
	[bflag:$0x3] =	sbarrier.arrive $0xFFFF;
	s2 =	simm.s32 @!p0 $0x1C04  }
0xb9: {  	[timem:s3], [sflag:s2] =	dma.local @!p0 [hbm:s0], s1  }
0xba: {  	s0 =	simm.s32 @!p0 $0x4  }
0xbb: {  	_ =	swait.ge @!p0 [sflag:s0], s1  }
0xbc: {  	s1 =	ssub.s32 @!p0 $0x0, s1;
	[sflag:s0] =	ssyncset.done @!p0 $0x0  }
0xbd: {  	[sflag:s0] =	ssyncadd.s32 @!p0 s1  }
0xbe: {  	[bflag:$0x3] =	sbarrier.arrive $0xFFFF  }
0xbf: {  	_ =	shalt  }

</sc_bundles>
